<compile_context>
chip_gen: v7x
topology: tpu7x:2x2x1
jax: 0.10.2.dev20260603
libtpu: 0.0.44.dev20260713+nightly
codegen_flags: <defaults>
</compile_context>

<pallas_src>
import jax
import jax.numpy as jnp
from jax import lax
from jax.experimental import pallas as pl
from jax.experimental.pallas import tpu as pltpu
from jax.experimental.pallas import tpu_sc as plsc

N = 10000
E = 320000
NSUB = 16
NCORE = 2
NW = NCORE * NSUB
CH = 128
NCH = 80
NHALF = 2
HNCH = NCH // NHALF
HPAIR = HNCH // 2
EPAD = NW * NCH * CH
NPAD = 10112
STR = NPAD // NSUB
D = 128
F32 = jnp.float32


def _make_sc_agg(with_cnt):
    if with_cnt:
        outs = (jax.ShapeDtypeStruct((NCORE, NPAD, D), F32),
                jax.ShapeDtypeStruct((NCORE, NPAD, D), F32))
    else:
        outs = jax.ShapeDtypeStruct((NCORE, NPAD, D), F32)
    scratch = [
        pltpu.VMEM((HNCH, CH), jnp.int32),
        pltpu.VMEM((HNCH, CH), jnp.int32),
        pltpu.VMEM((CH, D), F32),
        pltpu.VMEM((CH, D), F32),
        pltpu.SemaphoreType.DMA,
        pltpu.SemaphoreType.DMA,
        pltpu.VMEM_SHARED((NPAD, D), F32),
    ]
    mesh = plsc.VectorSubcoreMesh(core_axis_name="c", subcore_axis_name="s",
                                  num_cores=NCORE, num_subcores=NSUB)

    def body(*refs):
        if with_cnt:
            (tab, srcr, dstr, zrows, ones_hbm, out, cnt_out,
             src_v, dst_v, r_a, r_b, sem_a, sem_b, agg_sh) = refs
        else:
            (tab, srcr, dstr, zrows, out,
             src_v, dst_v, r_a, r_b, sem_a, sem_b, agg_sh) = refs
        c = lax.axis_index("c")
        s = lax.axis_index("s")
        w = c * NSUB + s

        pltpu.sync_copy(zrows, agg_sh.at[pl.ds(s * STR, STR)])

        if with_cnt:
            pltpu.sync_copy(ones_hbm, r_a)
            plsc.subcore_barrier()
            for half in range(NHALF):
                pltpu.sync_copy(dstr.at[w, half], dst_v)

                def cstep(j, carry):
                    pltpu.sync_copy(r_a, agg_sh.at[dst_v.at[j]], add=True)
                    return carry

                lax.fori_loop(0, HNCH, cstep, 0)
            plsc.subcore_barrier()
            pltpu.sync_copy(agg_sh.at[pl.ds(s * STR, STR)],
                            cnt_out.at[c, pl.ds(s * STR, STR)])
            pltpu.sync_copy(zrows, agg_sh.at[pl.ds(s * STR, STR)])
        plsc.subcore_barrier()

        for half in range(NHALF):
            pltpu.sync_copy(srcr.at[w, half], src_v)
            pltpu.sync_copy(dstr.at[w, half], dst_v)
            pltpu.async_copy(tab.at[src_v.at[0]], r_a, sem_a)
            pltpu.async_copy(tab.at[src_v.at[1]], r_b, sem_b)

            def step(p, carry):
                j = 2 * p
                pltpu.make_async_copy(tab.at[src_v.at[0]], r_a, sem_a).wait()
                pltpu.sync_copy(r_a, agg_sh.at[dst_v.at[j]], add=True)

                @pl.when(p + 1 < HPAIR)
                def _():
                    pltpu.async_copy(tab.at[src_v.at[j + 2]], r_a, sem_a)

                pltpu.make_async_copy(tab.at[src_v.at[1]], r_b, sem_b).wait()
                pltpu.sync_copy(r_b, agg_sh.at[dst_v.at[j + 1]], add=True)

                @pl.when(p + 1 < HPAIR)
                def _():
                    pltpu.async_copy(tab.at[src_v.at[j + 3]], r_b, sem_b)

                return carry

            lax.fori_loop(0, HPAIR, step, 0)
        plsc.subcore_barrier()
        pltpu.sync_copy(agg_sh.at[pl.ds(s * STR, STR)],
                        out.at[c, pl.ds(s * STR, STR)])

    return pl.kernel(body, out_type=outs, mesh=mesh,
                     scratch_types=scratch)


_sc_cache = {}


def _sc_agg(with_cnt=False):
    if with_cnt not in _sc_cache:
        _sc_cache[with_cnt] = _make_sc_agg(with_cnt)
    return _sc_cache[with_cnt]


BLK = 2000
GRID = N // BLK


def _mm(a, b):
    return lax.dot_general(a, b, (((1,), (0,)), ((), ())),
                           precision=lax.Precision.HIGHEST,
                           preferred_element_type=F32)


def _row_spec(d):
    return pl.BlockSpec((BLK, d), lambda i: (i, 0))


def _full_spec(r, d):
    return pl.BlockSpec((r, d), lambda i: (0, 0))


def _a1_body(x_ref, wl_ref, wr_ref, xl_ref, xr_ref):
    xl_ref[...] = _mm(x_ref[...], wl_ref[...])
    xr_ref[...] = _mm(x_ref[...], wr_ref[...])


_a1 = pl.pallas_call(
    _a1_body,
    grid=(GRID,),
    in_specs=[_row_spec(128), _full_spec(128, 128), _full_spec(128, 128)],
    out_specs=[_row_spec(128), _row_spec(128)],
    out_shape=[jax.ShapeDtypeStruct((N, 128), F32),
               jax.ShapeDtypeStruct((N, 128), F32)],
)


def _make_mid(emit_xl, dnr):

    def body(*refs):
        if emit_xl:
            (a0, a1, c0, c1, xr, b, g, be, mu, var, wl, wr,
             s_ref, xl_ref, xrn_ref) = refs
        else:
            (a0, a1, c0, c1, xr, b, g, be, mu, var, wr,
             s_ref, xrn_ref) = refs
        agg = a0[...] + a1[...]
        cnt = (c0[...] + c1[...])[:, :1]
        inv = 1.0 / jnp.maximum(cnt, 1.0)
        h = agg * inv + xr[...] + b[...]
        scale = g[...] * lax.rsqrt(var[...] + 1e-5)
        h = (h - mu[...]) * scale + be[...]
        s_out = jnp.maximum(h, 0.0)
        s_ref[...] = s_out
        if emit_xl:
            xl_ref[...] = _mm(s_out, wl[...])
        xrn_ref[...] = _mm(s_out, wr[...])

    in_specs = [_row_spec(128), _row_spec(128), _row_spec(8), _row_spec(8),
                _row_spec(128),
                _full_spec(1, 128), _full_spec(1, 128), _full_spec(1, 128),
                _full_spec(1, 128), _full_spec(1, 128)]
    out_specs = [_row_spec(128)]
    out_shape = [jax.ShapeDtypeStruct((N, 128), F32)]
    if emit_xl:
        in_specs.append(_full_spec(128, 128))
        out_specs.append(_row_spec(128))
        out_shape.append(jax.ShapeDtypeStruct((N, 128), F32))
    in_specs.append(_full_spec(128, dnr))
    out_specs.append(_row_spec(dnr))
    out_shape.append(jax.ShapeDtypeStruct((N, dnr), F32))

    return pl.pallas_call(body, grid=(GRID,), in_specs=in_specs,
                          out_specs=out_specs, out_shape=out_shape)


_mid2 = _make_mid(True, 128)
_mid3 = _make_mid(False, 64)


def _a4_body(a0, a1, c0, c1, xr, b, wl, z_ref, y_ref):
    agg = a0[...] + a1[...]
    cnt = (c0[...] + c1[...])[:, :1]
    inv = 1.0 / jnp.maximum(cnt, 1.0)
    z = _mm(agg * inv, wl[...]) + xr[...] + b[...]
    z_ref[...] = z
    m = jnp.max(z, axis=1, keepdims=True)
    e = jnp.exp(z - m)
    lse = jnp.log(jnp.sum(e, axis=1, keepdims=True)) + m
    y_ref[...] = z - lse


_a4 = pl.pallas_call(
    _a4_body,
    grid=(GRID,),
    in_specs=[_row_spec(128), _row_spec(128), _row_spec(8), _row_spec(8),
              _row_spec(64), _full_spec(1, 64), _full_spec(128, 64)],
    out_specs=[_row_spec(64), _row_spec(64)],
    out_shape=[jax.ShapeDtypeStruct((N, 64), F32),
               jax.ShapeDtypeStruct((N, 64), F32)],
)


def kernel(x, edge_index, W1_l, b1, W1_r, W2_l, b2, W2_r, W3_l, b3, W3_r,
           bn1_gamma, bn1_beta, bn1_mean, bn1_var,
           bn2_gamma, bn2_beta, bn2_mean, bn2_var):
    src = edge_index[0]
    dst = edge_index[1]
    pad = EPAD - E
    pad_src = (jnp.arange(pad, dtype=jnp.int32) * 37) % N
    pad_dst = N + (jnp.arange(pad, dtype=jnp.int32) % (NPAD - N))
    srcp = jnp.concatenate([src, pad_src])
    dstp = jnp.concatenate([dst, pad_dst])
    srcp = srcp.reshape(NW, NHALF, HNCH, CH)
    dstp = dstp.reshape(NW, NHALF, HNCH, CH)
    zrows = jnp.zeros((STR, D), F32)
    ones128 = jnp.ones((CH, D), F32)

    xl1, xr1 = _a1(x, W1_l.T, W1_r.T)
    aa, cc = _sc_agg(True)(xl1, srcp, dstp, zrows, ones128)
    c8 = cc[:, :, :8]
    c0, c1 = c8[0], c8[1]
    a0, a1 = aa[0], aa[1]
    S1, xl2, xr2 = _mid2(a0, a1, c0, c1, xr1, b1[None],
                         bn1_gamma[None], bn1_beta[None],
                         bn1_mean[None], bn1_var[None],
                         W2_l.T, W2_r.T)
    aa = _sc_agg()(xl2, srcp, dstp, zrows)
    a0, a1 = aa[0], aa[1]
    S2, xr3 = _mid3(a0, a1, c0, c1, xr2, b2[None],
                    bn2_gamma[None], bn2_beta[None],
                    bn2_mean[None], bn2_var[None],
                    W3_r.T)
    aa = _sc_agg()(S2, srcp, dstp, zrows)
    z, y_pred = _a4(aa[0], aa[1], c0, c1, xr3, b3[None], W3_l.T)
    return (z, y_pred, S1, S2)

# --- scband reference (transcript-rebuilt; emitter-appended) ---
"""Pipeline reference for scband-sage-48730698940921 (READ-ONLY COPY).

The authoritative reference and input builder live on the scoring server;
editing this copy changes nothing except your own understanding.
"""

import jax, jax.numpy as jnp
import numpy as np

N = 10000
E = 320000
D_IN = 128
D_HID = 128
D_OUT = 64


def sage_conv(x, edge_index, W_l, b_l, W_r):
    # PyG SAGEConv (mean aggr): out = lin_l(mean_{j in N(i)} x_j) + lin_r(x_i)
    src = edge_index[0]
    dst = edge_index[1]
    msgs = jnp.take(x, src, axis=0)
    agg = jax.ops.segment_sum(msgs, dst, num_segments=x.shape[0])
    cnt = jax.ops.segment_sum(jnp.ones((msgs.shape[0],), dtype=x.dtype), dst, num_segments=x.shape[0])
    mean = agg / jnp.clip(cnt, 1.0, None)[:, None]
    return mean @ W_l.T + b_l + x @ W_r.T


def batch_norm_eval(h, gamma, beta, mean, var, eps=1e-5):
    return (h - mean) / jnp.sqrt(var + eps) * gamma + beta


def setup_inputs(seed: int = 0):
    key = jax.random.key(seed)
    ks = jax.random.split(key, 8)
    x = jax.random.normal(ks[0], (N, D_IN), dtype=jnp.float32)
    edge_index = jax.random.randint(ks[1], (2, E), 0, N, dtype=jnp.int32)

    def glorot(k, shape):
        fan_in = shape[1]
        return jax.random.uniform(k, shape, jnp.float32, -1.0, 1.0) / jnp.sqrt(float(fan_in))

    W1_l = glorot(ks[2], (D_HID, D_IN))
    W1_r = glorot(jax.random.fold_in(ks[2], 1), (D_HID, D_IN))
    b1 = jnp.zeros((D_HID,), jnp.float32)
    W2_l = glorot(ks[3], (D_HID, D_HID))
    W2_r = glorot(jax.random.fold_in(ks[3], 1), (D_HID, D_HID))
    b2 = jnp.zeros((D_HID,), jnp.float32)
    W3_l = glorot(ks[4], (D_OUT, D_HID))
    W3_r = glorot(jax.random.fold_in(ks[4], 1), (D_OUT, D_HID))
    b3 = jnp.zeros((D_OUT,), jnp.float32)
    bn1_gamma = jnp.ones((D_HID,), jnp.float32)
    bn1_beta = jnp.zeros((D_HID,), jnp.float32)
    bn1_mean = jnp.zeros((D_HID,), jnp.float32)
    bn1_var = jnp.ones((D_HID,), jnp.float32)
    bn2_gamma = jnp.ones((D_HID,), jnp.float32)
    bn2_beta = jnp.zeros((D_HID,), jnp.float32)
    bn2_mean = jnp.zeros((D_HID,), jnp.float32)
    bn2_var = jnp.ones((D_HID,), jnp.float32)
    return {
        "x": x, "edge_index": edge_index,
        "W1_l": W1_l, "b1": b1, "W1_r": W1_r,
        "W2_l": W2_l, "b2": b2, "W2_r": W2_r,
        "W3_l": W3_l, "b3": b3, "W3_r": W3_r,
        "bn1_gamma": bn1_gamma, "bn1_beta": bn1_beta, "bn1_mean": bn1_mean, "bn1_var": bn1_var,
        "bn2_gamma": bn2_gamma, "bn2_beta": bn2_beta, "bn2_mean": bn2_mean, "bn2_var": bn2_var,
    }


def reference(x, edge_index, W1_l, b1, W1_r, W2_l, b2, W2_r, W3_l, b3, W3_r,
              bn1_gamma, bn1_beta, bn1_mean, bn1_var,
              bn2_gamma, bn2_beta, bn2_mean, bn2_var):
    # Eval-mode semantics: dropout is identity, AWGN noise not added, T_i = S_i.
    h = sage_conv(x, edge_index, W1_l, b1, W1_r)
    h = batch_norm_eval(h, bn1_gamma, bn1_beta, bn1_mean, bn1_var)
    S1 = jax.nn.relu(h)
    T1 = S1
    h = sage_conv(T1, edge_index, W2_l, b2, W2_r)
    h = batch_norm_eval(h, bn2_gamma, bn2_beta, bn2_mean, bn2_var)
    S2 = jax.nn.relu(h)
    T2 = S2
    z = sage_conv(T2, edge_index, W3_l, b3, W3_r)
    y_pred = jax.nn.log_softmax(z, axis=-1)
    return (z, y_pred, S1, S2)

if __name__ == "__main__":
    import jax
    _d = setup_inputs()
    print(jax.jit(kernel)(*tuple(_d.values())))

</pallas_src>

<mosaic_0001>
#map = affine_map<(d0, d1) -> (0, 0)>
#map1 = affine_map<(d0, d1) -> (0, 0, 0, 0)>
#map2 = affine_map<(d0, d1) -> (0, 0, 0)>
module attributes {stable_mosaic.version = 14 : i64} {
  func.func @body(%arg0: i32, %arg1: i32, %arg2: memref<10000x128xf32, #tpu.memory_space<hbm>>, %arg3: memref<32x2x40x128xi32, #tpu.memory_space<hbm>>, %arg4: memref<32x2x40x128xi32, #tpu.memory_space<hbm>>, %arg5: memref<632x128xf32, #tpu.memory_space<hbm>>, %arg6: memref<2x10112x128xf32, #tpu.memory_space<hbm>>, %arg7: memref<40x128xi32, #tpu.memory_space<vmem>>, %arg8: memref<40x128xi32, #tpu.memory_space<vmem>>, %arg9: memref<128x128xf32, #tpu.memory_space<vmem>>, %arg10: memref<128x128xf32, #tpu.memory_space<vmem>>, %arg11: memref<!tpu.dma_semaphore, #tpu.memory_space<semaphore_mem>>, %arg12: memref<!tpu.dma_semaphore, #tpu.memory_space<semaphore_mem>>, %arg13: memref<10112x128xf32, #tpu.memory_space<vmem_shared>>) attributes {dimension_semantics = [#tpu.dimension_semantics<core_parallel>, #tpu.dimension_semantics<subcore_parallel>], iteration_bounds = array<i64: 2, 16>, scalar_prefetch = 0 : i64, scratch_operands = 7 : i64, tpu.core_type = #tpu.core_type<sc_vector_subcore>, window_params = [{transform_indices = #map}, {transform_indices = #map1}, {transform_indices = #map1}, {transform_indices = #map}, {transform_indices = #map2}]} {
    %mul3A = arith.constant 16 : i32
    %mul3A_0 = arith.muli %arg0, %mul3A : i32
    %add3A = arith.addi %mul3A_0, %arg1 : i32
    %mul3A_1 = arith.constant 632 : i32
    %mul3A_2 = arith.muli %arg1, %mul3A_1 : i32
    "tpu.region"() ({
      %run_scoped3A_49 = tpu.sem_alloc : memref<!tpu.dma_semaphore, #tpu.memory_space<semaphore_mem>>
      %dma_start3A_50 = arith.constant 0 : i32
      %dma_start3A_51 = tpu.memref_slice %arg13[%mul3A_2, %dma_start3A_50] : memref<10112x128xf32, #tpu.memory_space<vmem_shared>> -> memref<632x128xf32, #tpu.memory_space<vmem_shared>>
      tpu.enqueue_dma source(%arg5 : memref<632x128xf32, #tpu.memory_space<hbm>>) target(%dma_start3A_51 : memref<632x128xf32, #tpu.memory_space<vmem_shared>>) target_semaphore(%run_scoped3A_49 : memref<!tpu.dma_semaphore, #tpu.memory_space<semaphore_mem>>)
      %dma_wait3A = arith.constant 0 : i32
      %dma_wait3A_52 = tpu.memref_slice %arg13[%mul3A_2, %dma_wait3A] : memref<10112x128xf32, #tpu.memory_space<vmem_shared>> -> memref<632x128xf32, #tpu.memory_space<vmem_shared>>
      tpu.wait_dma2 semaphore(%run_scoped3A_49 : memref<!tpu.dma_semaphore, #tpu.memory_space<semaphore_mem>>) src(%arg5 : memref<632x128xf32, #tpu.memory_space<hbm>>) dst(%dma_wait3A_52 : memref<632x128xf32, #tpu.memory_space<vmem_shared>>)
      tpu.yield
    }) : () -> ()
    %barrier3A = arith.constant 0 : index
    tpu.barrier barrier_id(%barrier3A)
    %run_scoped3A = arith.constant 0 : i32
    "tpu.region"() ({
      %run_scoped3A_49 = tpu.sem_alloc : memref<!tpu.dma_semaphore, #tpu.memory_space<semaphore_mem>>
      %dma_start3A_50 = arith.constant 0 : i32
      %dma_start3A_51 = arith.constant 0 : i32
      %dma_start3A_52 = tpu.memref_slice %arg3[%add3A, %run_scoped3A, %dma_start3A_50, %dma_start3A_51] : memref<32x2x40x128xi32, #tpu.memory_space<hbm>> -> memref<1x1x40x128xi32, #tpu.memory_space<hbm>>
      %dma_start3A_53 = tpu.memref_squeeze %dma_start3A_52 : memref<1x1x40x128xi32, #tpu.memory_space<hbm>> -> memref<40x128xi32, #tpu.memory_space<hbm>>
      %dma_start3A_54 = arith.constant 0 : i32
      %dma_start3A_55 = arith.constant 0 : i32
      %dma_start3A_56 = tpu.memref_slice %arg3[%add3A, %run_scoped3A, %dma_start3A_54, %dma_start3A_55] : memref<32x2x40x128xi32, #tpu.memory_space<hbm>> -> memref<1x1x40x128xi32, #tpu.memory_space<hbm>>
      %dma_start3A_57 = tpu.memref_squeeze %dma_start3A_56 : memref<1x1x40x128xi32, #tpu.memory_space<hbm>> -> memref<40x128xi32, #tpu.memory_space<hbm>>
      tpu.enqueue_dma source(%dma_start3A_57 : memref<40x128xi32, #tpu.memory_space<hbm>>) target(%arg7 : memref<40x128xi32, #tpu.memory_space<vmem>>) target_semaphore(%run_scoped3A_49 : memref<!tpu.dma_semaphore, #tpu.memory_space<semaphore_mem>>)
      %dma_wait3A = arith.constant 0 : i32
      %dma_wait3A_58 = arith.constant 0 : i32
      %dma_wait3A_59 = tpu.memref_slice %arg3[%add3A, %run_scoped3A, %dma_wait3A, %dma_wait3A_58] : memref<32x2x40x128xi32, #tpu.memory_space<hbm>> -> memref<1x1x40x128xi32, #tpu.memory_space<hbm>>
      %dma_wait3A_60 = tpu.memref_squeeze %dma_wait3A_59 : memref<1x1x40x128xi32, #tpu.memory_space<hbm>> -> memref<40x128xi32, #tpu.memory_space<hbm>>
      %dma_wait3A_61 = arith.constant 0 : i32
      %dma_wait3A_62 = arith.constant 0 : i32
      %dma_wait3A_63 = tpu.memref_slice %arg3[%add3A, %run_scoped3A, %dma_wait3A_61, %dma_wait3A_62] : memref<32x2x40x128xi32, #tpu.memory_space<hbm>> -> memref<1x1x40x128xi32, #tpu.memory_space<hbm>>
      %dma_wait3A_64 = tpu.memref_squeeze %dma_wait3A_63 : memref<1x1x40x128xi32, #tpu.memory_space<hbm>> -> memref<40x128xi32, #tpu.memory_space<hbm>>
      tpu.wait_dma2 semaphore(%run_scoped3A_49 : memref<!tpu.dma_semaphore, #tpu.memory_space<semaphore_mem>>) src(%dma_wait3A_64 : memref<40x128xi32, #tpu.memory_space<hbm>>) dst(%arg7 : memref<40x128xi32, #tpu.memory_space<vmem>>)
      tpu.yield
    }) : () -> ()
    %run_scoped3A_3 = arith.constant 0 : i32
    "tpu.region"() ({
      %run_scoped3A_49 = tpu.sem_alloc : memref<!tpu.dma_semaphore, #tpu.memory_space<semaphore_mem>>
      %dma_start3A_50 = arith.constant 0 : i32
      %dma_start3A_51 = arith.constant 0 : i32
      %dma_start3A_52 = tpu.memref_slice %arg4[%add3A, %run_scoped3A_3, %dma_start3A_50, %dma_start3A_51] : memref<32x2x40x128xi32, #tpu.memory_space<hbm>> -> memref<1x1x40x128xi32, #tpu.memory_space<hbm>>
      %dma_start3A_53 = tpu.memref_squeeze %dma_start3A_52 : memref<1x1x40x128xi32, #tpu.memory_space<hbm>> -> memref<40x128xi32, #tpu.memory_space<hbm>>
      %dma_start3A_54 = arith.constant 0 : i32
      %dma_start3A_55 = arith.constant 0 : i32
      %dma_start3A_56 = tpu.memref_slice %arg4[%add3A, %run_scoped3A_3, %dma_start3A_54, %dma_start3A_55] : memref<32x2x40x128xi32, #tpu.memory_space<hbm>> -> memref<1x1x40x128xi32, #tpu.memory_space<hbm>>
      %dma_start3A_57 = tpu.memref_squeeze %dma_start3A_56 : memref<1x1x40x128xi32, #tpu.memory_space<hbm>> -> memref<40x128xi32, #tpu.memory_space<hbm>>
      tpu.enqueue_dma source(%dma_start3A_57 : memref<40x128xi32, #tpu.memory_space<hbm>>) target(%arg8 : memref<40x128xi32, #tpu.memory_space<vmem>>) target_semaphore(%run_scoped3A_49 : memref<!tpu.dma_semaphore, #tpu.memory_space<semaphore_mem>>)
      %dma_wait3A = arith.constant 0 : i32
      %dma_wait3A_58 = arith.constant 0 : i32
      %dma_wait3A_59 = tpu.memref_slice %arg4[%add3A, %run_scoped3A_3, %dma_wait3A, %dma_wait3A_58] : memref<32x2x40x128xi32, #tpu.memory_space<hbm>> -> memref<1x1x40x128xi32, #tpu.memory_space<hbm>>
      %dma_wait3A_60 = tpu.memref_squeeze %dma_wait3A_59 : memref<1x1x40x128xi32, #tpu.memory_space<hbm>> -> memref<40x128xi32, #tpu.memory_space<hbm>>
      %dma_wait3A_61 = arith.constant 0 : i32
      %dma_wait3A_62 = arith.constant 0 : i32
      %dma_wait3A_63 = tpu.memref_slice %arg4[%add3A, %run_scoped3A_3, %dma_wait3A_61, %dma_wait3A_62] : memref<32x2x40x128xi32, #tpu.memory_space<hbm>> -> memref<1x1x40x128xi32, #tpu.memory_space<hbm>>
      %dma_wait3A_64 = tpu.memref_squeeze %dma_wait3A_63 : memref<1x1x40x128xi32, #tpu.memory_space<hbm>> -> memref<40x128xi32, #tpu.memory_space<hbm>>
      tpu.wait_dma2 semaphore(%run_scoped3A_49 : memref<!tpu.dma_semaphore, #tpu.memory_space<semaphore_mem>>) src(%dma_wait3A_64 : memref<40x128xi32, #tpu.memory_space<hbm>>) dst(%arg8 : memref<40x128xi32, #tpu.memory_space<vmem>>)
      tpu.yield
    }) : () -> ()
    %dma_start3A = arith.constant 0 : i32
    %dma_start3A_4 = arith.constant 0 : i32
    %dma_start3A_5 = tpu.memref_slice %arg7[%dma_start3A, %dma_start3A_4] : memref<40x128xi32, #tpu.memory_space<vmem>> -> memref<1x128xi32, #tpu.memory_space<vmem>>
    %dma_start3A_6 = tpu.memref_squeeze %dma_start3A_5 : memref<1x128xi32, #tpu.memory_space<vmem>> -> memref<128xi32, #tpu.memory_space<vmem>>
    %dma_start3A_7 = arith.constant 0 : i32
    %dma_start3A_8 = arith.constant 0 : i32
    %dma_start3A_9 = tpu.memref_slice %arg2[%dma_start3A_7, %dma_start3A_8] : memref<10000x128xf32, #tpu.memory_space<hbm>> -> memref<10000x128xf32, #tpu.memory_space<hbm>>
    tpu.enqueue_indirect_dma source(%dma_start3A_9 : memref<10000x128xf32, #tpu.memory_space<hbm>>) target(%arg9 : memref<128x128xf32, #tpu.memory_space<vmem>>) offsets(%dma_start3A_6 : memref<128xi32, #tpu.memory_space<vmem>>) semaphore(%arg11 : memref<!tpu.dma_semaphore, #tpu.memory_space<semaphore_mem>>)
    %dma_start3A_10 = arith.constant 1 : i32
    %dma_start3A_11 = arith.constant 0 : i32
    %dma_start3A_12 = tpu.memref_slice %arg7[%dma_start3A_10, %dma_start3A_11] : memref<40x128xi32, #tpu.memory_space<vmem>> -> memref<1x128xi32, #tpu.memory_space<vmem>>
    %dma_start3A_13 = tpu.memref_squeeze %dma_start3A_12 : memref<1x128xi32, #tpu.memory_space<vmem>> -> memref<128xi32, #tpu.memory_space<vmem>>
    %dma_start3A_14 = arith.constant 0 : i32
    %dma_start3A_15 = arith.constant 0 : i32
    %dma_start3A_16 = tpu.memref_slice %arg2[%dma_start3A_14, %dma_start3A_15] : memref<10000x128xf32, #tpu.memory_space<hbm>> -> memref<10000x128xf32, #tpu.memory_space<hbm>>
    tpu.enqueue_indirect_dma source(%dma_start3A_16 : memref<10000x128xf32, #tpu.memory_space<hbm>>) target(%arg10 : memref<128x128xf32, #tpu.memory_space<vmem>>) offsets(%dma_start3A_13 : memref<128xi32, #tpu.memory_space<vmem>>) semaphore(%arg12 : memref<!tpu.dma_semaphore, #tpu.memory_space<semaphore_mem>>)
    %scan3A = arith.constant 0 : i32
    %scan3A_17 = arith.constant 0 : i32
    %scan3A_18 = arith.constant 20 : i32
    %scan3A_19 = arith.addi %scan3A_17, %scan3A_18 : i32
    %scan3A_20 = arith.constant 1 : i32
    scf.for %scan3A_49 = %scan3A_17 to %scan3A_19 step %scan3A_20  : i32 {
      %mul3A_50 = arith.constant 2 : i32
      %mul3A_51 = arith.muli %mul3A_50, %scan3A_49 : i32
      %dma_wait3A = arith.constant 0 : i32
      %dma_wait3A_52 = arith.constant 0 : i32
      %dma_wait3A_53 = tpu.memref_slice %arg7[%dma_wait3A, %dma_wait3A_52] : memref<40x128xi32, #tpu.memory_space<vmem>> -> memref<1x128xi32, #tpu.memory_space<vmem>>
      %dma_wait3A_54 = tpu.memref_squeeze %dma_wait3A_53 : memref<1x128xi32, #tpu.memory_space<vmem>> -> memref<128xi32, #tpu.memory_space<vmem>>
      %dma_wait3A_55 = arith.constant 0 : i32
      %dma_wait3A_56 = arith.constant 0 : i32
      %dma_wait3A_57 = tpu.memref_slice %arg2[%dma_wait3A_55, %dma_wait3A_56] : memref<10000x128xf32, #tpu.memory_space<hbm>> -> memref<10000x128xf32, #tpu.memory_space<hbm>>
      tpu.wait_indirect_dma semaphore(%arg11 : memref<!tpu.dma_semaphore, #tpu.memory_space<semaphore_mem>>) src(%dma_wait3A_57 : memref<10000x128xf32, #tpu.memory_space<hbm>>) dst(%arg9 : memref<128x128xf32, #tpu.memory_space<vmem>>)
      "tpu.region"() ({
        %run_scoped3A_78 = tpu.sem_alloc : memref<!tpu.dma_semaphore, #tpu.memory_space<semaphore_mem>>
        %dma_start3A_79 = arith.constant 0 : i32
        %dma_start3A_80 = tpu.memref_slice %arg8[%mul3A_51, %dma_start3A_79] : memref<40x128xi32, #tpu.memory_space<vmem>> -> memref<1x128xi32, #tpu.memory_space<vmem>>
        %dma_start3A_81 = tpu.memref_squeeze %dma_start3A_80 : memref<1x128xi32, #tpu.memory_space<vmem>> -> memref<128xi32, #tpu.memory_space<vmem>>
        %dma_start3A_82 = arith.constant 0 : i32
        %dma_start3A_83 = arith.constant 0 : i32
        %dma_start3A_84 = tpu.memref_slice %arg13[%dma_start3A_82, %dma_start3A_83] : memref<10112x128xf32, #tpu.memory_space<vmem_shared>> -> memref<10112x128xf32, #tpu.memory_space<vmem_shared>>
        tpu.enqueue_indirect_dma source(%arg9 : memref<128x128xf32, #tpu.memory_space<vmem>>) target(%dma_start3A_84 : memref<10112x128xf32, #tpu.memory_space<vmem_shared>>) offsets(%dma_start3A_81 : memref<128xi32, #tpu.memory_space<vmem>>) semaphore(%run_scoped3A_78 : memref<!tpu.dma_semaphore, #tpu.memory_space<semaphore_mem>>) {add = true}
        %dma_wait3A_85 = arith.constant 0 : i32
        %dma_wait3A_86 = tpu.memref_slice %arg8[%mul3A_51, %dma_wait3A_85] : memref<40x128xi32, #tpu.memory_space<vmem>> -> memref<1x128xi32, #tpu.memory_space<vmem>>
        %dma_wait3A_87 = tpu.memref_squeeze %dma_wait3A_86 : memref<1x128xi32, #tpu.memory_space<vmem>> -> memref<128xi32, #tpu.memory_space<vmem>>
        %dma_wait3A_88 = arith.constant 0 : i32
        %dma_wait3A_89 = arith.constant 0 : i32
        %dma_wait3A_90 = tpu.memref_slice %arg13[%dma_wait3A_88, %dma_wait3A_89] : memref<10112x128xf32, #tpu.memory_space<vmem_shared>> -> memref<10112x128xf32, #tpu.memory_space<vmem_shared>>
        tpu.wait_indirect_dma semaphore(%run_scoped3A_78 : memref<!tpu.dma_semaphore, #tpu.memory_space<semaphore_mem>>) src(%arg9 : memref<128x128xf32, #tpu.memory_space<vmem>>) dst(%dma_wait3A_90 : memref<10112x128xf32, #tpu.memory_space<vmem_shared>>)
        tpu.yield
      }) : () -> ()
      %add3A_58 = arith.constant 1 : i32
      %add3A_59 = arith.addi %scan3A_49, %add3A_58 : i32
      %lt3A = arith.constant 20 : i32
      %lt3A_60 = arith.cmpi slt, %add3A_59, %lt3A : i32
      %convert_element_type3A = arith.extui %lt3A_60 : i1 to i32
      %cond3A = arith.constant 0 : i32
      %cond3A_61 = arith.cmpi ne, %convert_element_type3A, %cond3A : i32
      scf.if %cond3A_61 {
        %add3A_78 = arith.constant 2 : i32
        %add3A_79 = arith.addi %mul3A_51, %add3A_78 : i32
        %dma_start3A_80 = arith.constant 0 : i32
        %dma_start3A_81 = tpu.memref_slice %arg7[%add3A_79, %dma_start3A_80] : memref<40x128xi32, #tpu.memory_space<vmem>> -> memref<1x128xi32, #tpu.memory_space<vmem>>
        %dma_start3A_82 = tpu.memref_squeeze %dma_start3A_81 : memref<1x128xi32, #tpu.memory_space<vmem>> -> memref<128xi32, #tpu.memory_space<vmem>>
        %dma_start3A_83 = arith.constant 0 : i32
        %dma_start3A_84 = arith.constant 0 : i32
        %dma_start3A_85 = tpu.memref_slice %arg2[%dma_start3A_83, %dma_start3A_84] : memref<10000x128xf32, #tpu.memory_space<hbm>> -> memref<10000x128xf32, #tpu.memory_space<hbm>>
        tpu.enqueue_indirect_dma source(%dma_start3A_85 : memref<10000x128xf32, #tpu.memory_space<hbm>>) target(%arg9 : memref<128x128xf32, #tpu.memory_space<vmem>>) offsets(%dma_start3A_82 : memref<128xi32, #tpu.memory_space<vmem>>) semaphore(%arg11 : memref<!tpu.dma_semaphore, #tpu.memory_space<semaphore_mem>>)
      } else {
      }
      %dma_wait3A_62 = arith.constant 1 : i32
      %dma_wait3A_63 = arith.constant 0 : i32
      %dma_wait3A_64 = tpu.memref_slice %arg7[%dma_wait3A_62, %dma_wait3A_63] : memref<40x128xi32, #tpu.memory_space<vmem>> -> memref<1x128xi32, #tpu.memory_space<vmem>>
      %dma_wait3A_65 = tpu.memref_squeeze %dma_wait3A_64 : memref<1x128xi32, #tpu.memory_space<vmem>> -> memref<128xi32, #tpu.memory_space<vmem>>
      %dma_wait3A_66 = arith.constant 0 : i32
      %dma_wait3A_67 = arith.constant 0 : i32
      %dma_wait3A_68 = tpu.memref_slice %arg2[%dma_wait3A_66, %dma_wait3A_67] : memref<10000x128xf32, #tpu.memory_space<hbm>> -> memref<10000x128xf32, #tpu.memory_space<hbm>>
      tpu.wait_indirect_dma semaphore(%arg12 : memref<!tpu.dma_semaphore, #tpu.memory_space<semaphore_mem>>) src(%dma_wait3A_68 : memref<10000x128xf32, #tpu.memory_space<hbm>>) dst(%arg10 : memref<128x128xf32, #tpu.memory_space<vmem>>)
      %add3A_69 = arith.constant 1 : i32
      %add3A_70 = arith.addi %mul3A_51, %add3A_69 : i32
      "tpu.region"() ({
        %run_scoped3A_78 = tpu.sem_alloc : memref<!tpu.dma_semaphore, #tpu.memory_space<semaphore_mem>>
        %dma_start3A_79 = arith.constant 0 : i32
        %dma_start3A_80 = tpu.memref_slice %arg8[%add3A_70, %dma_start3A_79] : memref<40x128xi32, #tpu.memory_space<vmem>> -> memref<1x128xi32, #tpu.memory_space<vmem>>
        %dma_start3A_81 = tpu.memref_squeeze %dma_start3A_80 : memref<1x128xi32, #tpu.memory_space<vmem>> -> memref<128xi32, #tpu.memory_space<vmem>>
        %dma_start3A_82 = arith.constant 0 : i32
        %dma_start3A_83 = arith.constant 0 : i32
        %dma_start3A_84 = tpu.memref_slice %arg13[%dma_start3A_82, %dma_start3A_83] : memref<10112x128xf32, #tpu.memory_space<vmem_shared>> -> memref<10112x128xf32, #tpu.memory_space<vmem_shared>>
        tpu.enqueue_indirect_dma source(%arg10 : memref<128x128xf32, #tpu.memory_space<vmem>>) target(%dma_start3A_84 : memref<10112x128xf32, #tpu.memory_space<vmem_shared>>) offsets(%dma_start3A_81 : memref<128xi32, #tpu.memory_space<vmem>>) semaphore(%run_scoped3A_78 : memref<!tpu.dma_semaphore, #tpu.memory_space<semaphore_mem>>) {add = true}
        %dma_wait3A_85 = arith.constant 0 : i32
        %dma_wait3A_86 = tpu.memref_slice %arg8[%add3A_70, %dma_wait3A_85] : memref<40x128xi32, #tpu.memory_space<vmem>> -> memref<1x128xi32, #tpu.memory_space<vmem>>
        %dma_wait3A_87 = tpu.memref_squeeze %dma_wait3A_86 : memref<1x128xi32, #tpu.memory_space<vmem>> -> memref<128xi32, #tpu.memory_space<vmem>>
        %dma_wait3A_88 = arith.constant 0 : i32
        %dma_wait3A_89 = arith.constant 0 : i32
        %dma_wait3A_90 = tpu.memref_slice %arg13[%dma_wait3A_88, %dma_wait3A_89] : memref<10112x128xf32, #tpu.memory_space<vmem_shared>> -> memref<10112x128xf32, #tpu.memory_space<vmem_shared>>
        tpu.wait_indirect_dma semaphore(%run_scoped3A_78 : memref<!tpu.dma_semaphore, #tpu.memory_space<semaphore_mem>>) src(%arg10 : memref<128x128xf32, #tpu.memory_space<vmem>>) dst(%dma_wait3A_90 : memref<10112x128xf32, #tpu.memory_space<vmem_shared>>)
        tpu.yield
      }) : () -> ()
      %add3A_71 = arith.constant 1 : i32
      %add3A_72 = arith.addi %scan3A_49, %add3A_71 : i32
      %lt3A_73 = arith.constant 20 : i32
      %lt3A_74 = arith.cmpi slt, %add3A_72, %lt3A_73 : i32
      %convert_element_type3A_75 = arith.extui %lt3A_74 : i1 to i32
      %cond3A_76 = arith.constant 0 : i32
      %cond3A_77 = arith.cmpi ne, %convert_element_type3A_75, %cond3A_76 : i32
      scf.if %cond3A_77 {
        %add3A_78 = arith.constant 3 : i32
        %add3A_79 = arith.addi %mul3A_51, %add3A_78 : i32
        %dma_start3A_80 = arith.constant 0 : i32
        %dma_start3A_81 = tpu.memref_slice %arg7[%add3A_79, %dma_start3A_80] : memref<40x128xi32, #tpu.memory_space<vmem>> -> memref<1x128xi32, #tpu.memory_space<vmem>>
        %dma_start3A_82 = tpu.memref_squeeze %dma_start3A_81 : memref<1x128xi32, #tpu.memory_space<vmem>> -> memref<128xi32, #tpu.memory_space<vmem>>
        %dma_start3A_83 = arith.constant 0 : i32
        %dma_start3A_84 = arith.constant 0 : i32
        %dma_start3A_85 = tpu.memref_slice %arg2[%dma_start3A_83, %dma_start3A_84] : memref<10000x128xf32, #tpu.memory_space<hbm>> -> memref<10000x128xf32, #tpu.memory_space<hbm>>
        tpu.enqueue_indirect_dma source(%dma_start3A_85 : memref<10000x128xf32, #tpu.memory_space<hbm>>) target(%arg10 : memref<128x128xf32, #tpu.memory_space<vmem>>) offsets(%dma_start3A_82 : memref<128xi32, #tpu.memory_space<vmem>>) semaphore(%arg12 : memref<!tpu.dma_semaphore, #tpu.memory_space<semaphore_mem>>)
      } else {
      }
    }
    %scan3A_21 = arith.constant 20 : i32
    %run_scoped3A_22 = arith.constant 1 : i32
    "tpu.region"() ({
      %run_scoped3A_49 = tpu.sem_alloc : memref<!tpu.dma_semaphore, #tpu.memory_space<semaphore_mem>>
      %dma_start3A_50 = arith.constant 0 : i32
      %dma_start3A_51 = arith.constant 0 : i32
      %dma_start3A_52 = tpu.memref_slice %arg3[%add3A, %run_scoped3A_22, %dma_start3A_50, %dma_start3A_51] : memref<32x2x40x128xi32, #tpu.memory_space<hbm>> -> memref<1x1x40x128xi32, #tpu.memory_space<hbm>>
      %dma_start3A_53 = tpu.memref_squeeze %dma_start3A_52 : memref<1x1x40x128xi32, #tpu.memory_space<hbm>> -> memref<40x128xi32, #tpu.memory_space<hbm>>
      %dma_start3A_54 = arith.constant 0 : i32
      %dma_start3A_55 = arith.constant 0 : i32
      %dma_start3A_56 = tpu.memref_slice %arg3[%add3A, %run_scoped3A_22, %dma_start3A_54, %dma_start3A_55] : memref<32x2x40x128xi32, #tpu.memory_space<hbm>> -> memref<1x1x40x128xi32, #tpu.memory_space<hbm>>
      %dma_start3A_57 = tpu.memref_squeeze %dma_start3A_56 : memref<1x1x40x128xi32, #tpu.memory_space<hbm>> -> memref<40x128xi32, #tpu.memory_space<hbm>>
      tpu.enqueue_dma source(%dma_start3A_57 : memref<40x128xi32, #tpu.memory_space<hbm>>) target(%arg7 : memref<40x128xi32, #tpu.memory_space<vmem>>) target_semaphore(%run_scoped3A_49 : memref<!tpu.dma_semaphore, #tpu.memory_space<semaphore_mem>>)
      %dma_wait3A = arith.constant 0 : i32
      %dma_wait3A_58 = arith.constant 0 : i32
      %dma_wait3A_59 = tpu.memref_slice %arg3[%add3A, %run_scoped3A_22, %dma_wait3A, %dma_wait3A_58] : memref<32x2x40x128xi32, #tpu.memory_space<hbm>> -> memref<1x1x40x128xi32, #tpu.memory_space<hbm>>
      %dma_wait3A_60 = tpu.memref_squeeze %dma_wait3A_59 : memref<1x1x40x128xi32, #tpu.memory_space<hbm>> -> memref<40x128xi32, #tpu.memory_space<hbm>>
      %dma_wait3A_61 = arith.constant 0 : i32
      %dma_wait3A_62 = arith.constant 0 : i32
      %dma_wait3A_63 = tpu.memref_slice %arg3[%add3A, %run_scoped3A_22, %dma_wait3A_61, %dma_wait3A_62] : memref<32x2x40x128xi32, #tpu.memory_space<hbm>> -> memref<1x1x40x128xi32, #tpu.memory_space<hbm>>
      %dma_wait3A_64 = tpu.memref_squeeze %dma_wait3A_63 : memref<1x1x40x128xi32, #tpu.memory_space<hbm>> -> memref<40x128xi32, #tpu.memory_space<hbm>>
      tpu.wait_dma2 semaphore(%run_scoped3A_49 : memref<!tpu.dma_semaphore, #tpu.memory_space<semaphore_mem>>) src(%dma_wait3A_64 : memref<40x128xi32, #tpu.memory_space<hbm>>) dst(%arg7 : memref<40x128xi32, #tpu.memory_space<vmem>>)
      tpu.yield
    }) : () -> ()
    %run_scoped3A_23 = arith.constant 1 : i32
    "tpu.region"() ({
      %run_scoped3A_49 = tpu.sem_alloc : memref<!tpu.dma_semaphore, #tpu.memory_space<semaphore_mem>>
      %dma_start3A_50 = arith.constant 0 : i32
      %dma_start3A_51 = arith.constant 0 : i32
      %dma_start3A_52 = tpu.memref_slice %arg4[%add3A, %run_scoped3A_23, %dma_start3A_50, %dma_start3A_51] : memref<32x2x40x128xi32, #tpu.memory_space<hbm>> -> memref<1x1x40x128xi32, #tpu.memory_space<hbm>>
      %dma_start3A_53 = tpu.memref_squeeze %dma_start3A_52 : memref<1x1x40x128xi32, #tpu.memory_space<hbm>> -> memref<40x128xi32, #tpu.memory_space<hbm>>
      %dma_start3A_54 = arith.constant 0 : i32
      %dma_start3A_55 = arith.constant 0 : i32
      %dma_start3A_56 = tpu.memref_slice %arg4[%add3A, %run_scoped3A_23, %dma_start3A_54, %dma_start3A_55] : memref<32x2x40x128xi32, #tpu.memory_space<hbm>> -> memref<1x1x40x128xi32, #tpu.memory_space<hbm>>
      %dma_start3A_57 = tpu.memref_squeeze %dma_start3A_56 : memref<1x1x40x128xi32, #tpu.memory_space<hbm>> -> memref<40x128xi32, #tpu.memory_space<hbm>>
      tpu.enqueue_dma source(%dma_start3A_57 : memref<40x128xi32, #tpu.memory_space<hbm>>) target(%arg8 : memref<40x128xi32, #tpu.memory_space<vmem>>) target_semaphore(%run_scoped3A_49 : memref<!tpu.dma_semaphore, #tpu.memory_space<semaphore_mem>>)
      %dma_wait3A = arith.constant 0 : i32
      %dma_wait3A_58 = arith.constant 0 : i32
      %dma_wait3A_59 = tpu.memref_slice %arg4[%add3A, %run_scoped3A_23, %dma_wait3A, %dma_wait3A_58] : memref<32x2x40x128xi32, #tpu.memory_space<hbm>> -> memref<1x1x40x128xi32, #tpu.memory_space<hbm>>
      %dma_wait3A_60 = tpu.memref_squeeze %dma_wait3A_59 : memref<1x1x40x128xi32, #tpu.memory_space<hbm>> -> memref<40x128xi32, #tpu.memory_space<hbm>>
      %dma_wait3A_61 = arith.constant 0 : i32
      %dma_wait3A_62 = arith.constant 0 : i32
      %dma_wait3A_63 = tpu.memref_slice %arg4[%add3A, %run_scoped3A_23, %dma_wait3A_61, %dma_wait3A_62] : memref<32x2x40x128xi32, #tpu.memory_space<hbm>> -> memref<1x1x40x128xi32, #tpu.memory_space<hbm>>
      %dma_wait3A_64 = tpu.memref_squeeze %dma_wait3A_63 : memref<1x1x40x128xi32, #tpu.memory_space<hbm>> -> memref<40x128xi32, #tpu.memory_space<hbm>>
      tpu.wait_dma2 semaphore(%run_scoped3A_49 : memref<!tpu.dma_semaphore, #tpu.memory_space<semaphore_mem>>) src(%dma_wait3A_64 : memref<40x128xi32, #tpu.memory_space<hbm>>) dst(%arg8 : memref<40x128xi32, #tpu.memory_space<vmem>>)
      tpu.yield
    }) : () -> ()
    %dma_start3A_24 = arith.constant 0 : i32
    %dma_start3A_25 = arith.constant 0 : i32
    %dma_start3A_26 = tpu.memref_slice %arg7[%dma_start3A_24, %dma_start3A_25] : memref<40x128xi32, #tpu.memory_space<vmem>> -> memref<1x128xi32, #tpu.memory_space<vmem>>
    %dma_start3A_27 = tpu.memref_squeeze %dma_start3A_26 : memref<1x128xi32, #tpu.memory_space<vmem>> -> memref<128xi32, #tpu.memory_space<vmem>>
    %dma_start3A_28 = arith.constant 0 : i32
    %dma_start3A_29 = arith.constant 0 : i32
    %dma_start3A_30 = tpu.memref_slice %arg2[%dma_start3A_28, %dma_start3A_29] : memref<10000x128xf32, #tpu.memory_space<hbm>> -> memref<10000x128xf32, #tpu.memory_space<hbm>>
    tpu.enqueue_indirect_dma source(%dma_start3A_30 : memref<10000x128xf32, #tpu.memory_space<hbm>>) target(%arg9 : memref<128x128xf32, #tpu.memory_space<vmem>>) offsets(%dma_start3A_27 : memref<128xi32, #tpu.memory_space<vmem>>) semaphore(%arg11 : memref<!tpu.dma_semaphore, #tpu.memory_space<semaphore_mem>>)
    %dma_start3A_31 = arith.constant 1 : i32
    %dma_start3A_32 = arith.constant 0 : i32
    %dma_start3A_33 = tpu.memref_slice %arg7[%dma_start3A_31, %dma_start3A_32] : memref<40x128xi32, #tpu.memory_space<vmem>> -> memref<1x128xi32, #tpu.memory_space<vmem>>
    %dma_start3A_34 = tpu.memref_squeeze %dma_start3A_33 : memref<1x128xi32, #tpu.memory_space<vmem>> -> memref<128xi32, #tpu.memory_space<vmem>>
    %dma_start3A_35 = arith.constant 0 : i32
    %dma_start3A_36 = arith.constant 0 : i32
    %dma_start3A_37 = tpu.memref_slice %arg2[%dma_start3A_35, %dma_start3A_36] : memref<10000x128xf32, #tpu.memory_space<hbm>> -> memref<10000x128xf32, #tpu.memory_space<hbm>>
    tpu.enqueue_indirect_dma source(%dma_start3A_37 : memref<10000x128xf32, #tpu.memory_space<hbm>>) target(%arg10 : memref<128x128xf32, #tpu.memory_space<vmem>>) offsets(%dma_start3A_34 : memref<128xi32, #tpu.memory_space<vmem>>) semaphore(%arg12 : memref<!tpu.dma_semaphore, #tpu.memory_space<semaphore_mem>>)
    %scan3A_38 = arith.constant 0 : i32
    %scan3A_39 = arith.constant 0 : i32
    %scan3A_40 = arith.constant 20 : i32
    %scan3A_41 = arith.addi %scan3A_39, %scan3A_40 : i32
    %scan3A_42 = arith.constant 1 : i32
    scf.for %scan3A_49 = %scan3A_39 to %scan3A_41 step %scan3A_42  : i32 {
      %mul3A_50 = arith.constant 2 : i32
      %mul3A_51 = arith.muli %mul3A_50, %scan3A_49 : i32
      %dma_wait3A = arith.constant 0 : i32
      %dma_wait3A_52 = arith.constant 0 : i32
      %dma_wait3A_53 = tpu.memref_slice %arg7[%dma_wait3A, %dma_wait3A_52] : memref<40x128xi32, #tpu.memory_space<vmem>> -> memref<1x128xi32, #tpu.memory_space<vmem>>
      %dma_wait3A_54 = tpu.memref_squeeze %dma_wait3A_53 : memref<1x128xi32, #tpu.memory_space<vmem>> -> memref<128xi32, #tpu.memory_space<vmem>>
      %dma_wait3A_55 = arith.constant 0 : i32
      %dma_wait3A_56 = arith.constant 0 : i32
      %dma_wait3A_57 = tpu.memref_slice %arg2[%dma_wait3A_55, %dma_wait3A_56] : memref<10000x128xf32, #tpu.memory_space<hbm>> -> memref<10000x128xf32, #tpu.memory_space<hbm>>
      tpu.wait_indirect_dma semaphore(%arg11 : memref<!tpu.dma_semaphore, #tpu.memory_space<semaphore_mem>>) src(%dma_wait3A_57 : memref<10000x128xf32, #tpu.memory_space<hbm>>) dst(%arg9 : memref<128x128xf32, #tpu.memory_space<vmem>>)
      "tpu.region"() ({
        %run_scoped3A_78 = tpu.sem_alloc : memref<!tpu.dma_semaphore, #tpu.memory_space<semaphore_mem>>
        %dma_start3A_79 = arith.constant 0 : i32
        %dma_start3A_80 = tpu.memref_slice %arg8[%mul3A_51, %dma_start3A_79] : memref<40x128xi32, #tpu.memory_space<vmem>> -> memref<1x128xi32, #tpu.memory_space<vmem>>
        %dma_start3A_81 = tpu.memref_squeeze %dma_start3A_80 : memref<1x128xi32, #tpu.memory_space<vmem>> -> memref<128xi32, #tpu.memory_space<vmem>>
        %dma_start3A_82 = arith.constant 0 : i32
        %dma_start3A_83 = arith.constant 0 : i32
        %dma_start3A_84 = tpu.memref_slice %arg13[%dma_start3A_82, %dma_start3A_83] : memref<10112x128xf32, #tpu.memory_space<vmem_shared>> -> memref<10112x128xf32, #tpu.memory_space<vmem_shared>>
        tpu.enqueue_indirect_dma source(%arg9 : memref<128x128xf32, #tpu.memory_space<vmem>>) target(%dma_start3A_84 : memref<10112x128xf32, #tpu.memory_space<vmem_shared>>) offsets(%dma_start3A_81 : memref<128xi32, #tpu.memory_space<vmem>>) semaphore(%run_scoped3A_78 : memref<!tpu.dma_semaphore, #tpu.memory_space<semaphore_mem>>) {add = true}
        %dma_wait3A_85 = arith.constant 0 : i32
        %dma_wait3A_86 = tpu.memref_slice %arg8[%mul3A_51, %dma_wait3A_85] : memref<40x128xi32, #tpu.memory_space<vmem>> -> memref<1x128xi32, #tpu.memory_space<vmem>>
        %dma_wait3A_87 = tpu.memref_squeeze %dma_wait3A_86 : memref<1x128xi32, #tpu.memory_space<vmem>> -> memref<128xi32, #tpu.memory_space<vmem>>
        %dma_wait3A_88 = arith.constant 0 : i32
        %dma_wait3A_89 = arith.constant 0 : i32
        %dma_wait3A_90 = tpu.memref_slice %arg13[%dma_wait3A_88, %dma_wait3A_89] : memref<10112x128xf32, #tpu.memory_space<vmem_shared>> -> memref<10112x128xf32, #tpu.memory_space<vmem_shared>>
        tpu.wait_indirect_dma semaphore(%run_scoped3A_78 : memref<!tpu.dma_semaphore, #tpu.memory_space<semaphore_mem>>) src(%arg9 : memref<128x128xf32, #tpu.memory_space<vmem>>) dst(%dma_wait3A_90 : memref<10112x128xf32, #tpu.memory_space<vmem_shared>>)
        tpu.yield
      }) : () -> ()
      %add3A_58 = arith.constant 1 : i32
      %add3A_59 = arith.addi %scan3A_49, %add3A_58 : i32
      %lt3A = arith.constant 20 : i32
      %lt3A_60 = arith.cmpi slt, %add3A_59, %lt3A : i32
      %convert_element_type3A = arith.extui %lt3A_60 : i1 to i32
      %cond3A = arith.constant 0 : i32
      %cond3A_61 = arith.cmpi ne, %convert_element_type3A, %cond3A : i32
      scf.if %cond3A_61 {
        %add3A_78 = arith.constant 2 : i32
        %add3A_79 = arith.addi %mul3A_51, %add3A_78 : i32
        %dma_start3A_80 = arith.constant 0 : i32
        %dma_start3A_81 = tpu.memref_slice %arg7[%add3A_79, %dma_start3A_80] : memref<40x128xi32, #tpu.memory_space<vmem>> -> memref<1x128xi32, #tpu.memory_space<vmem>>
        %dma_start3A_82 = tpu.memref_squeeze %dma_start3A_81 : memref<1x128xi32, #tpu.memory_space<vmem>> -> memref<128xi32, #tpu.memory_space<vmem>>
        %dma_start3A_83 = arith.constant 0 : i32
        %dma_start3A_84 = arith.constant 0 : i32
        %dma_start3A_85 = tpu.memref_slice %arg2[%dma_start3A_83, %dma_start3A_84] : memref<10000x128xf32, #tpu.memory_space<hbm>> -> memref<10000x128xf32, #tpu.memory_space<hbm>>
        tpu.enqueue_indirect_dma source(%dma_start3A_85 : memref<10000x128xf32, #tpu.memory_space<hbm>>) target(%arg9 : memref<128x128xf32, #tpu.memory_space<vmem>>) offsets(%dma_start3A_82 : memref<128xi32, #tpu.memory_space<vmem>>) semaphore(%arg11 : memref<!tpu.dma_semaphore, #tpu.memory_space<semaphore_mem>>)
      } else {
      }
      %dma_wait3A_62 = arith.constant 1 : i32
      %dma_wait3A_63 = arith.constant 0 : i32
      %dma_wait3A_64 = tpu.memref_slice %arg7[%dma_wait3A_62, %dma_wait3A_63] : memref<40x128xi32, #tpu.memory_space<vmem>> -> memref<1x128xi32, #tpu.memory_space<vmem>>
      %dma_wait3A_65 = tpu.memref_squeeze %dma_wait3A_64 : memref<1x128xi32, #tpu.memory_space<vmem>> -> memref<128xi32, #tpu.memory_space<vmem>>
      %dma_wait3A_66 = arith.constant 0 : i32
      %dma_wait3A_67 = arith.constant 0 : i32
      %dma_wait3A_68 = tpu.memref_slice %arg2[%dma_wait3A_66, %dma_wait3A_67] : memref<10000x128xf32, #tpu.memory_space<hbm>> -> memref<10000x128xf32, #tpu.memory_space<hbm>>
      tpu.wait_indirect_dma semaphore(%arg12 : memref<!tpu.dma_semaphore, #tpu.memory_space<semaphore_mem>>) src(%dma_wait3A_68 : memref<10000x128xf32, #tpu.memory_space<hbm>>) dst(%arg10 : memref<128x128xf32, #tpu.memory_space<vmem>>)
      %add3A_69 = arith.constant 1 : i32
      %add3A_70 = arith.addi %mul3A_51, %add3A_69 : i32
      "tpu.region"() ({
        %run_scoped3A_78 = tpu.sem_alloc : memref<!tpu.dma_semaphore, #tpu.memory_space<semaphore_mem>>
        %dma_start3A_79 = arith.constant 0 : i32
        %dma_start3A_80 = tpu.memref_slice %arg8[%add3A_70, %dma_start3A_79] : memref<40x128xi32, #tpu.memory_space<vmem>> -> memref<1x128xi32, #tpu.memory_space<vmem>>
        %dma_start3A_81 = tpu.memref_squeeze %dma_start3A_80 : memref<1x128xi32, #tpu.memory_space<vmem>> -> memref<128xi32, #tpu.memory_space<vmem>>
        %dma_start3A_82 = arith.constant 0 : i32
        %dma_start3A_83 = arith.constant 0 : i32
        %dma_start3A_84 = tpu.memref_slice %arg13[%dma_start3A_82, %dma_start3A_83] : memref<10112x128xf32, #tpu.memory_space<vmem_shared>> -> memref<10112x128xf32, #tpu.memory_space<vmem_shared>>
        tpu.enqueue_indirect_dma source(%arg10 : memref<128x128xf32, #tpu.memory_space<vmem>>) target(%dma_start3A_84 : memref<10112x128xf32, #tpu.memory_space<vmem_shared>>) offsets(%dma_start3A_81 : memref<128xi32, #tpu.memory_space<vmem>>) semaphore(%run_scoped3A_78 : memref<!tpu.dma_semaphore, #tpu.memory_space<semaphore_mem>>) {add = true}
        %dma_wait3A_85 = arith.constant 0 : i32
        %dma_wait3A_86 = tpu.memref_slice %arg8[%add3A_70, %dma_wait3A_85] : memref<40x128xi32, #tpu.memory_space<vmem>> -> memref<1x128xi32, #tpu.memory_space<vmem>>
        %dma_wait3A_87 = tpu.memref_squeeze %dma_wait3A_86 : memref<1x128xi32, #tpu.memory_space<vmem>> -> memref<128xi32, #tpu.memory_space<vmem>>
        %dma_wait3A_88 = arith.constant 0 : i32
        %dma_wait3A_89 = arith.constant 0 : i32
        %dma_wait3A_90 = tpu.memref_slice %arg13[%dma_wait3A_88, %dma_wait3A_89] : memref<10112x128xf32, #tpu.memory_space<vmem_shared>> -> memref<10112x128xf32, #tpu.memory_space<vmem_shared>>
        tpu.wait_indirect_dma semaphore(%run_scoped3A_78 : memref<!tpu.dma_semaphore, #tpu.memory_space<semaphore_mem>>) src(%arg10 : memref<128x128xf32, #tpu.memory_space<vmem>>) dst(%dma_wait3A_90 : memref<10112x128xf32, #tpu.memory_space<vmem_shared>>)
        tpu.yield
      }) : () -> ()
      %add3A_71 = arith.constant 1 : i32
      %add3A_72 = arith.addi %scan3A_49, %add3A_71 : i32
      %lt3A_73 = arith.constant 20 : i32
      %lt3A_74 = arith.cmpi slt, %add3A_72, %lt3A_73 : i32
      %convert_element_type3A_75 = arith.extui %lt3A_74 : i1 to i32
      %cond3A_76 = arith.constant 0 : i32
      %cond3A_77 = arith.cmpi ne, %convert_element_type3A_75, %cond3A_76 : i32
      scf.if %cond3A_77 {
        %add3A_78 = arith.constant 3 : i32
        %add3A_79 = arith.addi %mul3A_51, %add3A_78 : i32
        %dma_start3A_80 = arith.constant 0 : i32
        %dma_start3A_81 = tpu.memref_slice %arg7[%add3A_79, %dma_start3A_80] : memref<40x128xi32, #tpu.memory_space<vmem>> -> memref<1x128xi32, #tpu.memory_space<vmem>>
        %dma_start3A_82 = tpu.memref_squeeze %dma_start3A_81 : memref<1x128xi32, #tpu.memory_space<vmem>> -> memref<128xi32, #tpu.memory_space<vmem>>
        %dma_start3A_83 = arith.constant 0 : i32
        %dma_start3A_84 = arith.constant 0 : i32
        %dma_start3A_85 = tpu.memref_slice %arg2[%dma_start3A_83, %dma_start3A_84] : memref<10000x128xf32, #tpu.memory_space<hbm>> -> memref<10000x128xf32, #tpu.memory_space<hbm>>
        tpu.enqueue_indirect_dma source(%dma_start3A_85 : memref<10000x128xf32, #tpu.memory_space<hbm>>) target(%arg10 : memref<128x128xf32, #tpu.memory_space<vmem>>) offsets(%dma_start3A_82 : memref<128xi32, #tpu.memory_space<vmem>>) semaphore(%arg12 : memref<!tpu.dma_semaphore, #tpu.memory_space<semaphore_mem>>)
      } else {
      }
    }
    %scan3A_43 = arith.constant 20 : i32
    %barrier3A_44 = arith.constant 0 : index
    tpu.barrier barrier_id(%barrier3A_44)
    %mul3A_45 = arith.constant 632 : i32
    %mul3A_46 = arith.muli %arg1, %mul3A_45 : i32
    %mul3A_47 = arith.constant 632 : i32
    %mul3A_48 = arith.muli %arg1, %mul3A_47 : i32
    "tpu.region"() ({
      %run_scoped3A_49 = tpu.sem_alloc : memref<!tpu.dma_semaphore, #tpu.memory_space<semaphore_mem>>
      %dma_start3A_50 = arith.constant 0 : i32
      %dma_start3A_51 = tpu.memref_slice %arg6[%arg0, %mul3A_48, %dma_start3A_50] : memref<2x10112x128xf32, #tpu.memory_space<hbm>> -> memref<1x632x128xf32, #tpu.memory_space<hbm>>
      %dma_start3A_52 = tpu.memref_squeeze %dma_start3A_51 : memref<1x632x128xf32, #tpu.memory_space<hbm>> -> memref<632x128xf32, #tpu.memory_space<hbm>>
      %dma_start3A_53 = arith.constant 0 : i32
      %dma_start3A_54 = tpu.memref_slice %arg13[%mul3A_46, %dma_start3A_53] : memref<10112x128xf32, #tpu.memory_space<vmem_shared>> -> memref<632x128xf32, #tpu.memory_space<vmem_shared>>
      tpu.enqueue_dma source(%dma_start3A_54 : memref<632x128xf32, #tpu.memory_space<vmem_shared>>) target(%dma_start3A_52 : memref<632x128xf32, #tpu.memory_space<hbm>>) target_semaphore(%run_scoped3A_49 : memref<!tpu.dma_semaphore, #tpu.memory_space<semaphore_mem>>)
      %dma_wait3A = arith.constant 0 : i32
      %dma_wait3A_55 = tpu.memref_slice %arg6[%arg0, %mul3A_48, %dma_wait3A] : memref<2x10112x128xf32, #tpu.memory_space<hbm>> -> memref<1x632x128xf32, #tpu.memory_space<hbm>>
      %dma_wait3A_56 = tpu.memref_squeeze %dma_wait3A_55 : memref<1x632x128xf32, #tpu.memory_space<hbm>> -> memref<632x128xf32, #tpu.memory_space<hbm>>
      %dma_wait3A_57 = arith.constant 0 : i32
      %dma_wait3A_58 = tpu.memref_slice %arg13[%mul3A_46, %dma_wait3A_57] : memref<10112x128xf32, #tpu.memory_space<vmem_shared>> -> memref<632x128xf32, #tpu.memory_space<vmem_shared>>
      tpu.wait_dma2 semaphore(%run_scoped3A_49 : memref<!tpu.dma_semaphore, #tpu.memory_space<semaphore_mem>>) src(%dma_wait3A_58 : memref<632x128xf32, #tpu.memory_space<vmem_shared>>) dst(%dma_wait3A_56 : memref<632x128xf32, #tpu.memory_space<hbm>>)
      tpu.yield
    }) : () -> ()
    return
  }
}

#map = affine_map<(d0, d1) -> (0, 0)>
#map1 = affine_map<(d0, d1) -> (0, 0, 0, 0)>
#map2 = affine_map<(d0, d1) -> (0, 0, 0)>
module attributes {stable_mosaic.version = 14 : i64} {
  func.func @body(%arg0: i32, %arg1: i32, %arg2: memref<10000x128xf32, #tpu.memory_space<hbm>>, %arg3: memref<32x2x40x128xi32, #tpu.memory_space<hbm>>, %arg4: memref<32x2x40x128xi32, #tpu.memory_space<hbm>>, %arg5: memref<632x128xf32, #tpu.memory_space<hbm>>, %arg6: memref<128x128xf32, #tpu.memory_space<hbm>>, %arg7: memref<2x10112x128xf32, #tpu.memory_space<hbm>>, %arg8: memref<2x10112x128xf32, #tpu.memory_space<hbm>>, %arg9: memref<40x128xi32, #tpu.memory_space<vmem>>, %arg10: memref<40x128xi32, #tpu.memory_space<vmem>>, %arg11: memref<128x128xf32, #tpu.memory_space<vmem>>, %arg12: memref<128x128xf32, #tpu.memory_space<vmem>>, %arg13: memref<!tpu.dma_semaphore, #tpu.memory_space<semaphore_mem>>, %arg14: memref<!tpu.dma_semaphore, #tpu.memory_space<semaphore_mem>>, %arg15: memref<10112x128xf32, #tpu.memory_space<vmem_shared>>) attributes {dimension_semantics = [#tpu.dimension_semantics<core_parallel>, #tpu.dimension_semantics<subcore_parallel>], iteration_bounds = array<i64: 2, 16>, scalar_prefetch = 0 : i64, scratch_operands = 7 : i64, tpu.core_type = #tpu.core_type<sc_vector_subcore>, window_params = [{transform_indices = #map}, {transform_indices = #map1}, {transform_indices = #map1}, {transform_indices = #map}, {transform_indices = #map}, {transform_indices = #map2}, {transform_indices = #map2}]} {
    %mul3A = arith.constant 16 : i32
    %mul3A_0 = arith.muli %arg0, %mul3A : i32
    %add3A = arith.addi %mul3A_0, %arg1 : i32
    %mul3A_1 = arith.constant 632 : i32
    %mul3A_2 = arith.muli %arg1, %mul3A_1 : i32
    "tpu.region"() ({
      %run_scoped3A_71 = tpu.sem_alloc : memref<!tpu.dma_semaphore, #tpu.memory_space<semaphore_mem>>
      %dma_start3A_72 = arith.constant 0 : i32
      %dma_start3A_73 = tpu.memref_slice %arg15[%mul3A_2, %dma_start3A_72] : memref<10112x128xf32, #tpu.memory_space<vmem_shared>> -> memref<632x128xf32, #tpu.memory_space<vmem_shared>>
      tpu.enqueue_dma source(%arg5 : memref<632x128xf32, #tpu.memory_space<hbm>>) target(%dma_start3A_73 : memref<632x128xf32, #tpu.memory_space<vmem_shared>>) target_semaphore(%run_scoped3A_71 : memref<!tpu.dma_semaphore, #tpu.memory_space<semaphore_mem>>)
      %dma_wait3A = arith.constant 0 : i32
      %dma_wait3A_74 = tpu.memref_slice %arg15[%mul3A_2, %dma_wait3A] : memref<10112x128xf32, #tpu.memory_space<vmem_shared>> -> memref<632x128xf32, #tpu.memory_space<vmem_shared>>
      tpu.wait_dma2 semaphore(%run_scoped3A_71 : memref<!tpu.dma_semaphore, #tpu.memory_space<semaphore_mem>>) src(%arg5 : memref<632x128xf32, #tpu.memory_space<hbm>>) dst(%dma_wait3A_74 : memref<632x128xf32, #tpu.memory_space<vmem_shared>>)
      tpu.yield
    }) : () -> ()
    "tpu.region"() ({
      %run_scoped3A_71 = tpu.sem_alloc : memref<!tpu.dma_semaphore, #tpu.memory_space<semaphore_mem>>
      tpu.enqueue_dma source(%arg6 : memref<128x128xf32, #tpu.memory_space<hbm>>) target(%arg11 : memref<128x128xf32, #tpu.memory_space<vmem>>) target_semaphore(%run_scoped3A_71 : memref<!tpu.dma_semaphore, #tpu.memory_space<semaphore_mem>>)
      tpu.wait_dma2 semaphore(%run_scoped3A_71 : memref<!tpu.dma_semaphore, #tpu.memory_space<semaphore_mem>>) src(%arg6 : memref<128x128xf32, #tpu.memory_space<hbm>>) dst(%arg11 : memref<128x128xf32, #tpu.memory_space<vmem>>)
      tpu.yield
    }) : () -> ()
    %barrier3A = arith.constant 0 : index
    tpu.barrier barrier_id(%barrier3A)
    %run_scoped3A = arith.constant 0 : i32
    "tpu.region"() ({
      %run_scoped3A_71 = tpu.sem_alloc : memref<!tpu.dma_semaphore, #tpu.memory_space<semaphore_mem>>
      %dma_start3A_72 = arith.constant 0 : i32
      %dma_start3A_73 = arith.constant 0 : i32
      %dma_start3A_74 = tpu.memref_slice %arg4[%add3A, %run_scoped3A, %dma_start3A_72, %dma_start3A_73] : memref<32x2x40x128xi32, #tpu.memory_space<hbm>> -> memref<1x1x40x128xi32, #tpu.memory_space<hbm>>
      %dma_start3A_75 = tpu.memref_squeeze %dma_start3A_74 : memref<1x1x40x128xi32, #tpu.memory_space<hbm>> -> memref<40x128xi32, #tpu.memory_space<hbm>>
      %dma_start3A_76 = arith.constant 0 : i32
      %dma_start3A_77 = arith.constant 0 : i32
      %dma_start3A_78 = tpu.memref_slice %arg4[%add3A, %run_scoped3A, %dma_start3A_76, %dma_start3A_77] : memref<32x2x40x128xi32, #tpu.memory_space<hbm>> -> memref<1x1x40x128xi32, #tpu.memory_space<hbm>>
      %dma_start3A_79 = tpu.memref_squeeze %dma_start3A_78 : memref<1x1x40x128xi32, #tpu.memory_space<hbm>> -> memref<40x128xi32, #tpu.memory_space<hbm>>
      tpu.enqueue_dma source(%dma_start3A_79 : memref<40x128xi32, #tpu.memory_space<hbm>>) target(%arg10 : memref<40x128xi32, #tpu.memory_space<vmem>>) target_semaphore(%run_scoped3A_71 : memref<!tpu.dma_semaphore, #tpu.memory_space<semaphore_mem>>)
      %dma_wait3A = arith.constant 0 : i32
      %dma_wait3A_80 = arith.constant 0 : i32
      %dma_wait3A_81 = tpu.memref_slice %arg4[%add3A, %run_scoped3A, %dma_wait3A, %dma_wait3A_80] : memref<32x2x40x128xi32, #tpu.memory_space<hbm>> -> memref<1x1x40x128xi32, #tpu.memory_space<hbm>>
      %dma_wait3A_82 = tpu.memref_squeeze %dma_wait3A_81 : memref<1x1x40x128xi32, #tpu.memory_space<hbm>> -> memref<40x128xi32, #tpu.memory_space<hbm>>
      %dma_wait3A_83 = arith.constant 0 : i32
      %dma_wait3A_84 = arith.constant 0 : i32
      %dma_wait3A_85 = tpu.memref_slice %arg4[%add3A, %run_scoped3A, %dma_wait3A_83, %dma_wait3A_84] : memref<32x2x40x128xi32, #tpu.memory_space<hbm>> -> memref<1x1x40x128xi32, #tpu.memory_space<hbm>>
      %dma_wait3A_86 = tpu.memref_squeeze %dma_wait3A_85 : memref<1x1x40x128xi32, #tpu.memory_space<hbm>> -> memref<40x128xi32, #tpu.memory_space<hbm>>
      tpu.wait_dma2 semaphore(%run_scoped3A_71 : memref<!tpu.dma_semaphore, #tpu.memory_space<semaphore_mem>>) src(%dma_wait3A_86 : memref<40x128xi32, #tpu.memory_space<hbm>>) dst(%arg10 : memref<40x128xi32, #tpu.memory_space<vmem>>)
      tpu.yield
    }) : () -> ()
    %scan3A = arith.constant 0 : i32
    %scan3A_3 = arith.constant 0 : i32
    %scan3A_4 = arith.constant 40 : i32
    %scan3A_5 = arith.addi %scan3A_3, %scan3A_4 : i32
    %scan3A_6 = arith.constant 1 : i32
    scf.for %scan3A_71 = %scan3A_3 to %scan3A_5 step %scan3A_6  : i32 {
      "tpu.region"() ({
        %run_scoped3A_72 = tpu.sem_alloc : memref<!tpu.dma_semaphore, #tpu.memory_space<semaphore_mem>>
        %dma_start3A_73 = arith.constant 0 : i32
        %dma_start3A_74 = tpu.memref_slice %arg10[%scan3A_71, %dma_start3A_73] : memref<40x128xi32, #tpu.memory_space<vmem>> -> memref<1x128xi32, #tpu.memory_space<vmem>>
        %dma_start3A_75 = tpu.memref_squeeze %dma_start3A_74 : memref<1x128xi32, #tpu.memory_space<vmem>> -> memref<128xi32, #tpu.memory_space<vmem>>
        %dma_start3A_76 = arith.constant 0 : i32
        %dma_start3A_77 = arith.constant 0 : i32
        %dma_start3A_78 = tpu.memref_slice %arg15[%dma_start3A_76, %dma_start3A_77] : memref<10112x128xf32, #tpu.memory_space<vmem_shared>> -> memref<10112x128xf32, #tpu.memory_space<vmem_shared>>
        tpu.enqueue_indirect_dma source(%arg11 : memref<128x128xf32, #tpu.memory_space<vmem>>) target(%dma_start3A_78 : memref<10112x128xf32, #tpu.memory_space<vmem_shared>>) offsets(%dma_start3A_75 : memref<128xi32, #tpu.memory_space<vmem>>) semaphore(%run_scoped3A_72 : memref<!tpu.dma_semaphore, #tpu.memory_space<semaphore_mem>>) {add = true}
        %dma_wait3A = arith.constant 0 : i32
        %dma_wait3A_79 = tpu.memref_slice %arg10[%scan3A_71, %dma_wait3A] : memref<40x128xi32, #tpu.memory_space<vmem>> -> memref<1x128xi32, #tpu.memory_space<vmem>>
        %dma_wait3A_80 = tpu.memref_squeeze %dma_wait3A_79 : memref<1x128xi32, #tpu.memory_space<vmem>> -> memref<128xi32, #tpu.memory_space<vmem>>
        %dma_wait3A_81 = arith.constant 0 : i32
        %dma_wait3A_82 = arith.constant 0 : i32
        %dma_wait3A_83 = tpu.memref_slice %arg15[%dma_wait3A_81, %dma_wait3A_82] : memref<10112x128xf32, #tpu.memory_space<vmem_shared>> -> memref<10112x128xf32, #tpu.memory_space<vmem_shared>>
        tpu.wait_indirect_dma semaphore(%run_scoped3A_72 : memref<!tpu.dma_semaphore, #tpu.memory_space<semaphore_mem>>) src(%arg11 : memref<128x128xf32, #tpu.memory_space<vmem>>) dst(%dma_wait3A_83 : memref<10112x128xf32, #tpu.memory_space<vmem_shared>>)
        tpu.yield
      }) : () -> ()
    }
    %scan3A_7 = arith.constant 40 : i32
    %run_scoped3A_8 = arith.constant 1 : i32
    "tpu.region"() ({
      %run_scoped3A_71 = tpu.sem_alloc : memref<!tpu.dma_semaphore, #tpu.memory_space<semaphore_mem>>
      %dma_start3A_72 = arith.constant 0 : i32
      %dma_start3A_73 = arith.constant 0 : i32
      %dma_start3A_74 = tpu.memref_slice %arg4[%add3A, %run_scoped3A_8, %dma_start3A_72, %dma_start3A_73] : memref<32x2x40x128xi32, #tpu.memory_space<hbm>> -> memref<1x1x40x128xi32, #tpu.memory_space<hbm>>
      %dma_start3A_75 = tpu.memref_squeeze %dma_start3A_74 : memref<1x1x40x128xi32, #tpu.memory_space<hbm>> -> memref<40x128xi32, #tpu.memory_space<hbm>>
      %dma_start3A_76 = arith.constant 0 : i32
      %dma_start3A_77 = arith.constant 0 : i32
      %dma_start3A_78 = tpu.memref_slice %arg4[%add3A, %run_scoped3A_8, %dma_start3A_76, %dma_start3A_77] : memref<32x2x40x128xi32, #tpu.memory_space<hbm>> -> memref<1x1x40x128xi32, #tpu.memory_space<hbm>>
      %dma_start3A_79 = tpu.memref_squeeze %dma_start3A_78 : memref<1x1x40x128xi32, #tpu.memory_space<hbm>> -> memref<40x128xi32, #tpu.memory_space<hbm>>
      tpu.enqueue_dma source(%dma_start3A_79 : memref<40x128xi32, #tpu.memory_space<hbm>>) target(%arg10 : memref<40x128xi32, #tpu.memory_space<vmem>>) target_semaphore(%run_scoped3A_71 : memref<!tpu.dma_semaphore, #tpu.memory_space<semaphore_mem>>)
      %dma_wait3A = arith.constant 0 : i32
      %dma_wait3A_80 = arith.constant 0 : i32
      %dma_wait3A_81 = tpu.memref_slice %arg4[%add3A, %run_scoped3A_8, %dma_wait3A, %dma_wait3A_80] : memref<32x2x40x128xi32, #tpu.memory_space<hbm>> -> memref<1x1x40x128xi32, #tpu.memory_space<hbm>>
      %dma_wait3A_82 = tpu.memref_squeeze %dma_wait3A_81 : memref<1x1x40x128xi32, #tpu.memory_space<hbm>> -> memref<40x128xi32, #tpu.memory_space<hbm>>
      %dma_wait3A_83 = arith.constant 0 : i32
      %dma_wait3A_84 = arith.constant 0 : i32
      %dma_wait3A_85 = tpu.memref_slice %arg4[%add3A, %run_scoped3A_8, %dma_wait3A_83, %dma_wait3A_84] : memref<32x2x40x128xi32, #tpu.memory_space<hbm>> -> memref<1x1x40x128xi32, #tpu.memory_space<hbm>>
      %dma_wait3A_86 = tpu.memref_squeeze %dma_wait3A_85 : memref<1x1x40x128xi32, #tpu.memory_space<hbm>> -> memref<40x128xi32, #tpu.memory_space<hbm>>
      tpu.wait_dma2 semaphore(%run_scoped3A_71 : memref<!tpu.dma_semaphore, #tpu.memory_space<semaphore_mem>>) src(%dma_wait3A_86 : memref<40x128xi32, #tpu.memory_space<hbm>>) dst(%arg10 : memref<40x128xi32, #tpu.memory_space<vmem>>)
      tpu.yield
    }) : () -> ()
    %scan3A_9 = arith.constant 0 : i32
    %scan3A_10 = arith.constant 0 : i32
    %scan3A_11 = arith.constant 40 : i32
    %scan3A_12 = arith.addi %scan3A_10, %scan3A_11 : i32
    %scan3A_13 = arith.constant 1 : i32
    scf.for %scan3A_71 = %scan3A_10 to %scan3A_12 step %scan3A_13  : i32 {
      "tpu.region"() ({
        %run_scoped3A_72 = tpu.sem_alloc : memref<!tpu.dma_semaphore, #tpu.memory_space<semaphore_mem>>
        %dma_start3A_73 = arith.constant 0 : i32
        %dma_start3A_74 = tpu.memref_slice %arg10[%scan3A_71, %dma_start3A_73] : memref<40x128xi32, #tpu.memory_space<vmem>> -> memref<1x128xi32, #tpu.memory_space<vmem>>
        %dma_start3A_75 = tpu.memref_squeeze %dma_start3A_74 : memref<1x128xi32, #tpu.memory_space<vmem>> -> memref<128xi32, #tpu.memory_space<vmem>>
        %dma_start3A_76 = arith.constant 0 : i32
        %dma_start3A_77 = arith.constant 0 : i32
        %dma_start3A_78 = tpu.memref_slice %arg15[%dma_start3A_76, %dma_start3A_77] : memref<10112x128xf32, #tpu.memory_space<vmem_shared>> -> memref<10112x128xf32, #tpu.memory_space<vmem_shared>>
        tpu.enqueue_indirect_dma source(%arg11 : memref<128x128xf32, #tpu.memory_space<vmem>>) target(%dma_start3A_78 : memref<10112x128xf32, #tpu.memory_space<vmem_shared>>) offsets(%dma_start3A_75 : memref<128xi32, #tpu.memory_space<vmem>>) semaphore(%run_scoped3A_72 : memref<!tpu.dma_semaphore, #tpu.memory_space<semaphore_mem>>) {add = true}
        %dma_wait3A = arith.constant 0 : i32
        %dma_wait3A_79 = tpu.memref_slice %arg10[%scan3A_71, %dma_wait3A] : memref<40x128xi32, #tpu.memory_space<vmem>> -> memref<1x128xi32, #tpu.memory_space<vmem>>
        %dma_wait3A_80 = tpu.memref_squeeze %dma_wait3A_79 : memref<1x128xi32, #tpu.memory_space<vmem>> -> memref<128xi32, #tpu.memory_space<vmem>>
        %dma_wait3A_81 = arith.constant 0 : i32
        %dma_wait3A_82 = arith.constant 0 : i32
        %dma_wait3A_83 = tpu.memref_slice %arg15[%dma_wait3A_81, %dma_wait3A_82] : memref<10112x128xf32, #tpu.memory_space<vmem_shared>> -> memref<10112x128xf32, #tpu.memory_space<vmem_shared>>
        tpu.wait_indirect_dma semaphore(%run_scoped3A_72 : memref<!tpu.dma_semaphore, #tpu.memory_space<semaphore_mem>>) src(%arg11 : memref<128x128xf32, #tpu.memory_space<vmem>>) dst(%dma_wait3A_83 : memref<10112x128xf32, #tpu.memory_space<vmem_shared>>)
        tpu.yield
      }) : () -> ()
    }
    %scan3A_14 = arith.constant 40 : i32
    %barrier3A_15 = arith.constant 0 : index
    tpu.barrier barrier_id(%barrier3A_15)
    %mul3A_16 = arith.constant 632 : i32
    %mul3A_17 = arith.muli %arg1, %mul3A_16 : i32
    %mul3A_18 = arith.constant 632 : i32
    %mul3A_19 = arith.muli %arg1, %mul3A_18 : i32
    "tpu.region"() ({
      %run_scoped3A_71 = tpu.sem_alloc : memref<!tpu.dma_semaphore, #tpu.memory_space<semaphore_mem>>
      %dma_start3A_72 = arith.constant 0 : i32
      %dma_start3A_73 = tpu.memref_slice %arg8[%arg0, %mul3A_19, %dma_start3A_72] : memref<2x10112x128xf32, #tpu.memory_space<hbm>> -> memref<1x632x128xf32, #tpu.memory_space<hbm>>
      %dma_start3A_74 = tpu.memref_squeeze %dma_start3A_73 : memref<1x632x128xf32, #tpu.memory_space<hbm>> -> memref<632x128xf32, #tpu.memory_space<hbm>>
      %dma_start3A_75 = arith.constant 0 : i32
      %dma_start3A_76 = tpu.memref_slice %arg15[%mul3A_17, %dma_start3A_75] : memref<10112x128xf32, #tpu.memory_space<vmem_shared>> -> memref<632x128xf32, #tpu.memory_space<vmem_shared>>
      tpu.enqueue_dma source(%dma_start3A_76 : memref<632x128xf32, #tpu.memory_space<vmem_shared>>) target(%dma_start3A_74 : memref<632x128xf32, #tpu.memory_space<hbm>>) target_semaphore(%run_scoped3A_71 : memref<!tpu.dma_semaphore, #tpu.memory_space<semaphore_mem>>)
      %dma_wait3A = arith.constant 0 : i32
      %dma_wait3A_77 = tpu.memref_slice %arg8[%arg0, %mul3A_19, %dma_wait3A] : memref<2x10112x128xf32, #tpu.memory_space<hbm>> -> memref<1x632x128xf32, #tpu.memory_space<hbm>>
      %dma_wait3A_78 = tpu.memref_squeeze %dma_wait3A_77 : memref<1x632x128xf32, #tpu.memory_space<hbm>> -> memref<632x128xf32, #tpu.memory_space<hbm>>
      %dma_wait3A_79 = arith.constant 0 : i32
      %dma_wait3A_80 = tpu.memref_slice %arg15[%mul3A_17, %dma_wait3A_79] : memref<10112x128xf32, #tpu.memory_space<vmem_shared>> -> memref<632x128xf32, #tpu.memory_space<vmem_shared>>
      tpu.wait_dma2 semaphore(%run_scoped3A_71 : memref<!tpu.dma_semaphore, #tpu.memory_space<semaphore_mem>>) src(%dma_wait3A_80 : memref<632x128xf32, #tpu.memory_space<vmem_shared>>) dst(%dma_wait3A_78 : memref<632x128xf32, #tpu.memory_space<hbm>>)
      tpu.yield
    }) : () -> ()
    %mul3A_20 = arith.constant 632 : i32
    %mul3A_21 = arith.muli %arg1, %mul3A_20 : i32
    "tpu.region"() ({
      %run_scoped3A_71 = tpu.sem_alloc : memref<!tpu.dma_semaphore, #tpu.memory_space<semaphore_mem>>
      %dma_start3A_72 = arith.constant 0 : i32
      %dma_start3A_73 = tpu.memref_slice %arg15[%mul3A_21, %dma_start3A_72] : memref<10112x128xf32, #tpu.memory_space<vmem_shared>> -> memref<632x128xf32, #tpu.memory_space<vmem_shared>>
      tpu.enqueue_dma source(%arg5 : memref<632x128xf32, #tpu.memory_space<hbm>>) target(%dma_start3A_73 : memref<632x128xf32, #tpu.memory_space<vmem_shared>>) target_semaphore(%run_scoped3A_71 : memref<!tpu.dma_semaphore, #tpu.memory_space<semaphore_mem>>)
      %dma_wait3A = arith.constant 0 : i32
      %dma_wait3A_74 = tpu.memref_slice %arg15[%mul3A_21, %dma_wait3A] : memref<10112x128xf32, #tpu.memory_space<vmem_shared>> -> memref<632x128xf32, #tpu.memory_space<vmem_shared>>
      tpu.wait_dma2 semaphore(%run_scoped3A_71 : memref<!tpu.dma_semaphore, #tpu.memory_space<semaphore_mem>>) src(%arg5 : memref<632x128xf32, #tpu.memory_space<hbm>>) dst(%dma_wait3A_74 : memref<632x128xf32, #tpu.memory_space<vmem_shared>>)
      tpu.yield
    }) : () -> ()
    %barrier3A_22 = arith.constant 0 : index
    tpu.barrier barrier_id(%barrier3A_22)
    %run_scoped3A_23 = arith.constant 0 : i32
    "tpu.region"() ({
      %run_scoped3A_71 = tpu.sem_alloc : memref<!tpu.dma_semaphore, #tpu.memory_space<semaphore_mem>>
      %dma_start3A_72 = arith.constant 0 : i32
      %dma_start3A_73 = arith.constant 0 : i32
      %dma_start3A_74 = tpu.memref_slice %arg3[%add3A, %run_scoped3A_23, %dma_start3A_72, %dma_start3A_73] : memref<32x2x40x128xi32, #tpu.memory_space<hbm>> -> memref<1x1x40x128xi32, #tpu.memory_space<hbm>>
      %dma_start3A_75 = tpu.memref_squeeze %dma_start3A_74 : memref<1x1x40x128xi32, #tpu.memory_space<hbm>> -> memref<40x128xi32, #tpu.memory_space<hbm>>
      %dma_start3A_76 = arith.constant 0 : i32
      %dma_start3A_77 = arith.constant 0 : i32
      %dma_start3A_78 = tpu.memref_slice %arg3[%add3A, %run_scoped3A_23, %dma_start3A_76, %dma_start3A_77] : memref<32x2x40x128xi32, #tpu.memory_space<hbm>> -> memref<1x1x40x128xi32, #tpu.memory_space<hbm>>
      %dma_start3A_79 = tpu.memref_squeeze %dma_start3A_78 : memref<1x1x40x128xi32, #tpu.memory_space<hbm>> -> memref<40x128xi32, #tpu.memory_space<hbm>>
      tpu.enqueue_dma source(%dma_start3A_79 : memref<40x128xi32, #tpu.memory_space<hbm>>) target(%arg9 : memref<40x128xi32, #tpu.memory_space<vmem>>) target_semaphore(%run_scoped3A_71 : memref<!tpu.dma_semaphore, #tpu.memory_space<semaphore_mem>>)
      %dma_wait3A = arith.constant 0 : i32
      %dma_wait3A_80 = arith.constant 0 : i32
      %dma_wait3A_81 = tpu.memref_slice %arg3[%add3A, %run_scoped3A_23, %dma_wait3A, %dma_wait3A_80] : memref<32x2x40x128xi32, #tpu.memory_space<hbm>> -> memref<1x1x40x128xi32, #tpu.memory_space<hbm>>
      %dma_wait3A_82 = tpu.memref_squeeze %dma_wait3A_81 : memref<1x1x40x128xi32, #tpu.memory_space<hbm>> -> memref<40x128xi32, #tpu.memory_space<hbm>>
      %dma_wait3A_83 = arith.constant 0 : i32
      %dma_wait3A_84 = arith.constant 0 : i32
      %dma_wait3A_85 = tpu.memref_slice %arg3[%add3A, %run_scoped3A_23, %dma_wait3A_83, %dma_wait3A_84] : memref<32x2x40x128xi32, #tpu.memory_space<hbm>> -> memref<1x1x40x128xi32, #tpu.memory_space<hbm>>
      %dma_wait3A_86 = tpu.memref_squeeze %dma_wait3A_85 : memref<1x1x40x128xi32, #tpu.memory_space<hbm>> -> memref<40x128xi32, #tpu.memory_space<hbm>>
      tpu.wait_dma2 semaphore(%run_scoped3A_71 : memref<!tpu.dma_semaphore, #tpu.memory_space<semaphore_mem>>) src(%dma_wait3A_86 : memref<40x128xi32, #tpu.memory_space<hbm>>) dst(%arg9 : memref<40x128xi32, #tpu.memory_space<vmem>>)
      tpu.yield
    }) : () -> ()
    %run_scoped3A_24 = arith.constant 0 : i32
    "tpu.region"() ({
      %run_scoped3A_71 = tpu.sem_alloc : memref<!tpu.dma_semaphore, #tpu.memory_space<semaphore_mem>>
      %dma_start3A_72 = arith.constant 0 : i32
      %dma_start3A_73 = arith.constant 0 : i32
      %dma_start3A_74 = tpu.memref_slice %arg4[%add3A, %run_scoped3A_24, %dma_start3A_72, %dma_start3A_73] : memref<32x2x40x128xi32, #tpu.memory_space<hbm>> -> memref<1x1x40x128xi32, #tpu.memory_space<hbm>>
      %dma_start3A_75 = tpu.memref_squeeze %dma_start3A_74 : memref<1x1x40x128xi32, #tpu.memory_space<hbm>> -> memref<40x128xi32, #tpu.memory_space<hbm>>
      %dma_start3A_76 = arith.constant 0 : i32
      %dma_start3A_77 = arith.constant 0 : i32
      %dma_start3A_78 = tpu.memref_slice %arg4[%add3A, %run_scoped3A_24, %dma_start3A_76, %dma_start3A_77] : memref<32x2x40x128xi32, #tpu.memory_space<hbm>> -> memref<1x1x40x128xi32, #tpu.memory_space<hbm>>
      %dma_start3A_79 = tpu.memref_squeeze %dma_start3A_78 : memref<1x1x40x128xi32, #tpu.memory_space<hbm>> -> memref<40x128xi32, #tpu.memory_space<hbm>>
      tpu.enqueue_dma source(%dma_start3A_79 : memref<40x128xi32, #tpu.memory_space<hbm>>) target(%arg10 : memref<40x128xi32, #tpu.memory_space<vmem>>) target_semaphore(%run_scoped3A_71 : memref<!tpu.dma_semaphore, #tpu.memory_space<semaphore_mem>>)
      %dma_wait3A = arith.constant 0 : i32
      %dma_wait3A_80 = arith.constant 0 : i32
      %dma_wait3A_81 = tpu.memref_slice %arg4[%add3A, %run_scoped3A_24, %dma_wait3A, %dma_wait3A_80] : memref<32x2x40x128xi32, #tpu.memory_space<hbm>> -> memref<1x1x40x128xi32, #tpu.memory_space<hbm>>
      %dma_wait3A_82 = tpu.memref_squeeze %dma_wait3A_81 : memref<1x1x40x128xi32, #tpu.memory_space<hbm>> -> memref<40x128xi32, #tpu.memory_space<hbm>>
      %dma_wait3A_83 = arith.constant 0 : i32
      %dma_wait3A_84 = arith.constant 0 : i32
      %dma_wait3A_85 = tpu.memref_slice %arg4[%add3A, %run_scoped3A_24, %dma_wait3A_83, %dma_wait3A_84] : memref<32x2x40x128xi32, #tpu.memory_space<hbm>> -> memref<1x1x40x128xi32, #tpu.memory_space<hbm>>
      %dma_wait3A_86 = tpu.memref_squeeze %dma_wait3A_85 : memref<1x1x40x128xi32, #tpu.memory_space<hbm>> -> memref<40x128xi32, #tpu.memory_space<hbm>>
      tpu.wait_dma2 semaphore(%run_scoped3A_71 : memref<!tpu.dma_semaphore, #tpu.memory_space<semaphore_mem>>) src(%dma_wait3A_86 : memref<40x128xi32, #tpu.memory_space<hbm>>) dst(%arg10 : memref<40x128xi32, #tpu.memory_space<vmem>>)
      tpu.yield
    }) : () -> ()
    %dma_start3A = arith.constant 0 : i32
    %dma_start3A_25 = arith.constant 0 : i32
    %dma_start3A_26 = tpu.memref_slice %arg9[%dma_start3A, %dma_start3A_25] : memref<40x128xi32, #tpu.memory_space<vmem>> -> memref<1x128xi32, #tpu.memory_space<vmem>>
    %dma_start3A_27 = tpu.memref_squeeze %dma_start3A_26 : memref<1x128xi32, #tpu.memory_space<vmem>> -> memref<128xi32, #tpu.memory_space<vmem>>
    %dma_start3A_28 = arith.constant 0 : i32
    %dma_start3A_29 = arith.constant 0 : i32
    %dma_start3A_30 = tpu.memref_slice %arg2[%dma_start3A_28, %dma_start3A_29] : memref<10000x128xf32, #tpu.memory_space<hbm>> -> memref<10000x128xf32, #tpu.memory_space<hbm>>
    tpu.enqueue_indirect_dma source(%dma_start3A_30 : memref<10000x128xf32, #tpu.memory_space<hbm>>) target(%arg11 : memref<128x128xf32, #tpu.memory_space<vmem>>) offsets(%dma_start3A_27 : memref<128xi32, #tpu.memory_space<vmem>>) semaphore(%arg13 : memref<!tpu.dma_semaphore, #tpu.memory_space<semaphore_mem>>)
    %dma_start3A_31 = arith.constant 1 : i32
    %dma_start3A_32 = arith.constant 0 : i32
    %dma_start3A_33 = tpu.memref_slice %arg9[%dma_start3A_31, %dma_start3A_32] : memref<40x128xi32, #tpu.memory_space<vmem>> -> memref<1x128xi32, #tpu.memory_space<vmem>>
    %dma_start3A_34 = tpu.memref_squeeze %dma_start3A_33 : memref<1x128xi32, #tpu.memory_space<vmem>> -> memref<128xi32, #tpu.memory_space<vmem>>
    %dma_start3A_35 = arith.constant 0 : i32
    %dma_start3A_36 = arith.constant 0 : i32
    %dma_start3A_37 = tpu.memref_slice %arg2[%dma_start3A_35, %dma_start3A_36] : memref<10000x128xf32, #tpu.memory_space<hbm>> -> memref<10000x128xf32, #tpu.memory_space<hbm>>
    tpu.enqueue_indirect_dma source(%dma_start3A_37 : memref<10000x128xf32, #tpu.memory_space<hbm>>) target(%arg12 : memref<128x128xf32, #tpu.memory_space<vmem>>) offsets(%dma_start3A_34 : memref<128xi32, #tpu.memory_space<vmem>>) semaphore(%arg14 : memref<!tpu.dma_semaphore, #tpu.memory_space<semaphore_mem>>)
    %scan3A_38 = arith.constant 0 : i32
    %scan3A_39 = arith.constant 0 : i32
    %scan3A_40 = arith.constant 20 : i32
    %scan3A_41 = arith.addi %scan3A_39, %scan3A_40 : i32
    %scan3A_42 = arith.constant 1 : i32
    scf.for %scan3A_71 = %scan3A_39 to %scan3A_41 step %scan3A_42  : i32 {
      %mul3A_72 = arith.constant 2 : i32
      %mul3A_73 = arith.muli %mul3A_72, %scan3A_71 : i32
      %dma_wait3A = arith.constant 0 : i32
      %dma_wait3A_74 = arith.constant 0 : i32
      %dma_wait3A_75 = tpu.memref_slice %arg9[%dma_wait3A, %dma_wait3A_74] : memref<40x128xi32, #tpu.memory_space<vmem>> -> memref<1x128xi32, #tpu.memory_space<vmem>>
      %dma_wait3A_76 = tpu.memref_squeeze %dma_wait3A_75 : memref<1x128xi32, #tpu.memory_space<vmem>> -> memref<128xi32, #tpu.memory_space<vmem>>
      %dma_wait3A_77 = arith.constant 0 : i32
      %dma_wait3A_78 = arith.constant 0 : i32
      %dma_wait3A_79 = tpu.memref_slice %arg2[%dma_wait3A_77, %dma_wait3A_78] : memref<10000x128xf32, #tpu.memory_space<hbm>> -> memref<10000x128xf32, #tpu.memory_space<hbm>>
      tpu.wait_indirect_dma semaphore(%arg13 : memref<!tpu.dma_semaphore, #tpu.memory_space<semaphore_mem>>) src(%dma_wait3A_79 : memref<10000x128xf32, #tpu.memory_space<hbm>>) dst(%arg11 : memref<128x128xf32, #tpu.memory_space<vmem>>)
      "tpu.region"() ({
        %run_scoped3A_100 = tpu.sem_alloc : memref<!tpu.dma_semaphore, #tpu.memory_space<semaphore_mem>>
        %dma_start3A_101 = arith.constant 0 : i32
        %dma_start3A_102 = tpu.memref_slice %arg10[%mul3A_73, %dma_start3A_101] : memref<40x128xi32, #tpu.memory_space<vmem>> -> memref<1x128xi32, #tpu.memory_space<vmem>>
        %dma_start3A_103 = tpu.memref_squeeze %dma_start3A_102 : memref<1x128xi32, #tpu.memory_space<vmem>> -> memref<128xi32, #tpu.memory_space<vmem>>
        %dma_start3A_104 = arith.constant 0 : i32
        %dma_start3A_105 = arith.constant 0 : i32
        %dma_start3A_106 = tpu.memref_slice %arg15[%dma_start3A_104, %dma_start3A_105] : memref<10112x128xf32, #tpu.memory_space<vmem_shared>> -> memref<10112x128xf32, #tpu.memory_space<vmem_shared>>
        tpu.enqueue_indirect_dma source(%arg11 : memref<128x128xf32, #tpu.memory_space<vmem>>) target(%dma_start3A_106 : memref<10112x128xf32, #tpu.memory_space<vmem_shared>>) offsets(%dma_start3A_103 : memref<128xi32, #tpu.memory_space<vmem>>) semaphore(%run_scoped3A_100 : memref<!tpu.dma_semaphore, #tpu.memory_space<semaphore_mem>>) {add = true}
        %dma_wait3A_107 = arith.constant 0 : i32
        %dma_wait3A_108 = tpu.memref_slice %arg10[%mul3A_73, %dma_wait3A_107] : memref<40x128xi32, #tpu.memory_space<vmem>> -> memref<1x128xi32, #tpu.memory_space<vmem>>
        %dma_wait3A_109 = tpu.memref_squeeze %dma_wait3A_108 : memref<1x128xi32, #tpu.memory_space<vmem>> -> memref<128xi32, #tpu.memory_space<vmem>>
        %dma_wait3A_110 = arith.constant 0 : i32
        %dma_wait3A_111 = arith.constant 0 : i32
        %dma_wait3A_112 = tpu.memref_slice %arg15[%dma_wait3A_110, %dma_wait3A_111] : memref<10112x128xf32, #tpu.memory_space<vmem_shared>> -> memref<10112x128xf32, #tpu.memory_space<vmem_shared>>
        tpu.wait_indirect_dma semaphore(%run_scoped3A_100 : memref<!tpu.dma_semaphore, #tpu.memory_space<semaphore_mem>>) src(%arg11 : memref<128x128xf32, #tpu.memory_space<vmem>>) dst(%dma_wait3A_112 : memref<10112x128xf32, #tpu.memory_space<vmem_shared>>)
        tpu.yield
      }) : () -> ()
      %add3A_80 = arith.constant 1 : i32
      %add3A_81 = arith.addi %scan3A_71, %add3A_80 : i32
      %lt3A = arith.constant 20 : i32
      %lt3A_82 = arith.cmpi slt, %add3A_81, %lt3A : i32
      %convert_element_type3A = arith.extui %lt3A_82 : i1 to i32
      %cond3A = arith.constant 0 : i32
      %cond3A_83 = arith.cmpi ne, %convert_element_type3A, %cond3A : i32
      scf.if %cond3A_83 {
        %add3A_100 = arith.constant 2 : i32
        %add3A_101 = arith.addi %mul3A_73, %add3A_100 : i32
        %dma_start3A_102 = arith.constant 0 : i32
        %dma_start3A_103 = tpu.memref_slice %arg9[%add3A_101, %dma_start3A_102] : memref<40x128xi32, #tpu.memory_space<vmem>> -> memref<1x128xi32, #tpu.memory_space<vmem>>
        %dma_start3A_104 = tpu.memref_squeeze %dma_start3A_103 : memref<1x128xi32, #tpu.memory_space<vmem>> -> memref<128xi32, #tpu.memory_space<vmem>>
        %dma_start3A_105 = arith.constant 0 : i32
        %dma_start3A_106 = arith.constant 0 : i32
        %dma_start3A_107 = tpu.memref_slice %arg2[%dma_start3A_105, %dma_start3A_106] : memref<10000x128xf32, #tpu.memory_space<hbm>> -> memref<10000x128xf32, #tpu.memory_space<hbm>>
        tpu.enqueue_indirect_dma source(%dma_start3A_107 : memref<10000x128xf32, #tpu.memory_space<hbm>>) target(%arg11 : memref<128x128xf32, #tpu.memory_space<vmem>>) offsets(%dma_start3A_104 : memref<128xi32, #tpu.memory_space<vmem>>) semaphore(%arg13 : memref<!tpu.dma_semaphore, #tpu.memory_space<semaphore_mem>>)
      } else {
      }
      %dma_wait3A_84 = arith.constant 1 : i32
      %dma_wait3A_85 = arith.constant 0 : i32
      %dma_wait3A_86 = tpu.memref_slice %arg9[%dma_wait3A_84, %dma_wait3A_85] : memref<40x128xi32, #tpu.memory_space<vmem>> -> memref<1x128xi32, #tpu.memory_space<vmem>>
      %dma_wait3A_87 = tpu.memref_squeeze %dma_wait3A_86 : memref<1x128xi32, #tpu.memory_space<vmem>> -> memref<128xi32, #tpu.memory_space<vmem>>
      %dma_wait3A_88 = arith.constant 0 : i32
      %dma_wait3A_89 = arith.constant 0 : i32
      %dma_wait3A_90 = tpu.memref_slice %arg2[%dma_wait3A_88, %dma_wait3A_89] : memref<10000x128xf32, #tpu.memory_space<hbm>> -> memref<10000x128xf32, #tpu.memory_space<hbm>>
      tpu.wait_indirect_dma semaphore(%arg14 : memref<!tpu.dma_semaphore, #tpu.memory_space<semaphore_mem>>) src(%dma_wait3A_90 : memref<10000x128xf32, #tpu.memory_space<hbm>>) dst(%arg12 : memref<128x128xf32, #tpu.memory_space<vmem>>)
      %add3A_91 = arith.constant 1 : i32
      %add3A_92 = arith.addi %mul3A_73, %add3A_91 : i32
      "tpu.region"() ({
        %run_scoped3A_100 = tpu.sem_alloc : memref<!tpu.dma_semaphore, #tpu.memory_space<semaphore_mem>>
        %dma_start3A_101 = arith.constant 0 : i32
        %dma_start3A_102 = tpu.memref_slice %arg10[%add3A_92, %dma_start3A_101] : memref<40x128xi32, #tpu.memory_space<vmem>> -> memref<1x128xi32, #tpu.memory_space<vmem>>
        %dma_start3A_103 = tpu.memref_squeeze %dma_start3A_102 : memref<1x128xi32, #tpu.memory_space<vmem>> -> memref<128xi32, #tpu.memory_space<vmem>>
        %dma_start3A_104 = arith.constant 0 : i32
        %dma_start3A_105 = arith.constant 0 : i32
        %dma_start3A_106 = tpu.memref_slice %arg15[%dma_start3A_104, %dma_start3A_105] : memref<10112x128xf32, #tpu.memory_space<vmem_shared>> -> memref<10112x128xf32, #tpu.memory_space<vmem_shared>>
        tpu.enqueue_indirect_dma source(%arg12 : memref<128x128xf32, #tpu.memory_space<vmem>>) target(%dma_start3A_106 : memref<10112x128xf32, #tpu.memory_space<vmem_shared>>) offsets(%dma_start3A_103 : memref<128xi32, #tpu.memory_space<vmem>>) semaphore(%run_scoped3A_100 : memref<!tpu.dma_semaphore, #tpu.memory_space<semaphore_mem>>) {add = true}
        %dma_wait3A_107 = arith.constant 0 : i32
        %dma_wait3A_108 = tpu.memref_slice %arg10[%add3A_92, %dma_wait3A_107] : memref<40x128xi32, #tpu.memory_space<vmem>> -> memref<1x128xi32, #tpu.memory_space<vmem>>
        %dma_wait3A_109 = tpu.memref_squeeze %dma_wait3A_108 : memref<1x128xi32, #tpu.memory_space<vmem>> -> memref<128xi32, #tpu.memory_space<vmem>>
        %dma_wait3A_110 = arith.constant 0 : i32
        %dma_wait3A_111 = arith.constant 0 : i32
        %dma_wait3A_112 = tpu.memref_slice %arg15[%dma_wait3A_110, %dma_wait3A_111] : memref<10112x128xf32, #tpu.memory_space<vmem_shared>> -> memref<10112x128xf32, #tpu.memory_space<vmem_shared>>
        tpu.wait_indirect_dma semaphore(%run_scoped3A_100 : memref<!tpu.dma_semaphore, #tpu.memory_space<semaphore_mem>>) src(%arg12 : memref<128x128xf32, #tpu.memory_space<vmem>>) dst(%dma_wait3A_112 : memref<10112x128xf32, #tpu.memory_space<vmem_shared>>)
        tpu.yield
      }) : () -> ()
      %add3A_93 = arith.constant 1 : i32
      %add3A_94 = arith.addi %scan3A_71, %add3A_93 : i32
      %lt3A_95 = arith.constant 20 : i32
      %lt3A_96 = arith.cmpi slt, %add3A_94, %lt3A_95 : i32
      %convert_element_type3A_97 = arith.extui %lt3A_96 : i1 to i32
      %cond3A_98 = arith.constant 0 : i32
      %cond3A_99 = arith.cmpi ne, %convert_element_type3A_97, %cond3A_98 : i32
      scf.if %cond3A_99 {
        %add3A_100 = arith.constant 3 : i32
        %add3A_101 = arith.addi %mul3A_73, %add3A_100 : i32
        %dma_start3A_102 = arith.constant 0 : i32
        %dma_start3A_103 = tpu.memref_slice %arg9[%add3A_101, %dma_start3A_102] : memref<40x128xi32, #tpu.memory_space<vmem>> -> memref<1x128xi32, #tpu.memory_space<vmem>>
        %dma_start3A_104 = tpu.memref_squeeze %dma_start3A_103 : memref<1x128xi32, #tpu.memory_space<vmem>> -> memref<128xi32, #tpu.memory_space<vmem>>
        %dma_start3A_105 = arith.constant 0 : i32
        %dma_start3A_106 = arith.constant 0 : i32
        %dma_start3A_107 = tpu.memref_slice %arg2[%dma_start3A_105, %dma_start3A_106] : memref<10000x128xf32, #tpu.memory_space<hbm>> -> memref<10000x128xf32, #tpu.memory_space<hbm>>
        tpu.enqueue_indirect_dma source(%dma_start3A_107 : memref<10000x128xf32, #tpu.memory_space<hbm>>) target(%arg12 : memref<128x128xf32, #tpu.memory_space<vmem>>) offsets(%dma_start3A_104 : memref<128xi32, #tpu.memory_space<vmem>>) semaphore(%arg14 : memref<!tpu.dma_semaphore, #tpu.memory_space<semaphore_mem>>)
      } else {
      }
    }
    %scan3A_43 = arith.constant 20 : i32
    %run_scoped3A_44 = arith.constant 1 : i32
    "tpu.region"() ({
      %run_scoped3A_71 = tpu.sem_alloc : memref<!tpu.dma_semaphore, #tpu.memory_space<semaphore_mem>>
      %dma_start3A_72 = arith.constant 0 : i32
      %dma_start3A_73 = arith.constant 0 : i32
      %dma_start3A_74 = tpu.memref_slice %arg3[%add3A, %run_scoped3A_44, %dma_start3A_72, %dma_start3A_73] : memref<32x2x40x128xi32, #tpu.memory_space<hbm>> -> memref<1x1x40x128xi32, #tpu.memory_space<hbm>>
      %dma_start3A_75 = tpu.memref_squeeze %dma_start3A_74 : memref<1x1x40x128xi32, #tpu.memory_space<hbm>> -> memref<40x128xi32, #tpu.memory_space<hbm>>
      %dma_start3A_76 = arith.constant 0 : i32
      %dma_start3A_77 = arith.constant 0 : i32
      %dma_start3A_78 = tpu.memref_slice %arg3[%add3A, %run_scoped3A_44, %dma_start3A_76, %dma_start3A_77] : memref<32x2x40x128xi32, #tpu.memory_space<hbm>> -> memref<1x1x40x128xi32, #tpu.memory_space<hbm>>
      %dma_start3A_79 = tpu.memref_squeeze %dma_start3A_78 : memref<1x1x40x128xi32, #tpu.memory_space<hbm>> -> memref<40x128xi32, #tpu.memory_space<hbm>>
      tpu.enqueue_dma source(%dma_start3A_79 : memref<40x128xi32, #tpu.memory_space<hbm>>) target(%arg9 : memref<40x128xi32, #tpu.memory_space<vmem>>) target_semaphore(%run_scoped3A_71 : memref<!tpu.dma_semaphore, #tpu.memory_space<semaphore_mem>>)
      %dma_wait3A = arith.constant 0 : i32
      %dma_wait3A_80 = arith.constant 0 : i32
      %dma_wait3A_81 = tpu.memref_slice %arg3[%add3A, %run_scoped3A_44, %dma_wait3A, %dma_wait3A_80] : memref<32x2x40x128xi32, #tpu.memory_space<hbm>> -> memref<1x1x40x128xi32, #tpu.memory_space<hbm>>
      %dma_wait3A_82 = tpu.memref_squeeze %dma_wait3A_81 : memref<1x1x40x128xi32, #tpu.memory_space<hbm>> -> memref<40x128xi32, #tpu.memory_space<hbm>>
      %dma_wait3A_83 = arith.constant 0 : i32
      %dma_wait3A_84 = arith.constant 0 : i32
      %dma_wait3A_85 = tpu.memref_slice %arg3[%add3A, %run_scoped3A_44, %dma_wait3A_83, %dma_wait3A_84] : memref<32x2x40x128xi32, #tpu.memory_space<hbm>> -> memref<1x1x40x128xi32, #tpu.memory_space<hbm>>
      %dma_wait3A_86 = tpu.memref_squeeze %dma_wait3A_85 : memref<1x1x40x128xi32, #tpu.memory_space<hbm>> -> memref<40x128xi32, #tpu.memory_space<hbm>>
      tpu.wait_dma2 semaphore(%run_scoped3A_71 : memref<!tpu.dma_semaphore, #tpu.memory_space<semaphore_mem>>) src(%dma_wait3A_86 : memref<40x128xi32, #tpu.memory_space<hbm>>) dst(%arg9 : memref<40x128xi32, #tpu.memory_space<vmem>>)
      tpu.yield
    }) : () -> ()
    %run_scoped3A_45 = arith.constant 1 : i32
    "tpu.region"() ({
      %run_scoped3A_71 = tpu.sem_alloc : memref<!tpu.dma_semaphore, #tpu.memory_space<semaphore_mem>>
      %dma_start3A_72 = arith.constant 0 : i32
      %dma_start3A_73 = arith.constant 0 : i32
      %dma_start3A_74 = tpu.memref_slice %arg4[%add3A, %run_scoped3A_45, %dma_start3A_72, %dma_start3A_73] : memref<32x2x40x128xi32, #tpu.memory_space<hbm>> -> memref<1x1x40x128xi32, #tpu.memory_space<hbm>>
      %dma_start3A_75 = tpu.memref_squeeze %dma_start3A_74 : memref<1x1x40x128xi32, #tpu.memory_space<hbm>> -> memref<40x128xi32, #tpu.memory_space<hbm>>
      %dma_start3A_76 = arith.constant 0 : i32
      %dma_start3A_77 = arith.constant 0 : i32
      %dma_start3A_78 = tpu.memref_slice %arg4[%add3A, %run_scoped3A_45, %dma_start3A_76, %dma_start3A_77] : memref<32x2x40x128xi32, #tpu.memory_space<hbm>> -> memref<1x1x40x128xi32, #tpu.memory_space<hbm>>
      %dma_start3A_79 = tpu.memref_squeeze %dma_start3A_78 : memref<1x1x40x128xi32, #tpu.memory_space<hbm>> -> memref<40x128xi32, #tpu.memory_space<hbm>>
      tpu.enqueue_dma source(%dma_start3A_79 : memref<40x128xi32, #tpu.memory_space<hbm>>) target(%arg10 : memref<40x128xi32, #tpu.memory_space<vmem>>) target_semaphore(%run_scoped3A_71 : memref<!tpu.dma_semaphore, #tpu.memory_space<semaphore_mem>>)
      %dma_wait3A = arith.constant 0 : i32
      %dma_wait3A_80 = arith.constant 0 : i32
      %dma_wait3A_81 = tpu.memref_slice %arg4[%add3A, %run_scoped3A_45, %dma_wait3A, %dma_wait3A_80] : memref<32x2x40x128xi32, #tpu.memory_space<hbm>> -> memref<1x1x40x128xi32, #tpu.memory_space<hbm>>
      %dma_wait3A_82 = tpu.memref_squeeze %dma_wait3A_81 : memref<1x1x40x128xi32, #tpu.memory_space<hbm>> -> memref<40x128xi32, #tpu.memory_space<hbm>>
      %dma_wait3A_83 = arith.constant 0 : i32
      %dma_wait3A_84 = arith.constant 0 : i32
      %dma_wait3A_85 = tpu.memref_slice %arg4[%add3A, %run_scoped3A_45, %dma_wait3A_83, %dma_wait3A_84] : memref<32x2x40x128xi32, #tpu.memory_space<hbm>> -> memref<1x1x40x128xi32, #tpu.memory_space<hbm>>
      %dma_wait3A_86 = tpu.memref_squeeze %dma_wait3A_85 : memref<1x1x40x128xi32, #tpu.memory_space<hbm>> -> memref<40x128xi32, #tpu.memory_space<hbm>>
      tpu.wait_dma2 semaphore(%run_scoped3A_71 : memref<!tpu.dma_semaphore, #tpu.memory_space<semaphore_mem>>) src(%dma_wait3A_86 : memref<40x128xi32, #tpu.memory_space<hbm>>) dst(%arg10 : memref<40x128xi32, #tpu.memory_space<vmem>>)
      tpu.yield
    }) : () -> ()
    %dma_start3A_46 = arith.constant 0 : i32
    %dma_start3A_47 = arith.constant 0 : i32
    %dma_start3A_48 = tpu.memref_slice %arg9[%dma_start3A_46, %dma_start3A_47] : memref<40x128xi32, #tpu.memory_space<vmem>> -> memref<1x128xi32, #tpu.memory_space<vmem>>
    %dma_start3A_49 = tpu.memref_squeeze %dma_start3A_48 : memref<1x128xi32, #tpu.memory_space<vmem>> -> memref<128xi32, #tpu.memory_space<vmem>>
    %dma_start3A_50 = arith.constant 0 : i32
    %dma_start3A_51 = arith.constant 0 : i32
    %dma_start3A_52 = tpu.memref_slice %arg2[%dma_start3A_50, %dma_start3A_51] : memref<10000x128xf32, #tpu.memory_space<hbm>> -> memref<10000x128xf32, #tpu.memory_space<hbm>>
    tpu.enqueue_indirect_dma source(%dma_start3A_52 : memref<10000x128xf32, #tpu.memory_space<hbm>>) target(%arg11 : memref<128x128xf32, #tpu.memory_space<vmem>>) offsets(%dma_start3A_49 : memref<128xi32, #tpu.memory_space<vmem>>) semaphore(%arg13 : memref<!tpu.dma_semaphore, #tpu.memory_space<semaphore_mem>>)
    %dma_start3A_53 = arith.constant 1 : i32
    %dma_start3A_54 = arith.constant 0 : i32
    %dma_start3A_55 = tpu.memref_slice %arg9[%dma_start3A_53, %dma_start3A_54] : memref<40x128xi32, #tpu.memory_space<vmem>> -> memref<1x128xi32, #tpu.memory_space<vmem>>
    %dma_start3A_56 = tpu.memref_squeeze %dma_start3A_55 : memref<1x128xi32, #tpu.memory_space<vmem>> -> memref<128xi32, #tpu.memory_space<vmem>>
    %dma_start3A_57 = arith.constant 0 : i32
    %dma_start3A_58 = arith.constant 0 : i32
    %dma_start3A_59 = tpu.memref_slice %arg2[%dma_start3A_57, %dma_start3A_58] : memref<10000x128xf32, #tpu.memory_space<hbm>> -> memref<10000x128xf32, #tpu.memory_space<hbm>>
    tpu.enqueue_indirect_dma source(%dma_start3A_59 : memref<10000x128xf32, #tpu.memory_space<hbm>>) target(%arg12 : memref<128x128xf32, #tpu.memory_space<vmem>>) offsets(%dma_start3A_56 : memref<128xi32, #tpu.memory_space<vmem>>) semaphore(%arg14 : memref<!tpu.dma_semaphore, #tpu.memory_space<semaphore_mem>>)
    %scan3A_60 = arith.constant 0 : i32
    %scan3A_61 = arith.constant 0 : i32
    %scan3A_62 = arith.constant 20 : i32
    %scan3A_63 = arith.addi %scan3A_61, %scan3A_62 : i32
    %scan3A_64 = arith.constant 1 : i32
    scf.for %scan3A_71 = %scan3A_61 to %scan3A_63 step %scan3A_64  : i32 {
      %mul3A_72 = arith.constant 2 : i32
      %mul3A_73 = arith.muli %mul3A_72, %scan3A_71 : i32
      %dma_wait3A = arith.constant 0 : i32
      %dma_wait3A_74 = arith.constant 0 : i32
      %dma_wait3A_75 = tpu.memref_slice %arg9[%dma_wait3A, %dma_wait3A_74] : memref<40x128xi32, #tpu.memory_space<vmem>> -> memref<1x128xi32, #tpu.memory_space<vmem>>
      %dma_wait3A_76 = tpu.memref_squeeze %dma_wait3A_75 : memref<1x128xi32, #tpu.memory_space<vmem>> -> memref<128xi32, #tpu.memory_space<vmem>>
      %dma_wait3A_77 = arith.constant 0 : i32
      %dma_wait3A_78 = arith.constant 0 : i32
      %dma_wait3A_79 = tpu.memref_slice %arg2[%dma_wait3A_77, %dma_wait3A_78] : memref<10000x128xf32, #tpu.memory_space<hbm>> -> memref<10000x128xf32, #tpu.memory_space<hbm>>
      tpu.wait_indirect_dma semaphore(%arg13 : memref<!tpu.dma_semaphore, #tpu.memory_space<semaphore_mem>>) src(%dma_wait3A_79 : memref<10000x128xf32, #tpu.memory_space<hbm>>) dst(%arg11 : memref<128x128xf32, #tpu.memory_space<vmem>>)
      "tpu.region"() ({
        %run_scoped3A_100 = tpu.sem_alloc : memref<!tpu.dma_semaphore, #tpu.memory_space<semaphore_mem>>
        %dma_start3A_101 = arith.constant 0 : i32
        %dma_start3A_102 = tpu.memref_slice %arg10[%mul3A_73, %dma_start3A_101] : memref<40x128xi32, #tpu.memory_space<vmem>> -> memref<1x128xi32, #tpu.memory_space<vmem>>
        %dma_start3A_103 = tpu.memref_squeeze %dma_start3A_102 : memref<1x128xi32, #tpu.memory_space<vmem>> -> memref<128xi32, #tpu.memory_space<vmem>>
        %dma_start3A_104 = arith.constant 0 : i32
        %dma_start3A_105 = arith.constant 0 : i32
        %dma_start3A_106 = tpu.memref_slice %arg15[%dma_start3A_104, %dma_start3A_105] : memref<10112x128xf32, #tpu.memory_space<vmem_shared>> -> memref<10112x128xf32, #tpu.memory_space<vmem_shared>>
        tpu.enqueue_indirect_dma source(%arg11 : memref<128x128xf32, #tpu.memory_space<vmem>>) target(%dma_start3A_106 : memref<10112x128xf32, #tpu.memory_space<vmem_shared>>) offsets(%dma_start3A_103 : memref<128xi32, #tpu.memory_space<vmem>>) semaphore(%run_scoped3A_100 : memref<!tpu.dma_semaphore, #tpu.memory_space<semaphore_mem>>) {add = true}
        %dma_wait3A_107 = arith.constant 0 : i32
        %dma_wait3A_108 = tpu.memref_slice %arg10[%mul3A_73, %dma_wait3A_107] : memref<40x128xi32, #tpu.memory_space<vmem>> -> memref<1x128xi32, #tpu.memory_space<vmem>>
        %dma_wait3A_109 = tpu.memref_squeeze %dma_wait3A_108 : memref<1x128xi32, #tpu.memory_space<vmem>> -> memref<128xi32, #tpu.memory_space<vmem>>
        %dma_wait3A_110 = arith.constant 0 : i32
        %dma_wait3A_111 = arith.constant 0 : i32
        %dma_wait3A_112 = tpu.memref_slice %arg15[%dma_wait3A_110, %dma_wait3A_111] : memref<10112x128xf32, #tpu.memory_space<vmem_shared>> -> memref<10112x128xf32, #tpu.memory_space<vmem_shared>>
        tpu.wait_indirect_dma semaphore(%run_scoped3A_100 : memref<!tpu.dma_semaphore, #tpu.memory_space<semaphore_mem>>) src(%arg11 : memref<128x128xf32, #tpu.memory_space<vmem>>) dst(%dma_wait3A_112 : memref<10112x128xf32, #tpu.memory_space<vmem_shared>>)
        tpu.yield
      }) : () -> ()
      %add3A_80 = arith.constant 1 : i32
      %add3A_81 = arith.addi %scan3A_71, %add3A_80 : i32
      %lt3A = arith.constant 20 : i32
      %lt3A_82 = arith.cmpi slt, %add3A_81, %lt3A : i32
      %convert_element_type3A = arith.extui %lt3A_82 : i1 to i32
      %cond3A = arith.constant 0 : i32
      %cond3A_83 = arith.cmpi ne, %convert_element_type3A, %cond3A : i32
      scf.if %cond3A_83 {
        %add3A_100 = arith.constant 2 : i32
        %add3A_101 = arith.addi %mul3A_73, %add3A_100 : i32
        %dma_start3A_102 = arith.constant 0 : i32
        %dma_start3A_103 = tpu.memref_slice %arg9[%add3A_101, %dma_start3A_102] : memref<40x128xi32, #tpu.memory_space<vmem>> -> memref<1x128xi32, #tpu.memory_space<vmem>>
        %dma_start3A_104 = tpu.memref_squeeze %dma_start3A_103 : memref<1x128xi32, #tpu.memory_space<vmem>> -> memref<128xi32, #tpu.memory_space<vmem>>
        %dma_start3A_105 = arith.constant 0 : i32
        %dma_start3A_106 = arith.constant 0 : i32
        %dma_start3A_107 = tpu.memref_slice %arg2[%dma_start3A_105, %dma_start3A_106] : memref<10000x128xf32, #tpu.memory_space<hbm>> -> memref<10000x128xf32, #tpu.memory_space<hbm>>
        tpu.enqueue_indirect_dma source(%dma_start3A_107 : memref<10000x128xf32, #tpu.memory_space<hbm>>) target(%arg11 : memref<128x128xf32, #tpu.memory_space<vmem>>) offsets(%dma_start3A_104 : memref<128xi32, #tpu.memory_space<vmem>>) semaphore(%arg13 : memref<!tpu.dma_semaphore, #tpu.memory_space<semaphore_mem>>)
      } else {
      }
      %dma_wait3A_84 = arith.constant 1 : i32
      %dma_wait3A_85 = arith.constant 0 : i32
      %dma_wait3A_86 = tpu.memref_slice %arg9[%dma_wait3A_84, %dma_wait3A_85] : memref<40x128xi32, #tpu.memory_space<vmem>> -> memref<1x128xi32, #tpu.memory_space<vmem>>
      %dma_wait3A_87 = tpu.memref_squeeze %dma_wait3A_86 : memref<1x128xi32, #tpu.memory_space<vmem>> -> memref<128xi32, #tpu.memory_space<vmem>>
      %dma_wait3A_88 = arith.constant 0 : i32
      %dma_wait3A_89 = arith.constant 0 : i32
      %dma_wait3A_90 = tpu.memref_slice %arg2[%dma_wait3A_88, %dma_wait3A_89] : memref<10000x128xf32, #tpu.memory_space<hbm>> -> memref<10000x128xf32, #tpu.memory_space<hbm>>
      tpu.wait_indirect_dma semaphore(%arg14 : memref<!tpu.dma_semaphore, #tpu.memory_space<semaphore_mem>>) src(%dma_wait3A_90 : memref<10000x128xf32, #tpu.memory_space<hbm>>) dst(%arg12 : memref<128x128xf32, #tpu.memory_space<vmem>>)
      %add3A_91 = arith.constant 1 : i32
      %add3A_92 = arith.addi %mul3A_73, %add3A_91 : i32
      "tpu.region"() ({
        %run_scoped3A_100 = tpu.sem_alloc : memref<!tpu.dma_semaphore, #tpu.memory_space<semaphore_mem>>
        %dma_start3A_101 = arith.constant 0 : i32
        %dma_start3A_102 = tpu.memref_slice %arg10[%add3A_92, %dma_start3A_101] : memref<40x128xi32, #tpu.memory_space<vmem>> -> memref<1x128xi32, #tpu.memory_space<vmem>>
        %dma_start3A_103 = tpu.memref_squeeze %dma_start3A_102 : memref<1x128xi32, #tpu.memory_space<vmem>> -> memref<128xi32, #tpu.memory_space<vmem>>
        %dma_start3A_104 = arith.constant 0 : i32
        %dma_start3A_105 = arith.constant 0 : i32
        %dma_start3A_106 = tpu.memref_slice %arg15[%dma_start3A_104, %dma_start3A_105] : memref<10112x128xf32, #tpu.memory_space<vmem_shared>> -> memref<10112x128xf32, #tpu.memory_space<vmem_shared>>
        tpu.enqueue_indirect_dma source(%arg12 : memref<128x128xf32, #tpu.memory_space<vmem>>) target(%dma_start3A_106 : memref<10112x128xf32, #tpu.memory_space<vmem_shared>>) offsets(%dma_start3A_103 : memref<128xi32, #tpu.memory_space<vmem>>) semaphore(%run_scoped3A_100 : memref<!tpu.dma_semaphore, #tpu.memory_space<semaphore_mem>>) {add = true}
        %dma_wait3A_107 = arith.constant 0 : i32
        %dma_wait3A_108 = tpu.memref_slice %arg10[%add3A_92, %dma_wait3A_107] : memref<40x128xi32, #tpu.memory_space<vmem>> -> memref<1x128xi32, #tpu.memory_space<vmem>>
        %dma_wait3A_109 = tpu.memref_squeeze %dma_wait3A_108 : memref<1x128xi32, #tpu.memory_space<vmem>> -> memref<128xi32, #tpu.memory_space<vmem>>
        %dma_wait3A_110 = arith.constant 0 : i32
        %dma_wait3A_111 = arith.constant 0 : i32
        %dma_wait3A_112 = tpu.memref_slice %arg15[%dma_wait3A_110, %dma_wait3A_111] : memref<10112x128xf32, #tpu.memory_space<vmem_shared>> -> memref<10112x128xf32, #tpu.memory_space<vmem_shared>>
        tpu.wait_indirect_dma semaphore(%run_scoped3A_100 : memref<!tpu.dma_semaphore, #tpu.memory_space<semaphore_mem>>) src(%arg12 : memref<128x128xf32, #tpu.memory_space<vmem>>) dst(%dma_wait3A_112 : memref<10112x128xf32, #tpu.memory_space<vmem_shared>>)
        tpu.yield
      }) : () -> ()
      %add3A_93 = arith.constant 1 : i32
      %add3A_94 = arith.addi %scan3A_71, %add3A_93 : i32
      %lt3A_95 = arith.constant 20 : i32
      %lt3A_96 = arith.cmpi slt, %add3A_94, %lt3A_95 : i32
      %convert_element_type3A_97 = arith.extui %lt3A_96 : i1 to i32
      %cond3A_98 = arith.constant 0 : i32
      %cond3A_99 = arith.cmpi ne, %convert_element_type3A_97, %cond3A_98 : i32
      scf.if %cond3A_99 {
        %add3A_100 = arith.constant 3 : i32
        %add3A_101 = arith.addi %mul3A_73, %add3A_100 : i32
        %dma_start3A_102 = arith.constant 0 : i32
        %dma_start3A_103 = tpu.memref_slice %arg9[%add3A_101, %dma_start3A_102] : memref<40x128xi32, #tpu.memory_space<vmem>> -> memref<1x128xi32, #tpu.memory_space<vmem>>
        %dma_start3A_104 = tpu.memref_squeeze %dma_start3A_103 : memref<1x128xi32, #tpu.memory_space<vmem>> -> memref<128xi32, #tpu.memory_space<vmem>>
        %dma_start3A_105 = arith.constant 0 : i32
        %dma_start3A_106 = arith.constant 0 : i32
        %dma_start3A_107 = tpu.memref_slice %arg2[%dma_start3A_105, %dma_start3A_106] : memref<10000x128xf32, #tpu.memory_space<hbm>> -> memref<10000x128xf32, #tpu.memory_space<hbm>>
        tpu.enqueue_indirect_dma source(%dma_start3A_107 : memref<10000x128xf32, #tpu.memory_space<hbm>>) target(%arg12 : memref<128x128xf32, #tpu.memory_space<vmem>>) offsets(%dma_start3A_104 : memref<128xi32, #tpu.memory_space<vmem>>) semaphore(%arg14 : memref<!tpu.dma_semaphore, #tpu.memory_space<semaphore_mem>>)
      } else {
      }
    }
    %scan3A_65 = arith.constant 20 : i32
    %barrier3A_66 = arith.constant 0 : index
    tpu.barrier barrier_id(%barrier3A_66)
    %mul3A_67 = arith.constant 632 : i32
    %mul3A_68 = arith.muli %arg1, %mul3A_67 : i32
    %mul3A_69 = arith.constant 632 : i32
    %mul3A_70 = arith.muli %arg1, %mul3A_69 : i32
    "tpu.region"() ({
      %run_scoped3A_71 = tpu.sem_alloc : memref<!tpu.dma_semaphore, #tpu.memory_space<semaphore_mem>>
      %dma_start3A_72 = arith.constant 0 : i32
      %dma_start3A_73 = tpu.memref_slice %arg7[%arg0, %mul3A_70, %dma_start3A_72] : memref<2x10112x128xf32, #tpu.memory_space<hbm>> -> memref<1x632x128xf32, #tpu.memory_space<hbm>>
      %dma_start3A_74 = tpu.memref_squeeze %dma_start3A_73 : memref<1x632x128xf32, #tpu.memory_space<hbm>> -> memref<632x128xf32, #tpu.memory_space<hbm>>
      %dma_start3A_75 = arith.constant 0 : i32
      %dma_start3A_76 = tpu.memref_slice %arg15[%mul3A_68, %dma_start3A_75] : memref<10112x128xf32, #tpu.memory_space<vmem_shared>> -> memref<632x128xf32, #tpu.memory_space<vmem_shared>>
      tpu.enqueue_dma source(%dma_start3A_76 : memref<632x128xf32, #tpu.memory_space<vmem_shared>>) target(%dma_start3A_74 : memref<632x128xf32, #tpu.memory_space<hbm>>) target_semaphore(%run_scoped3A_71 : memref<!tpu.dma_semaphore, #tpu.memory_space<semaphore_mem>>)
      %dma_wait3A = arith.constant 0 : i32
      %dma_wait3A_77 = tpu.memref_slice %arg7[%arg0, %mul3A_70, %dma_wait3A] : memref<2x10112x128xf32, #tpu.memory_space<hbm>> -> memref<1x632x128xf32, #tpu.memory_space<hbm>>
      %dma_wait3A_78 = tpu.memref_squeeze %dma_wait3A_77 : memref<1x632x128xf32, #tpu.memory_space<hbm>> -> memref<632x128xf32, #tpu.memory_space<hbm>>
      %dma_wait3A_79 = arith.constant 0 : i32
      %dma_wait3A_80 = tpu.memref_slice %arg15[%mul3A_68, %dma_wait3A_79] : memref<10112x128xf32, #tpu.memory_space<vmem_shared>> -> memref<632x128xf32, #tpu.memory_space<vmem_shared>>
      tpu.wait_dma2 semaphore(%run_scoped3A_71 : memref<!tpu.dma_semaphore, #tpu.memory_space<semaphore_mem>>) src(%dma_wait3A_80 : memref<632x128xf32, #tpu.memory_space<vmem_shared>>) dst(%dma_wait3A_78 : memref<632x128xf32, #tpu.memory_space<hbm>>)
      tpu.yield
    }) : () -> ()
    return
  }
}

#map = affine_map<(d0, d1) -> (0, 0)>
#map1 = affine_map<(d0, d1) -> (0, 0, 0, 0)>
#map2 = affine_map<(d0, d1) -> (0, 0, 0)>
module attributes {stable_mosaic.version = 14 : i64} {
  func.func @body(%arg0: i32, %arg1: i32, %arg2: memref<10000x128xf32, #tpu.memory_space<hbm>>, %arg3: memref<32x2x40x128xi32, #tpu.memory_space<hbm>>, %arg4: memref<32x2x40x128xi32, #tpu.memory_space<hbm>>, %arg5: memref<632x128xf32, #tpu.memory_space<hbm>>, %arg6: memref<2x10112x128xf32, #tpu.memory_space<hbm>>, %arg7: memref<40x128xi32, #tpu.memory_space<vmem>>, %arg8: memref<40x128xi32, #tpu.memory_space<vmem>>, %arg9: memref<128x128xf32, #tpu.memory_space<vmem>>, %arg10: memref<128x128xf32, #tpu.memory_space<vmem>>, %arg11: memref<!tpu.dma_semaphore, #tpu.memory_space<semaphore_mem>>, %arg12: memref<!tpu.dma_semaphore, #tpu.memory_space<semaphore_mem>>, %arg13: memref<10112x128xf32, #tpu.memory_space<vmem_shared>>) attributes {dimension_semantics = [#tpu.dimension_semantics<core_parallel>, #tpu.dimension_semantics<subcore_parallel>], iteration_bounds = array<i64: 2, 16>, scalar_prefetch = 0 : i64, scratch_operands = 7 : i64, tpu.core_type = #tpu.core_type<sc_vector_subcore>, window_params = [{transform_indices = #map}, {transform_indices = #map1}, {transform_indices = #map1}, {transform_indices = #map}, {transform_indices = #map2}]} {
    %mul3A = arith.constant 16 : i32
    %mul3A_0 = arith.muli %arg0, %mul3A : i32
    %add3A = arith.addi %mul3A_0, %arg1 : i32
    %mul3A_1 = arith.constant 632 : i32
    %mul3A_2 = arith.muli %arg1, %mul3A_1 : i32
    "tpu.region"() ({
      %run_scoped3A_49 = tpu.sem_alloc : memref<!tpu.dma_semaphore, #tpu.memory_space<semaphore_mem>>
      %dma_start3A_50 = arith.constant 0 : i32
      %dma_start3A_51 = tpu.memref_slice %arg13[%mul3A_2, %dma_start3A_50] : memref<10112x128xf32, #tpu.memory_space<vmem_shared>> -> memref<632x128xf32, #tpu.memory_space<vmem_shared>>
      tpu.enqueue_dma source(%arg5 : memref<632x128xf32, #tpu.memory_space<hbm>>) target(%dma_start3A_51 : memref<632x128xf32, #tpu.memory_space<vmem_shared>>) target_semaphore(%run_scoped3A_49 : memref<!tpu.dma_semaphore, #tpu.memory_space<semaphore_mem>>)
      %dma_wait3A = arith.constant 0 : i32
      %dma_wait3A_52 = tpu.memref_slice %arg13[%mul3A_2, %dma_wait3A] : memref<10112x128xf32, #tpu.memory_space<vmem_shared>> -> memref<632x128xf32, #tpu.memory_space<vmem_shared>>
      tpu.wait_dma2 semaphore(%run_scoped3A_49 : memref<!tpu.dma_semaphore, #tpu.memory_space<semaphore_mem>>) src(%arg5 : memref<632x128xf32, #tpu.memory_space<hbm>>) dst(%dma_wait3A_52 : memref<632x128xf32, #tpu.memory_space<vmem_shared>>)
      tpu.yield
    }) : () -> ()
    %barrier3A = arith.constant 0 : index
    tpu.barrier barrier_id(%barrier3A)
    %run_scoped3A = arith.constant 0 : i32
    "tpu.region"() ({
      %run_scoped3A_49 = tpu.sem_alloc : memref<!tpu.dma_semaphore, #tpu.memory_space<semaphore_mem>>
      %dma_start3A_50 = arith.constant 0 : i32
      %dma_start3A_51 = arith.constant 0 : i32
      %dma_start3A_52 = tpu.memref_slice %arg3[%add3A, %run_scoped3A, %dma_start3A_50, %dma_start3A_51] : memref<32x2x40x128xi32, #tpu.memory_space<hbm>> -> memref<1x1x40x128xi32, #tpu.memory_space<hbm>>
      %dma_start3A_53 = tpu.memref_squeeze %dma_start3A_52 : memref<1x1x40x128xi32, #tpu.memory_space<hbm>> -> memref<40x128xi32, #tpu.memory_space<hbm>>
      %dma_start3A_54 = arith.constant 0 : i32
      %dma_start3A_55 = arith.constant 0 : i32
      %dma_start3A_56 = tpu.memref_slice %arg3[%add3A, %run_scoped3A, %dma_start3A_54, %dma_start3A_55] : memref<32x2x40x128xi32, #tpu.memory_space<hbm>> -> memref<1x1x40x128xi32, #tpu.memory_space<hbm>>
      %dma_start3A_57 = tpu.memref_squeeze %dma_start3A_56 : memref<1x1x40x128xi32, #tpu.memory_space<hbm>> -> memref<40x128xi32, #tpu.memory_space<hbm>>
      tpu.enqueue_dma source(%dma_start3A_57 : memref<40x128xi32, #tpu.memory_space<hbm>>) target(%arg7 : memref<40x128xi32, #tpu.memory_space<vmem>>) target_semaphore(%run_scoped3A_49 : memref<!tpu.dma_semaphore, #tpu.memory_space<semaphore_mem>>)
      %dma_wait3A = arith.constant 0 : i32
      %dma_wait3A_58 = arith.constant 0 : i32
      %dma_wait3A_59 = tpu.memref_slice %arg3[%add3A, %run_scoped3A, %dma_wait3A, %dma_wait3A_58] : memref<32x2x40x128xi32, #tpu.memory_space<hbm>> -> memref<1x1x40x128xi32, #tpu.memory_space<hbm>>
      %dma_wait3A_60 = tpu.memref_squeeze %dma_wait3A_59 : memref<1x1x40x128xi32, #tpu.memory_space<hbm>> -> memref<40x128xi32, #tpu.memory_space<hbm>>
      %dma_wait3A_61 = arith.constant 0 : i32
      %dma_wait3A_62 = arith.constant 0 : i32
      %dma_wait3A_63 = tpu.memref_slice %arg3[%add3A, %run_scoped3A, %dma_wait3A_61, %dma_wait3A_62] : memref<32x2x40x128xi32, #tpu.memory_space<hbm>> -> memref<1x1x40x128xi32, #tpu.memory_space<hbm>>
      %dma_wait3A_64 = tpu.memref_squeeze %dma_wait3A_63 : memref<1x1x40x128xi32, #tpu.memory_space<hbm>> -> memref<40x128xi32, #tpu.memory_space<hbm>>
      tpu.wait_dma2 semaphore(%run_scoped3A_49 : memref<!tpu.dma_semaphore, #tpu.memory_space<semaphore_mem>>) src(%dma_wait3A_64 : memref<40x128xi32, #tpu.memory_space<hbm>>) dst(%arg7 : memref<40x128xi32, #tpu.memory_space<vmem>>)
      tpu.yield
    }) : () -> ()
    %run_scoped3A_3 = arith.constant 0 : i32
    "tpu.region"() ({
      %run_scoped3A_49 = tpu.sem_alloc : memref<!tpu.dma_semaphore, #tpu.memory_space<semaphore_mem>>
      %dma_start3A_50 = arith.constant 0 : i32
      %dma_start3A_51 = arith.constant 0 : i32
      %dma_start3A_52 = tpu.memref_slice %arg4[%add3A, %run_scoped3A_3, %dma_start3A_50, %dma_start3A_51] : memref<32x2x40x128xi32, #tpu.memory_space<hbm>> -> memref<1x1x40x128xi32, #tpu.memory_space<hbm>>
      %dma_start3A_53 = tpu.memref_squeeze %dma_start3A_52 : memref<1x1x40x128xi32, #tpu.memory_space<hbm>> -> memref<40x128xi32, #tpu.memory_space<hbm>>
      %dma_start3A_54 = arith.constant 0 : i32
      %dma_start3A_55 = arith.constant 0 : i32
      %dma_start3A_56 = tpu.memref_slice %arg4[%add3A, %run_scoped3A_3, %dma_start3A_54, %dma_start3A_55] : memref<32x2x40x128xi32, #tpu.memory_space<hbm>> -> memref<1x1x40x128xi32, #tpu.memory_space<hbm>>
      %dma_start3A_57 = tpu.memref_squeeze %dma_start3A_56 : memref<1x1x40x128xi32, #tpu.memory_space<hbm>> -> memref<40x128xi32, #tpu.memory_space<hbm>>
      tpu.enqueue_dma source(%dma_start3A_57 : memref<40x128xi32, #tpu.memory_space<hbm>>) target(%arg8 : memref<40x128xi32, #tpu.memory_space<vmem>>) target_semaphore(%run_scoped3A_49 : memref<!tpu.dma_semaphore, #tpu.memory_space<semaphore_mem>>)
      %dma_wait3A = arith.constant 0 : i32
      %dma_wait3A_58 = arith.constant 0 : i32
      %dma_wait3A_59 = tpu.memref_slice %arg4[%add3A, %run_scoped3A_3, %dma_wait3A, %dma_wait3A_58] : memref<32x2x40x128xi32, #tpu.memory_space<hbm>> -> memref<1x1x40x128xi32, #tpu.memory_space<hbm>>
      %dma_wait3A_60 = tpu.memref_squeeze %dma_wait3A_59 : memref<1x1x40x128xi32, #tpu.memory_space<hbm>> -> memref<40x128xi32, #tpu.memory_space<hbm>>
      %dma_wait3A_61 = arith.constant 0 : i32
      %dma_wait3A_62 = arith.constant 0 : i32
      %dma_wait3A_63 = tpu.memref_slice %arg4[%add3A, %run_scoped3A_3, %dma_wait3A_61, %dma_wait3A_62] : memref<32x2x40x128xi32, #tpu.memory_space<hbm>> -> memref<1x1x40x128xi32, #tpu.memory_space<hbm>>
      %dma_wait3A_64 = tpu.memref_squeeze %dma_wait3A_63 : memref<1x1x40x128xi32, #tpu.memory_space<hbm>> -> memref<40x128xi32, #tpu.memory_space<hbm>>
      tpu.wait_dma2 semaphore(%run_scoped3A_49 : memref<!tpu.dma_semaphore, #tpu.memory_space<semaphore_mem>>) src(%dma_wait3A_64 : memref<40x128xi32, #tpu.memory_space<hbm>>) dst(%arg8 : memref<40x128xi32, #tpu.memory_space<vmem>>)
      tpu.yield
    }) : () -> ()
    %dma_start3A = arith.constant 0 : i32
    %dma_start3A_4 = arith.constant 0 : i32
    %dma_start3A_5 = tpu.memref_slice %arg7[%dma_start3A, %dma_start3A_4] : memref<40x128xi32, #tpu.memory_space<vmem>> -> memref<1x128xi32, #tpu.memory_space<vmem>>
    %dma_start3A_6 = tpu.memref_squeeze %dma_start3A_5 : memref<1x128xi32, #tpu.memory_space<vmem>> -> memref<128xi32, #tpu.memory_space<vmem>>
    %dma_start3A_7 = arith.constant 0 : i32
    %dma_start3A_8 = arith.constant 0 : i32
    %dma_start3A_9 = tpu.memref_slice %arg2[%dma_start3A_7, %dma_start3A_8] : memref<10000x128xf32, #tpu.memory_space<hbm>> -> memref<10000x128xf32, #tpu.memory_space<hbm>>
    tpu.enqueue_indirect_dma source(%dma_start3A_9 : memref<10000x128xf32, #tpu.memory_space<hbm>>) target(%arg9 : memref<128x128xf32, #tpu.memory_space<vmem>>) offsets(%dma_start3A_6 : memref<128xi32, #tpu.memory_space<vmem>>) semaphore(%arg11 : memref<!tpu.dma_semaphore, #tpu.memory_space<semaphore_mem>>)
    %dma_start3A_10 = arith.constant 1 : i32
    %dma_start3A_11 = arith.constant 0 : i32
    %dma_start3A_12 = tpu.memref_slice %arg7[%dma_start3A_10, %dma_start3A_11] : memref<40x128xi32, #tpu.memory_space<vmem>> -> memref<1x128xi32, #tpu.memory_space<vmem>>
    %dma_start3A_13 = tpu.memref_squeeze %dma_start3A_12 : memref<1x128xi32, #tpu.memory_space<vmem>> -> memref<128xi32, #tpu.memory_space<vmem>>
    %dma_start3A_14 = arith.constant 0 : i32
    %dma_start3A_15 = arith.constant 0 : i32
    %dma_start3A_16 = tpu.memref_slice %arg2[%dma_start3A_14, %dma_start3A_15] : memref<10000x128xf32, #tpu.memory_space<hbm>> -> memref<10000x128xf32, #tpu.memory_space<hbm>>
    tpu.enqueue_indirect_dma source(%dma_start3A_16 : memref<10000x128xf32, #tpu.memory_space<hbm>>) target(%arg10 : memref<128x128xf32, #tpu.memory_space<vmem>>) offsets(%dma_start3A_13 : memref<128xi32, #tpu.memory_space<vmem>>) semaphore(%arg12 : memref<!tpu.dma_semaphore, #tpu.memory_space<semaphore_mem>>)
    %scan3A = arith.constant 0 : i32
    %scan3A_17 = arith.constant 0 : i32
    %scan3A_18 = arith.constant 20 : i32
    %scan3A_19 = arith.addi %scan3A_17, %scan3A_18 : i32
    %scan3A_20 = arith.constant 1 : i32
    scf.for %scan3A_49 = %scan3A_17 to %scan3A_19 step %scan3A_20  : i32 {
      %mul3A_50 = arith.constant 2 : i32
      %mul3A_51 = arith.muli %mul3A_50, %scan3A_49 : i32
      %dma_wait3A = arith.constant 0 : i32
      %dma_wait3A_52 = arith.constant 0 : i32
      %dma_wait3A_53 = tpu.memref_slice %arg7[%dma_wait3A, %dma_wait3A_52] : memref<40x128xi32, #tpu.memory_space<vmem>> -> memref<1x128xi32, #tpu.memory_space<vmem>>
      %dma_wait3A_54 = tpu.memref_squeeze %dma_wait3A_53 : memref<1x128xi32, #tpu.memory_space<vmem>> -> memref<128xi32, #tpu.memory_space<vmem>>
      %dma_wait3A_55 = arith.constant 0 : i32
      %dma_wait3A_56 = arith.constant 0 : i32
      %dma_wait3A_57 = tpu.memref_slice %arg2[%dma_wait3A_55, %dma_wait3A_56] : memref<10000x128xf32, #tpu.memory_space<hbm>> -> memref<10000x128xf32, #tpu.memory_space<hbm>>
      tpu.wait_indirect_dma semaphore(%arg11 : memref<!tpu.dma_semaphore, #tpu.memory_space<semaphore_mem>>) src(%dma_wait3A_57 : memref<10000x128xf32, #tpu.memory_space<hbm>>) dst(%arg9 : memref<128x128xf32, #tpu.memory_space<vmem>>)
      "tpu.region"() ({
        %run_scoped3A_78 = tpu.sem_alloc : memref<!tpu.dma_semaphore, #tpu.memory_space<semaphore_mem>>
        %dma_start3A_79 = arith.constant 0 : i32
        %dma_start3A_80 = tpu.memref_slice %arg8[%mul3A_51, %dma_start3A_79] : memref<40x128xi32, #tpu.memory_space<vmem>> -> memref<1x128xi32, #tpu.memory_space<vmem>>
        %dma_start3A_81 = tpu.memref_squeeze %dma_start3A_80 : memref<1x128xi32, #tpu.memory_space<vmem>> -> memref<128xi32, #tpu.memory_space<vmem>>
        %dma_start3A_82 = arith.constant 0 : i32
        %dma_start3A_83 = arith.constant 0 : i32
        %dma_start3A_84 = tpu.memref_slice %arg13[%dma_start3A_82, %dma_start3A_83] : memref<10112x128xf32, #tpu.memory_space<vmem_shared>> -> memref<10112x128xf32, #tpu.memory_space<vmem_shared>>
        tpu.enqueue_indirect_dma source(%arg9 : memref<128x128xf32, #tpu.memory_space<vmem>>) target(%dma_start3A_84 : memref<10112x128xf32, #tpu.memory_space<vmem_shared>>) offsets(%dma_start3A_81 : memref<128xi32, #tpu.memory_space<vmem>>) semaphore(%run_scoped3A_78 : memref<!tpu.dma_semaphore, #tpu.memory_space<semaphore_mem>>) {add = true}
        %dma_wait3A_85 = arith.constant 0 : i32
        %dma_wait3A_86 = tpu.memref_slice %arg8[%mul3A_51, %dma_wait3A_85] : memref<40x128xi32, #tpu.memory_space<vmem>> -> memref<1x128xi32, #tpu.memory_space<vmem>>
        %dma_wait3A_87 = tpu.memref_squeeze %dma_wait3A_86 : memref<1x128xi32, #tpu.memory_space<vmem>> -> memref<128xi32, #tpu.memory_space<vmem>>
        %dma_wait3A_88 = arith.constant 0 : i32
        %dma_wait3A_89 = arith.constant 0 : i32
        %dma_wait3A_90 = tpu.memref_slice %arg13[%dma_wait3A_88, %dma_wait3A_89] : memref<10112x128xf32, #tpu.memory_space<vmem_shared>> -> memref<10112x128xf32, #tpu.memory_space<vmem_shared>>
        tpu.wait_indirect_dma semaphore(%run_scoped3A_78 : memref<!tpu.dma_semaphore, #tpu.memory_space<semaphore_mem>>) src(%arg9 : memref<128x128xf32, #tpu.memory_space<vmem>>) dst(%dma_wait3A_90 : memref<10112x128xf32, #tpu.memory_space<vmem_shared>>)
        tpu.yield
      }) : () -> ()
      %add3A_58 = arith.constant 1 : i32
      %add3A_59 = arith.addi %scan3A_49, %add3A_58 : i32
      %lt3A = arith.constant 20 : i32
      %lt3A_60 = arith.cmpi slt, %add3A_59, %lt3A : i32
      %convert_element_type3A = arith.extui %lt3A_60 : i1 to i32
      %cond3A = arith.constant 0 : i32
      %cond3A_61 = arith.cmpi ne, %convert_element_type3A, %cond3A : i32
      scf.if %cond3A_61 {
        %add3A_78 = arith.constant 2 : i32
        %add3A_79 = arith.addi %mul3A_51, %add3A_78 : i32
        %dma_start3A_80 = arith.constant 0 : i32
        %dma_start3A_81 = tpu.memref_slice %arg7[%add3A_79, %dma_start3A_80] : memref<40x128xi32, #tpu.memory_space<vmem>> -> memref<1x128xi32, #tpu.memory_space<vmem>>
        %dma_start3A_82 = tpu.memref_squeeze %dma_start3A_81 : memref<1x128xi32, #tpu.memory_space<vmem>> -> memref<128xi32, #tpu.memory_space<vmem>>
        %dma_start3A_83 = arith.constant 0 : i32
        %dma_start3A_84 = arith.constant 0 : i32
        %dma_start3A_85 = tpu.memref_slice %arg2[%dma_start3A_83, %dma_start3A_84] : memref<10000x128xf32, #tpu.memory_space<hbm>> -> memref<10000x128xf32, #tpu.memory_space<hbm>>
        tpu.enqueue_indirect_dma source(%dma_start3A_85 : memref<10000x128xf32, #tpu.memory_space<hbm>>) target(%arg9 : memref<128x128xf32, #tpu.memory_space<vmem>>) offsets(%dma_start3A_82 : memref<128xi32, #tpu.memory_space<vmem>>) semaphore(%arg11 : memref<!tpu.dma_semaphore, #tpu.memory_space<semaphore_mem>>)
      } else {
      }
      %dma_wait3A_62 = arith.constant 1 : i32
      %dma_wait3A_63 = arith.constant 0 : i32
      %dma_wait3A_64 = tpu.memref_slice %arg7[%dma_wait3A_62, %dma_wait3A_63] : memref<40x128xi32, #tpu.memory_space<vmem>> -> memref<1x128xi32, #tpu.memory_space<vmem>>
      %dma_wait3A_65 = tpu.memref_squeeze %dma_wait3A_64 : memref<1x128xi32, #tpu.memory_space<vmem>> -> memref<128xi32, #tpu.memory_space<vmem>>
      %dma_wait3A_66 = arith.constant 0 : i32
      %dma_wait3A_67 = arith.constant 0 : i32
      %dma_wait3A_68 = tpu.memref_slice %arg2[%dma_wait3A_66, %dma_wait3A_67] : memref<10000x128xf32, #tpu.memory_space<hbm>> -> memref<10000x128xf32, #tpu.memory_space<hbm>>
      tpu.wait_indirect_dma semaphore(%arg12 : memref<!tpu.dma_semaphore, #tpu.memory_space<semaphore_mem>>) src(%dma_wait3A_68 : memref<10000x128xf32, #tpu.memory_space<hbm>>) dst(%arg10 : memref<128x128xf32, #tpu.memory_space<vmem>>)
      %add3A_69 = arith.constant 1 : i32
      %add3A_70 = arith.addi %mul3A_51, %add3A_69 : i32
      "tpu.region"() ({
        %run_scoped3A_78 = tpu.sem_alloc : memref<!tpu.dma_semaphore, #tpu.memory_space<semaphore_mem>>
        %dma_start3A_79 = arith.constant 0 : i32
        %dma_start3A_80 = tpu.memref_slice %arg8[%add3A_70, %dma_start3A_79] : memref<40x128xi32, #tpu.memory_space<vmem>> -> memref<1x128xi32, #tpu.memory_space<vmem>>
        %dma_start3A_81 = tpu.memref_squeeze %dma_start3A_80 : memref<1x128xi32, #tpu.memory_space<vmem>> -> memref<128xi32, #tpu.memory_space<vmem>>
        %dma_start3A_82 = arith.constant 0 : i32
        %dma_start3A_83 = arith.constant 0 : i32
        %dma_start3A_84 = tpu.memref_slice %arg13[%dma_start3A_82, %dma_start3A_83] : memref<10112x128xf32, #tpu.memory_space<vmem_shared>> -> memref<10112x128xf32, #tpu.memory_space<vmem_shared>>
        tpu.enqueue_indirect_dma source(%arg10 : memref<128x128xf32, #tpu.memory_space<vmem>>) target(%dma_start3A_84 : memref<10112x128xf32, #tpu.memory_space<vmem_shared>>) offsets(%dma_start3A_81 : memref<128xi32, #tpu.memory_space<vmem>>) semaphore(%run_scoped3A_78 : memref<!tpu.dma_semaphore, #tpu.memory_space<semaphore_mem>>) {add = true}
        %dma_wait3A_85 = arith.constant 0 : i32
        %dma_wait3A_86 = tpu.memref_slice %arg8[%add3A_70, %dma_wait3A_85] : memref<40x128xi32, #tpu.memory_space<vmem>> -> memref<1x128xi32, #tpu.memory_space<vmem>>
        %dma_wait3A_87 = tpu.memref_squeeze %dma_wait3A_86 : memref<1x128xi32, #tpu.memory_space<vmem>> -> memref<128xi32, #tpu.memory_space<vmem>>
        %dma_wait3A_88 = arith.constant 0 : i32
        %dma_wait3A_89 = arith.constant 0 : i32
        %dma_wait3A_90 = tpu.memref_slice %arg13[%dma_wait3A_88, %dma_wait3A_89] : memref<10112x128xf32, #tpu.memory_space<vmem_shared>> -> memref<10112x128xf32, #tpu.memory_space<vmem_shared>>
        tpu.wait_indirect_dma semaphore(%run_scoped3A_78 : memref<!tpu.dma_semaphore, #tpu.memory_space<semaphore_mem>>) src(%arg10 : memref<128x128xf32, #tpu.memory_space<vmem>>) dst(%dma_wait3A_90 : memref<10112x128xf32, #tpu.memory_space<vmem_shared>>)
        tpu.yield
      }) : () -> ()
      %add3A_71 = arith.constant 1 : i32
      %add3A_72 = arith.addi %scan3A_49, %add3A_71 : i32
      %lt3A_73 = arith.constant 20 : i32
      %lt3A_74 = arith.cmpi slt, %add3A_72, %lt3A_73 : i32
      %convert_element_type3A_75 = arith.extui %lt3A_74 : i1 to i32
      %cond3A_76 = arith.constant 0 : i32
      %cond3A_77 = arith.cmpi ne, %convert_element_type3A_75, %cond3A_76 : i32
      scf.if %cond3A_77 {
        %add3A_78 = arith.constant 3 : i32
        %add3A_79 = arith.addi %mul3A_51, %add3A_78 : i32
        %dma_start3A_80 = arith.constant 0 : i32
        %dma_start3A_81 = tpu.memref_slice %arg7[%add3A_79, %dma_start3A_80] : memref<40x128xi32, #tpu.memory_space<vmem>> -> memref<1x128xi32, #tpu.memory_space<vmem>>
        %dma_start3A_82 = tpu.memref_squeeze %dma_start3A_81 : memref<1x128xi32, #tpu.memory_space<vmem>> -> memref<128xi32, #tpu.memory_space<vmem>>
        %dma_start3A_83 = arith.constant 0 : i32
        %dma_start3A_84 = arith.constant 0 : i32
        %dma_start3A_85 = tpu.memref_slice %arg2[%dma_start3A_83, %dma_start3A_84] : memref<10000x128xf32, #tpu.memory_space<hbm>> -> memref<10000x128xf32, #tpu.memory_space<hbm>>
        tpu.enqueue_indirect_dma source(%dma_start3A_85 : memref<10000x128xf32, #tpu.memory_space<hbm>>) target(%arg10 : memref<128x128xf32, #tpu.memory_space<vmem>>) offsets(%dma_start3A_82 : memref<128xi32, #tpu.memory_space<vmem>>) semaphore(%arg12 : memref<!tpu.dma_semaphore, #tpu.memory_space<semaphore_mem>>)
      } else {
      }
    }
    %scan3A_21 = arith.constant 20 : i32
    %run_scoped3A_22 = arith.constant 1 : i32
    "tpu.region"() ({
      %run_scoped3A_49 = tpu.sem_alloc : memref<!tpu.dma_semaphore, #tpu.memory_space<semaphore_mem>>
      %dma_start3A_50 = arith.constant 0 : i32
      %dma_start3A_51 = arith.constant 0 : i32
      %dma_start3A_52 = tpu.memref_slice %arg3[%add3A, %run_scoped3A_22, %dma_start3A_50, %dma_start3A_51] : memref<32x2x40x128xi32, #tpu.memory_space<hbm>> -> memref<1x1x40x128xi32, #tpu.memory_space<hbm>>
      %dma_start3A_53 = tpu.memref_squeeze %dma_start3A_52 : memref<1x1x40x128xi32, #tpu.memory_space<hbm>> -> memref<40x128xi32, #tpu.memory_space<hbm>>
      %dma_start3A_54 = arith.constant 0 : i32
      %dma_start3A_55 = arith.constant 0 : i32
      %dma_start3A_56 = tpu.memref_slice %arg3[%add3A, %run_scoped3A_22, %dma_start3A_54, %dma_start3A_55] : memref<32x2x40x128xi32, #tpu.memory_space<hbm>> -> memref<1x1x40x128xi32, #tpu.memory_space<hbm>>
      %dma_start3A_57 = tpu.memref_squeeze %dma_start3A_56 : memref<1x1x40x128xi32, #tpu.memory_space<hbm>> -> memref<40x128xi32, #tpu.memory_space<hbm>>
      tpu.enqueue_dma source(%dma_start3A_57 : memref<40x128xi32, #tpu.memory_space<hbm>>) target(%arg7 : memref<40x128xi32, #tpu.memory_space<vmem>>) target_semaphore(%run_scoped3A_49 : memref<!tpu.dma_semaphore, #tpu.memory_space<semaphore_mem>>)
      %dma_wait3A = arith.constant 0 : i32
      %dma_wait3A_58 = arith.constant 0 : i32
      %dma_wait3A_59 = tpu.memref_slice %arg3[%add3A, %run_scoped3A_22, %dma_wait3A, %dma_wait3A_58] : memref<32x2x40x128xi32, #tpu.memory_space<hbm>> -> memref<1x1x40x128xi32, #tpu.memory_space<hbm>>
      %dma_wait3A_60 = tpu.memref_squeeze %dma_wait3A_59 : memref<1x1x40x128xi32, #tpu.memory_space<hbm>> -> memref<40x128xi32, #tpu.memory_space<hbm>>
      %dma_wait3A_61 = arith.constant 0 : i32
      %dma_wait3A_62 = arith.constant 0 : i32
      %dma_wait3A_63 = tpu.memref_slice %arg3[%add3A, %run_scoped3A_22, %dma_wait3A_61, %dma_wait3A_62] : memref<32x2x40x128xi32, #tpu.memory_space<hbm>> -> memref<1x1x40x128xi32, #tpu.memory_space<hbm>>
      %dma_wait3A_64 = tpu.memref_squeeze %dma_wait3A_63 : memref<1x1x40x128xi32, #tpu.memory_space<hbm>> -> memref<40x128xi32, #tpu.memory_space<hbm>>
      tpu.wait_dma2 semaphore(%run_scoped3A_49 : memref<!tpu.dma_semaphore, #tpu.memory_space<semaphore_mem>>) src(%dma_wait3A_64 : memref<40x128xi32, #tpu.memory_space<hbm>>) dst(%arg7 : memref<40x128xi32, #tpu.memory_space<vmem>>)
      tpu.yield
    }) : () -> ()
    %run_scoped3A_23 = arith.constant 1 : i32
    "tpu.region"() ({
      %run_scoped3A_49 = tpu.sem_alloc : memref<!tpu.dma_semaphore, #tpu.memory_space<semaphore_mem>>
      %dma_start3A_50 = arith.constant 0 : i32
      %dma_start3A_51 = arith.constant 0 : i32
      %dma_start3A_52 = tpu.memref_slice %arg4[%add3A, %run_scoped3A_23, %dma_start3A_50, %dma_start3A_51] : memref<32x2x40x128xi32, #tpu.memory_space<hbm>> -> memref<1x1x40x128xi32, #tpu.memory_space<hbm>>
      %dma_start3A_53 = tpu.memref_squeeze %dma_start3A_52 : memref<1x1x40x128xi32, #tpu.memory_space<hbm>> -> memref<40x128xi32, #tpu.memory_space<hbm>>
      %dma_start3A_54 = arith.constant 0 : i32
      %dma_start3A_55 = arith.constant 0 : i32
      %dma_start3A_56 = tpu.memref_slice %arg4[%add3A, %run_scoped3A_23, %dma_start3A_54, %dma_start3A_55] : memref<32x2x40x128xi32, #tpu.memory_space<hbm>> -> memref<1x1x40x128xi32, #tpu.memory_space<hbm>>
      %dma_start3A_57 = tpu.memref_squeeze %dma_start3A_56 : memref<1x1x40x128xi32, #tpu.memory_space<hbm>> -> memref<40x128xi32, #tpu.memory_space<hbm>>
      tpu.enqueue_dma source(%dma_start3A_57 : memref<40x128xi32, #tpu.memory_space<hbm>>) target(%arg8 : memref<40x128xi32, #tpu.memory_space<vmem>>) target_semaphore(%run_scoped3A_49 : memref<!tpu.dma_semaphore, #tpu.memory_space<semaphore_mem>>)
      %dma_wait3A = arith.constant 0 : i32
      %dma_wait3A_58 = arith.constant 0 : i32
      %dma_wait3A_59 = tpu.memref_slice %arg4[%add3A, %run_scoped3A_23, %dma_wait3A, %dma_wait3A_58] : memref<32x2x40x128xi32, #tpu.memory_space<hbm>> -> memref<1x1x40x128xi32, #tpu.memory_space<hbm>>
      %dma_wait3A_60 = tpu.memref_squeeze %dma_wait3A_59 : memref<1x1x40x128xi32, #tpu.memory_space<hbm>> -> memref<40x128xi32, #tpu.memory_space<hbm>>
      %dma_wait3A_61 = arith.constant 0 : i32
      %dma_wait3A_62 = arith.constant 0 : i32
      %dma_wait3A_63 = tpu.memref_slice %arg4[%add3A, %run_scoped3A_23, %dma_wait3A_61, %dma_wait3A_62] : memref<32x2x40x128xi32, #tpu.memory_space<hbm>> -> memref<1x1x40x128xi32, #tpu.memory_space<hbm>>
      %dma_wait3A_64 = tpu.memref_squeeze %dma_wait3A_63 : memref<1x1x40x128xi32, #tpu.memory_space<hbm>> -> memref<40x128xi32, #tpu.memory_space<hbm>>
      tpu.wait_dma2 semaphore(%run_scoped3A_49 : memref<!tpu.dma_semaphore, #tpu.memory_space<semaphore_mem>>) src(%dma_wait3A_64 : memref<40x128xi32, #tpu.memory_space<hbm>>) dst(%arg8 : memref<40x128xi32, #tpu.memory_space<vmem>>)
      tpu.yield
    }) : () -> ()
    %dma_start3A_24 = arith.constant 0 : i32
    %dma_start3A_25 = arith.constant 0 : i32
    %dma_start3A_26 = tpu.memref_slice %arg7[%dma_start3A_24, %dma_start3A_25] : memref<40x128xi32, #tpu.memory_space<vmem>> -> memref<1x128xi32, #tpu.memory_space<vmem>>
    %dma_start3A_27 = tpu.memref_squeeze %dma_start3A_26 : memref<1x128xi32, #tpu.memory_space<vmem>> -> memref<128xi32, #tpu.memory_space<vmem>>
    %dma_start3A_28 = arith.constant 0 : i32
    %dma_start3A_29 = arith.constant 0 : i32
    %dma_start3A_30 = tpu.memref_slice %arg2[%dma_start3A_28, %dma_start3A_29] : memref<10000x128xf32, #tpu.memory_space<hbm>> -> memref<10000x128xf32, #tpu.memory_space<hbm>>
    tpu.enqueue_indirect_dma source(%dma_start3A_30 : memref<10000x128xf32, #tpu.memory_space<hbm>>) target(%arg9 : memref<128x128xf32, #tpu.memory_space<vmem>>) offsets(%dma_start3A_27 : memref<128xi32, #tpu.memory_space<vmem>>) semaphore(%arg11 : memref<!tpu.dma_semaphore, #tpu.memory_space<semaphore_mem>>)
    %dma_start3A_31 = arith.constant 1 : i32
    %dma_start3A_32 = arith.constant 0 : i32
    %dma_start3A_33 = tpu.memref_slice %arg7[%dma_start3A_31, %dma_start3A_32] : memref<40x128xi32, #tpu.memory_space<vmem>> -> memref<1x128xi32, #tpu.memory_space<vmem>>
    %dma_start3A_34 = tpu.memref_squeeze %dma_start3A_33 : memref<1x128xi32, #tpu.memory_space<vmem>> -> memref<128xi32, #tpu.memory_space<vmem>>
    %dma_start3A_35 = arith.constant 0 : i32
    %dma_start3A_36 = arith.constant 0 : i32
    %dma_start3A_37 = tpu.memref_slice %arg2[%dma_start3A_35, %dma_start3A_36] : memref<10000x128xf32, #tpu.memory_space<hbm>> -> memref<10000x128xf32, #tpu.memory_space<hbm>>
    tpu.enqueue_indirect_dma source(%dma_start3A_37 : memref<10000x128xf32, #tpu.memory_space<hbm>>) target(%arg10 : memref<128x128xf32, #tpu.memory_space<vmem>>) offsets(%dma_start3A_34 : memref<128xi32, #tpu.memory_space<vmem>>) semaphore(%arg12 : memref<!tpu.dma_semaphore, #tpu.memory_space<semaphore_mem>>)
    %scan3A_38 = arith.constant 0 : i32
    %scan3A_39 = arith.constant 0 : i32
    %scan3A_40 = arith.constant 20 : i32
    %scan3A_41 = arith.addi %scan3A_39, %scan3A_40 : i32
    %scan3A_42 = arith.constant 1 : i32
    scf.for %scan3A_49 = %scan3A_39 to %scan3A_41 step %scan3A_42  : i32 {
      %mul3A_50 = arith.constant 2 : i32
      %mul3A_51 = arith.muli %mul3A_50, %scan3A_49 : i32
      %dma_wait3A = arith.constant 0 : i32
      %dma_wait3A_52 = arith.constant 0 : i32
      %dma_wait3A_53 = tpu.memref_slice %arg7[%dma_wait3A, %dma_wait3A_52] : memref<40x128xi32, #tpu.memory_space<vmem>> -> memref<1x128xi32, #tpu.memory_space<vmem>>
      %dma_wait3A_54 = tpu.memref_squeeze %dma_wait3A_53 : memref<1x128xi32, #tpu.memory_space<vmem>> -> memref<128xi32, #tpu.memory_space<vmem>>
      %dma_wait3A_55 = arith.constant 0 : i32
      %dma_wait3A_56 = arith.constant 0 : i32
      %dma_wait3A_57 = tpu.memref_slice %arg2[%dma_wait3A_55, %dma_wait3A_56] : memref<10000x128xf32, #tpu.memory_space<hbm>> -> memref<10000x128xf32, #tpu.memory_space<hbm>>
      tpu.wait_indirect_dma semaphore(%arg11 : memref<!tpu.dma_semaphore, #tpu.memory_space<semaphore_mem>>) src(%dma_wait3A_57 : memref<10000x128xf32, #tpu.memory_space<hbm>>) dst(%arg9 : memref<128x128xf32, #tpu.memory_space<vmem>>)
      "tpu.region"() ({
        %run_scoped3A_78 = tpu.sem_alloc : memref<!tpu.dma_semaphore, #tpu.memory_space<semaphore_mem>>
        %dma_start3A_79 = arith.constant 0 : i32
        %dma_start3A_80 = tpu.memref_slice %arg8[%mul3A_51, %dma_start3A_79] : memref<40x128xi32, #tpu.memory_space<vmem>> -> memref<1x128xi32, #tpu.memory_space<vmem>>
        %dma_start3A_81 = tpu.memref_squeeze %dma_start3A_80 : memref<1x128xi32, #tpu.memory_space<vmem>> -> memref<128xi32, #tpu.memory_space<vmem>>
        %dma_start3A_82 = arith.constant 0 : i32
        %dma_start3A_83 = arith.constant 0 : i32
        %dma_start3A_84 = tpu.memref_slice %arg13[%dma_start3A_82, %dma_start3A_83] : memref<10112x128xf32, #tpu.memory_space<vmem_shared>> -> memref<10112x128xf32, #tpu.memory_space<vmem_shared>>
        tpu.enqueue_indirect_dma source(%arg9 : memref<128x128xf32, #tpu.memory_space<vmem>>) target(%dma_start3A_84 : memref<10112x128xf32, #tpu.memory_space<vmem_shared>>) offsets(%dma_start3A_81 : memref<128xi32, #tpu.memory_space<vmem>>) semaphore(%run_scoped3A_78 : memref<!tpu.dma_semaphore, #tpu.memory_space<semaphore_mem>>) {add = true}
        %dma_wait3A_85 = arith.constant 0 : i32
        %dma_wait3A_86 = tpu.memref_slice %arg8[%mul3A_51, %dma_wait3A_85] : memref<40x128xi32, #tpu.memory_space<vmem>> -> memref<1x128xi32, #tpu.memory_space<vmem>>
        %dma_wait3A_87 = tpu.memref_squeeze %dma_wait3A_86 : memref<1x128xi32, #tpu.memory_space<vmem>> -> memref<128xi32, #tpu.memory_space<vmem>>
        %dma_wait3A_88 = arith.constant 0 : i32
        %dma_wait3A_89 = arith.constant 0 : i32
        %dma_wait3A_90 = tpu.memref_slice %arg13[%dma_wait3A_88, %dma_wait3A_89] : memref<10112x128xf32, #tpu.memory_space<vmem_shared>> -> memref<10112x128xf32, #tpu.memory_space<vmem_shared>>
        tpu.wait_indirect_dma semaphore(%run_scoped3A_78 : memref<!tpu.dma_semaphore, #tpu.memory_space<semaphore_mem>>) src(%arg9 : memref<128x128xf32, #tpu.memory_space<vmem>>) dst(%dma_wait3A_90 : memref<10112x128xf32, #tpu.memory_space<vmem_shared>>)
        tpu.yield
      }) : () -> ()
      %add3A_58 = arith.constant 1 : i32
      %add3A_59 = arith.addi %scan3A_49, %add3A_58 : i32
      %lt3A = arith.constant 20 : i32
      %lt3A_60 = arith.cmpi slt, %add3A_59, %lt3A : i32
      %convert_element_type3A = arith.extui %lt3A_60 : i1 to i32
      %cond3A = arith.constant 0 : i32
      %cond3A_61 = arith.cmpi ne, %convert_element_type3A, %cond3A : i32
      scf.if %cond3A_61 {
        %add3A_78 = arith.constant 2 : i32
        %add3A_79 = arith.addi %mul3A_51, %add3A_78 : i32
        %dma_start3A_80 = arith.constant 0 : i32
        %dma_start3A_81 = tpu.memref_slice %arg7[%add3A_79, %dma_start3A_80] : memref<40x128xi32, #tpu.memory_space<vmem>> -> memref<1x128xi32, #tpu.memory_space<vmem>>
        %dma_start3A_82 = tpu.memref_squeeze %dma_start3A_81 : memref<1x128xi32, #tpu.memory_space<vmem>> -> memref<128xi32, #tpu.memory_space<vmem>>
        %dma_start3A_83 = arith.constant 0 : i32
        %dma_start3A_84 = arith.constant 0 : i32
        %dma_start3A_85 = tpu.memref_slice %arg2[%dma_start3A_83, %dma_start3A_84] : memref<10000x128xf32, #tpu.memory_space<hbm>> -> memref<10000x128xf32, #tpu.memory_space<hbm>>
        tpu.enqueue_indirect_dma source(%dma_start3A_85 : memref<10000x128xf32, #tpu.memory_space<hbm>>) target(%arg9 : memref<128x128xf32, #tpu.memory_space<vmem>>) offsets(%dma_start3A_82 : memref<128xi32, #tpu.memory_space<vmem>>) semaphore(%arg11 : memref<!tpu.dma_semaphore, #tpu.memory_space<semaphore_mem>>)
      } else {
      }
      %dma_wait3A_62 = arith.constant 1 : i32
      %dma_wait3A_63 = arith.constant 0 : i32
      %dma_wait3A_64 = tpu.memref_slice %arg7[%dma_wait3A_62, %dma_wait3A_63] : memref<40x128xi32, #tpu.memory_space<vmem>> -> memref<1x128xi32, #tpu.memory_space<vmem>>
      %dma_wait3A_65 = tpu.memref_squeeze %dma_wait3A_64 : memref<1x128xi32, #tpu.memory_space<vmem>> -> memref<128xi32, #tpu.memory_space<vmem>>
      %dma_wait3A_66 = arith.constant 0 : i32
      %dma_wait3A_67 = arith.constant 0 : i32
      %dma_wait3A_68 = tpu.memref_slice %arg2[%dma_wait3A_66, %dma_wait3A_67] : memref<10000x128xf32, #tpu.memory_space<hbm>> -> memref<10000x128xf32, #tpu.memory_space<hbm>>
      tpu.wait_indirect_dma semaphore(%arg12 : memref<!tpu.dma_semaphore, #tpu.memory_space<semaphore_mem>>) src(%dma_wait3A_68 : memref<10000x128xf32, #tpu.memory_space<hbm>>) dst(%arg10 : memref<128x128xf32, #tpu.memory_space<vmem>>)
      %add3A_69 = arith.constant 1 : i32
      %add3A_70 = arith.addi %mul3A_51, %add3A_69 : i32
      "tpu.region"() ({
        %run_scoped3A_78 = tpu.sem_alloc : memref<!tpu.dma_semaphore, #tpu.memory_space<semaphore_mem>>
        %dma_start3A_79 = arith.constant 0 : i32
        %dma_start3A_80 = tpu.memref_slice %arg8[%add3A_70, %dma_start3A_79] : memref<40x128xi32, #tpu.memory_space<vmem>> -> memref<1x128xi32, #tpu.memory_space<vmem>>
        %dma_start3A_81 = tpu.memref_squeeze %dma_start3A_80 : memref<1x128xi32, #tpu.memory_space<vmem>> -> memref<128xi32, #tpu.memory_space<vmem>>
        %dma_start3A_82 = arith.constant 0 : i32
        %dma_start3A_83 = arith.constant 0 : i32
        %dma_start3A_84 = tpu.memref_slice %arg13[%dma_start3A_82, %dma_start3A_83] : memref<10112x128xf32, #tpu.memory_space<vmem_shared>> -> memref<10112x128xf32, #tpu.memory_space<vmem_shared>>
        tpu.enqueue_indirect_dma source(%arg10 : memref<128x128xf32, #tpu.memory_space<vmem>>) target(%dma_start3A_84 : memref<10112x128xf32, #tpu.memory_space<vmem_shared>>) offsets(%dma_start3A_81 : memref<128xi32, #tpu.memory_space<vmem>>) semaphore(%run_scoped3A_78 : memref<!tpu.dma_semaphore, #tpu.memory_space<semaphore_mem>>) {add = true}
        %dma_wait3A_85 = arith.constant 0 : i32
        %dma_wait3A_86 = tpu.memref_slice %arg8[%add3A_70, %dma_wait3A_85] : memref<40x128xi32, #tpu.memory_space<vmem>> -> memref<1x128xi32, #tpu.memory_space<vmem>>
        %dma_wait3A_87 = tpu.memref_squeeze %dma_wait3A_86 : memref<1x128xi32, #tpu.memory_space<vmem>> -> memref<128xi32, #tpu.memory_space<vmem>>
        %dma_wait3A_88 = arith.constant 0 : i32
        %dma_wait3A_89 = arith.constant 0 : i32
        %dma_wait3A_90 = tpu.memref_slice %arg13[%dma_wait3A_88, %dma_wait3A_89] : memref<10112x128xf32, #tpu.memory_space<vmem_shared>> -> memref<10112x128xf32, #tpu.memory_space<vmem_shared>>
        tpu.wait_indirect_dma semaphore(%run_scoped3A_78 : memref<!tpu.dma_semaphore, #tpu.memory_space<semaphore_mem>>) src(%arg10 : memref<128x128xf32, #tpu.memory_space<vmem>>) dst(%dma_wait3A_90 : memref<10112x128xf32, #tpu.memory_space<vmem_shared>>)
        tpu.yield
      }) : () -> ()
      %add3A_71 = arith.constant 1 : i32
      %add3A_72 = arith.addi %scan3A_49, %add3A_71 : i32
      %lt3A_73 = arith.constant 20 : i32
      %lt3A_74 = arith.cmpi slt, %add3A_72, %lt3A_73 : i32
      %convert_element_type3A_75 = arith.extui %lt3A_74 : i1 to i32
      %cond3A_76 = arith.constant 0 : i32
      %cond3A_77 = arith.cmpi ne, %convert_element_type3A_75, %cond3A_76 : i32
      scf.if %cond3A_77 {
        %add3A_78 = arith.constant 3 : i32
        %add3A_79 = arith.addi %mul3A_51, %add3A_78 : i32
        %dma_start3A_80 = arith.constant 0 : i32
        %dma_start3A_81 = tpu.memref_slice %arg7[%add3A_79, %dma_start3A_80] : memref<40x128xi32, #tpu.memory_space<vmem>> -> memref<1x128xi32, #tpu.memory_space<vmem>>
        %dma_start3A_82 = tpu.memref_squeeze %dma_start3A_81 : memref<1x128xi32, #tpu.memory_space<vmem>> -> memref<128xi32, #tpu.memory_space<vmem>>
        %dma_start3A_83 = arith.constant 0 : i32
        %dma_start3A_84 = arith.constant 0 : i32
        %dma_start3A_85 = tpu.memref_slice %arg2[%dma_start3A_83, %dma_start3A_84] : memref<10000x128xf32, #tpu.memory_space<hbm>> -> memref<10000x128xf32, #tpu.memory_space<hbm>>
        tpu.enqueue_indirect_dma source(%dma_start3A_85 : memref<10000x128xf32, #tpu.memory_space<hbm>>) target(%arg10 : memref<128x128xf32, #tpu.memory_space<vmem>>) offsets(%dma_start3A_82 : memref<128xi32, #tpu.memory_space<vmem>>) semaphore(%arg12 : memref<!tpu.dma_semaphore, #tpu.memory_space<semaphore_mem>>)
      } else {
      }
    }
    %scan3A_43 = arith.constant 20 : i32
    %barrier3A_44 = arith.constant 0 : index
    tpu.barrier barrier_id(%barrier3A_44)
    %mul3A_45 = arith.constant 632 : i32
    %mul3A_46 = arith.muli %arg1, %mul3A_45 : i32
    %mul3A_47 = arith.constant 632 : i32
    %mul3A_48 = arith.muli %arg1, %mul3A_47 : i32
    "tpu.region"() ({
      %run_scoped3A_49 = tpu.sem_alloc : memref<!tpu.dma_semaphore, #tpu.memory_space<semaphore_mem>>
      %dma_start3A_50 = arith.constant 0 : i32
      %dma_start3A_51 = tpu.memref_slice %arg6[%arg0, %mul3A_48, %dma_start3A_50] : memref<2x10112x128xf32, #tpu.memory_space<hbm>> -> memref<1x632x128xf32, #tpu.memory_space<hbm>>
      %dma_start3A_52 = tpu.memref_squeeze %dma_start3A_51 : memref<1x632x128xf32, #tpu.memory_space<hbm>> -> memref<632x128xf32, #tpu.memory_space<hbm>>
      %dma_start3A_53 = arith.constant 0 : i32
      %dma_start3A_54 = tpu.memref_slice %arg13[%mul3A_46, %dma_start3A_53] : memref<10112x128xf32, #tpu.memory_space<vmem_shared>> -> memref<632x128xf32, #tpu.memory_space<vmem_shared>>
      tpu.enqueue_dma source(%dma_start3A_54 : memref<632x128xf32, #tpu.memory_space<vmem_shared>>) target(%dma_start3A_52 : memref<632x128xf32, #tpu.memory_space<hbm>>) target_semaphore(%run_scoped3A_49 : memref<!tpu.dma_semaphore, #tpu.memory_space<semaphore_mem>>)
      %dma_wait3A = arith.constant 0 : i32
      %dma_wait3A_55 = tpu.memref_slice %arg6[%arg0, %mul3A_48, %dma_wait3A] : memref<2x10112x128xf32, #tpu.memory_space<hbm>> -> memref<1x632x128xf32, #tpu.memory_space<hbm>>
      %dma_wait3A_56 = tpu.memref_squeeze %dma_wait3A_55 : memref<1x632x128xf32, #tpu.memory_space<hbm>> -> memref<632x128xf32, #tpu.memory_space<hbm>>
      %dma_wait3A_57 = arith.constant 0 : i32
      %dma_wait3A_58 = tpu.memref_slice %arg13[%mul3A_46, %dma_wait3A_57] : memref<10112x128xf32, #tpu.memory_space<vmem_shared>> -> memref<632x128xf32, #tpu.memory_space<vmem_shared>>
      tpu.wait_dma2 semaphore(%run_scoped3A_49 : memref<!tpu.dma_semaphore, #tpu.memory_space<semaphore_mem>>) src(%dma_wait3A_58 : memref<632x128xf32, #tpu.memory_space<vmem_shared>>) dst(%dma_wait3A_56 : memref<632x128xf32, #tpu.memory_space<hbm>>)
      tpu.yield
    }) : () -> ()
    return
  }
}

module attributes {stable_mosaic.version = 14 : i64} {
  func.func @_a1_body(%arg0: i32, %arg1: memref<2000x128xf32, #tpu.memory_space<vmem>>, %arg2: memref<128x128xf32, #tpu.memory_space<vmem>>, %arg3: memref<128x128xf32, #tpu.memory_space<vmem>>, %arg4: memref<2000x128xf32, #tpu.memory_space<vmem>>, %arg5: memref<2000x128xf32, #tpu.memory_space<vmem>>) attributes {dimension_semantics = [#tpu.dimension_semantics<arbitrary>], iteration_bounds = array<i64: 5>, scalar_prefetch = 0 : i64, scratch_operands = 0 : i64, tpu.core_type = #tpu.core_type<tc>, window_params = [{transform_indices = @transform_0, window_bounds = array<i64: 2000, 128>}, {pipeline_mode = #tpu.pipeline_mode<synchronous>, transform_indices = @transform_1, window_bounds = array<i64: 128, 128>}, {pipeline_mode = #tpu.pipeline_mode<synchronous>, transform_indices = @transform_2, window_bounds = array<i64: 128, 128>}, {transform_indices = @transform_3, window_bounds = array<i64: 2000, 128>}, {transform_indices = @transform_4, window_bounds = array<i64: 2000, 128>}]} {
    %get3A = arith.constant 0 : index
    %get3A_0 = arith.constant 0 : index
    %get3A_1 = vector.load %arg1[%get3A, %get3A_0] : memref<2000x128xf32, #tpu.memory_space<vmem>>, vector<2000x128xf32>
    %get3A_2 = arith.constant 0 : index
    %get3A_3 = arith.constant 0 : index
    %get3A_4 = vector.load %arg2[%get3A_2, %get3A_3] : memref<128x128xf32, #tpu.memory_space<vmem>>, vector<128x128xf32>
    %dot_general3A = arith.constant dense<0.000000e+00> : vector<2000x128xf32>
    %dot_general3A_5 = tpu.matmul %get3A_1, %get3A_4, %dot_general3A {dimension_numbers = #tpu.dot_dimension_numbers<[1], [0], [0], [1], [0, 0, 1, 1], [], []>, precision = #tpu.contract_precision<fp32>, transpose_lhs_hint = false} : vector<2000x128xf32>, vector<128x128xf32>, vector<2000x128xf32> -> vector<2000x128xf32>
    %swap3A = arith.constant 0 : index
    %swap3A_6 = arith.constant 0 : index
    %swap3A_7 = vector.load %arg4[%swap3A, %swap3A_6] : memref<2000x128xf32, #tpu.memory_space<vmem>>, vector<2000x128xf32>
    tpu.vector_store %arg4[%swap3A, %swap3A_6], %dot_general3A_5 {strides = array<i32>} : memref<2000x128xf32, #tpu.memory_space<vmem>>, vector<2000x128xf32>,
    %get3A_8 = arith.constant 0 : index
    %get3A_9 = arith.constant 0 : index
    %get3A_10 = vector.load %arg1[%get3A_8, %get3A_9] : memref<2000x128xf32, #tpu.memory_space<vmem>>, vector<2000x128xf32>
    %get3A_11 = arith.constant 0 : index
    %get3A_12 = arith.constant 0 : index
    %get3A_13 = vector.load %arg3[%get3A_11, %get3A_12] : memref<128x128xf32, #tpu.memory_space<vmem>>, vector<128x128xf32>
    %dot_general3A_14 = arith.constant dense<0.000000e+00> : vector<2000x128xf32>
    %dot_general3A_15 = tpu.matmul %get3A_10, %get3A_13, %dot_general3A_14 {dimension_numbers = #tpu.dot_dimension_numbers<[1], [0], [0], [1], [0, 0, 1, 1], [], []>, precision = #tpu.contract_precision<fp32>, transpose_lhs_hint = false} : vector<2000x128xf32>, vector<128x128xf32>, vector<2000x128xf32> -> vector<2000x128xf32>
    %swap3A_16 = arith.constant 0 : index
    %swap3A_17 = arith.constant 0 : index
    %swap3A_18 = vector.load %arg5[%swap3A_16, %swap3A_17] : memref<2000x128xf32, #tpu.memory_space<vmem>>, vector<2000x128xf32>
    tpu.vector_store %arg5[%swap3A_16, %swap3A_17], %dot_general3A_15 {strides = array<i32>} : memref<2000x128xf32, #tpu.memory_space<vmem>>, vector<2000x128xf32>,
    return
  }
  func.func @transform_0(%arg0: i32) -> (i32, i32) {
    %c0_i32 = arith.constant 0 : i32
    %c0_i32_0 = arith.constant 0 : i32
    return %arg0, %c0_i32 : i32, i32
  }
  func.func @transform_1(%arg0: i32) -> (i32, i32) {
    %c0_i32 = arith.constant 0 : i32
    %c0_i32_0 = arith.constant 0 : i32
    %c0_i32_1 = arith.constant 0 : i32
    return %c0_i32, %c0_i32_0 : i32, i32
  }
  func.func @transform_2(%arg0: i32) -> (i32, i32) {
    %c0_i32 = arith.constant 0 : i32
    %c0_i32_0 = arith.constant 0 : i32
    %c0_i32_1 = arith.constant 0 : i32
    return %c0_i32, %c0_i32_0 : i32, i32
  }
  func.func @transform_3(%arg0: i32) -> (i32, i32) {
    %c0_i32 = arith.constant 0 : i32
    %c0_i32_0 = arith.constant 0 : i32
    return %arg0, %c0_i32 : i32, i32
  }
  func.func @transform_4(%arg0: i32) -> (i32, i32) {
    %c0_i32 = arith.constant 0 : i32
    %c0_i32_0 = arith.constant 0 : i32
    return %arg0, %c0_i32 : i32, i32
  }
}

module attributes {stable_mosaic.version = 14 : i64} {
  func.func @body(%arg0: i32, %arg1: memref<2000x128xf32, #tpu.memory_space<vmem>>, %arg2: memref<2000x128xf32, #tpu.memory_space<vmem>>, %arg3: memref<2000x8xf32, #tpu.memory_space<vmem>>, %arg4: memref<2000x8xf32, #tpu.memory_space<vmem>>, %arg5: memref<2000x128xf32, #tpu.memory_space<vmem>>, %arg6: memref<1x128xf32, #tpu.memory_space<vmem>>, %arg7: memref<1x128xf32, #tpu.memory_space<vmem>>, %arg8: memref<1x128xf32, #tpu.memory_space<vmem>>, %arg9: memref<1x128xf32, #tpu.memory_space<vmem>>, %arg10: memref<1x128xf32, #tpu.memory_space<vmem>>, %arg11: memref<128x128xf32, #tpu.memory_space<vmem>>, %arg12: memref<128x128xf32, #tpu.memory_space<vmem>>, %arg13: memref<2000x128xf32, #tpu.memory_space<vmem>>, %arg14: memref<2000x128xf32, #tpu.memory_space<vmem>>, %arg15: memref<2000x128xf32, #tpu.memory_space<vmem>>) attributes {dimension_semantics = [#tpu.dimension_semantics<arbitrary>], iteration_bounds = array<i64: 5>, scalar_prefetch = 0 : i64, scratch_operands = 0 : i64, tpu.core_type = #tpu.core_type<tc>, window_params = [{transform_indices = @transform_0, window_bounds = array<i64: 2000, 128>}, {transform_indices = @transform_1, window_bounds = array<i64: 2000, 128>}, {transform_indices = @transform_2, window_bounds = array<i64: 2000, 8>}, {transform_indices = @transform_3, window_bounds = array<i64: 2000, 8>}, {transform_indices = @transform_4, window_bounds = array<i64: 2000, 128>}, {pipeline_mode = #tpu.pipeline_mode<synchronous>, transform_indices = @transform_5, window_bounds = array<i64: 1, 128>}, {pipeline_mode = #tpu.pipeline_mode<synchronous>, transform_indices = @transform_6, window_bounds = array<i64: 1, 128>}, {pipeline_mode = #tpu.pipeline_mode<synchronous>, transform_indices = @transform_7, window_bounds = array<i64: 1, 128>}, {pipeline_mode = #tpu.pipeline_mode<synchronous>, transform_indices = @transform_8, window_bounds = array<i64: 1, 128>}, {pipeline_mode = #tpu.pipeline_mode<synchronous>, transform_indices = @transform_9, window_bounds = array<i64: 1, 128>}, {pipeline_mode = #tpu.pipeline_mode<synchronous>, transform_indices = @transform_10, window_bounds = array<i64: 128, 128>}, {pipeline_mode = #tpu.pipeline_mode<synchronous>, transform_indices = @transform_11, window_bounds = array<i64: 128, 128>}, {transform_indices = @transform_12, window_bounds = array<i64: 2000, 128>}, {transform_indices = @transform_13, window_bounds = array<i64: 2000, 128>}, {transform_indices = @transform_14, window_bounds = array<i64: 2000, 128>}]} {
    %get3A = arith.constant 0 : index
    %get3A_0 = arith.constant 0 : index
    %get3A_1 = vector.load %arg1[%get3A, %get3A_0] : memref<2000x128xf32, #tpu.memory_space<vmem>>, vector<2000x128xf32>
    %get3A_2 = arith.constant 0 : index
    %get3A_3 = arith.constant 0 : index
    %get3A_4 = vector.load %arg2[%get3A_2, %get3A_3] : memref<2000x128xf32, #tpu.memory_space<vmem>>, vector<2000x128xf32>
    %add3A = arith.addf %get3A_1, %get3A_4 : vector<2000x128xf32>
    %get3A_5 = arith.constant 0 : index
    %get3A_6 = arith.constant 0 : index
    %get3A_7 = vector.load %arg3[%get3A_5, %get3A_6] : memref<2000x8xf32, #tpu.memory_space<vmem>>, vector<2000x8xf32>
    %get3A_8 = arith.constant 0 : index
    %get3A_9 = arith.constant 0 : index
    %get3A_10 = vector.load %arg4[%get3A_8, %get3A_9] : memref<2000x8xf32, #tpu.memory_space<vmem>>, vector<2000x8xf32>
    %add3A_11 = arith.addf %get3A_7, %get3A_10 : vector<2000x8xf32>
    %slice3A = vector.extract_strided_slice %add3A_11 {offsets = [0, 0], sizes = [2000, 1], strides = [1, 1]} : vector<2000x8xf32> to vector<2000x1xf32>
    %max3A = arith.constant 1.000000e+00 : f32
    %max3A_12 = vector.broadcast %max3A : f32 to vector<2000x1xf32>
    %max3A_13 = arith.maximumf %slice3A, %max3A_12 : vector<2000x1xf32>
    %div3A = arith.constant 1.000000e+00 : f32
    %div3A_14 = vector.broadcast %div3A : f32 to vector<2000x1xf32>
    %div3A_15 = arith.divf %div3A_14, %max3A_13 : vector<2000x1xf32>
    %mul3A = vector.broadcast %div3A_15 : vector<2000x1xf32> to vector<2000x128xf32>
    %mul3A_16 = arith.mulf %add3A, %mul3A : vector<2000x128xf32>
    %get3A_17 = arith.constant 0 : index
    %get3A_18 = arith.constant 0 : index
    %get3A_19 = vector.load %arg5[%get3A_17, %get3A_18] : memref<2000x128xf32, #tpu.memory_space<vmem>>, vector<2000x128xf32>
    %add3A_20 = arith.addf %mul3A_16, %get3A_19 : vector<2000x128xf32>
    %get3A_21 = arith.constant 0 : index
    %get3A_22 = arith.constant 0 : index
    %get3A_23 = vector.load %arg6[%get3A_21, %get3A_22] : memref<1x128xf32, #tpu.memory_space<vmem>>, vector<1x128xf32>
    %add3A_24 = vector.broadcast %get3A_23 : vector<1x128xf32> to vector<2000x128xf32>
    %add3A_25 = arith.addf %add3A_20, %add3A_24 : vector<2000x128xf32>
    %get3A_26 = arith.constant 0 : index
    %get3A_27 = arith.constant 0 : index
    %get3A_28 = vector.load %arg7[%get3A_26, %get3A_27] : memref<1x128xf32, #tpu.memory_space<vmem>>, vector<1x128xf32>
    %get3A_29 = arith.constant 0 : index
    %get3A_30 = arith.constant 0 : index
    %get3A_31 = vector.load %arg10[%get3A_29, %get3A_30] : memref<1x128xf32, #tpu.memory_space<vmem>>, vector<1x128xf32>
    %add3A_32 = arith.constant 9.99999974E-6 : f32
    %add3A_33 = vector.broadcast %add3A_32 : f32 to vector<1x128xf32>
    %add3A_34 = arith.addf %get3A_31, %add3A_33 : vector<1x128xf32>
    %rsqrt3A = math.rsqrt %add3A_34 : vector<1x128xf32>
    %mul3A_35 = arith.mulf %get3A_28, %rsqrt3A : vector<1x128xf32>
    %get3A_36 = arith.constant 0 : index
    %get3A_37 = arith.constant 0 : index
    %get3A_38 = vector.load %arg9[%get3A_36, %get3A_37] : memref<1x128xf32, #tpu.memory_space<vmem>>, vector<1x128xf32>
    %sub3A = vector.broadcast %get3A_38 : vector<1x128xf32> to vector<2000x128xf32>
    %sub3A_39 = arith.subf %add3A_25, %sub3A : vector<2000x128xf32>
    %mul3A_40 = vector.broadcast %mul3A_35 : vector<1x128xf32> to vector<2000x128xf32>
    %mul3A_41 = arith.mulf %sub3A_39, %mul3A_40 : vector<2000x128xf32>
    %get3A_42 = arith.constant 0 : index
    %get3A_43 = arith.constant 0 : index
    %get3A_44 = vector.load %arg8[%get3A_42, %get3A_43] : memref<1x128xf32, #tpu.memory_space<vmem>>, vector<1x128xf32>
    %add3A_45 = vector.broadcast %get3A_44 : vector<1x128xf32> to vector<2000x128xf32>
    %add3A_46 = arith.addf %mul3A_41, %add3A_45 : vector<2000x128xf32>
    %max3A_47 = arith.constant 0.000000e+00 : f32
    %max3A_48 = vector.broadcast %max3A_47 : f32 to vector<2000x128xf32>
    %max3A_49 = arith.maximumf %add3A_46, %max3A_48 : vector<2000x128xf32>
    %swap3A = arith.constant 0 : index
    %swap3A_50 = arith.constant 0 : index
    %swap3A_51 = vector.load %arg13[%swap3A, %swap3A_50] : memref<2000x128xf32, #tpu.memory_space<vmem>>, vector<2000x128xf32>
    tpu.vector_store %arg13[%swap3A, %swap3A_50], %max3A_49 {strides = array<i32>} : memref<2000x128xf32, #tpu.memory_space<vmem>>, vector<2000x128xf32>,
    %get3A_52 = arith.constant 0 : index
    %get3A_53 = arith.constant 0 : index
    %get3A_54 = vector.load %arg11[%get3A_52, %get3A_53] : memref<128x128xf32, #tpu.memory_space<vmem>>, vector<128x128xf32>
    %dot_general3A = arith.constant dense<0.000000e+00> : vector<2000x128xf32>
    %dot_general3A_55 = tpu.matmul %max3A_49, %get3A_54, %dot_general3A {dimension_numbers = #tpu.dot_dimension_numbers<[1], [0], [0], [1], [0, 0, 1, 1], [], []>, precision = #tpu.contract_precision<fp32>, transpose_lhs_hint = false} : vector<2000x128xf32>, vector<128x128xf32>, vector<2000x128xf32> -> vector<2000x128xf32>
    %swap3A_56 = arith.constant 0 : index
    %swap3A_57 = arith.constant 0 : index
    %swap3A_58 = vector.load %arg14[%swap3A_56, %swap3A_57] : memref<2000x128xf32, #tpu.memory_space<vmem>>, vector<2000x128xf32>
    tpu.vector_store %arg14[%swap3A_56, %swap3A_57], %dot_general3A_55 {strides = array<i32>} : memref<2000x128xf32, #tpu.memory_space<vmem>>, vector<2000x128xf32>,
    %get3A_59 = arith.constant 0 : index
    %get3A_60 = arith.constant 0 : index
    %get3A_61 = vector.load %arg12[%get3A_59, %get3A_60] : memref<128x128xf32, #tpu.memory_space<vmem>>, vector<128x128xf32>
    %dot_general3A_62 = arith.constant dense<0.000000e+00> : vector<2000x128xf32>
    %dot_general3A_63 = tpu.matmul %max3A_49, %get3A_61, %dot_general3A_62 {dimension_numbers = #tpu.dot_dimension_numbers<[1], [0], [0], [1], [0, 0, 1, 1], [], []>, precision = #tpu.contract_precision<fp32>, transpose_lhs_hint = false} : vector<2000x128xf32>, vector<128x128xf32>, vector<2000x128xf32> -> vector<2000x128xf32>
    %swap3A_64 = arith.constant 0 : index
    %swap3A_65 = arith.constant 0 : index
    %swap3A_66 = vector.load %arg15[%swap3A_64, %swap3A_65] : memref<2000x128xf32, #tpu.memory_space<vmem>>, vector<2000x128xf32>
    tpu.vector_store %arg15[%swap3A_64, %swap3A_65], %dot_general3A_63 {strides = array<i32>} : memref<2000x128xf32, #tpu.memory_space<vmem>>, vector<2000x128xf32>,
    return
  }
  func.func @transform_0(%arg0: i32) -> (i32, i32) {
    %c0_i32 = arith.constant 0 : i32
    %c0_i32_0 = arith.constant 0 : i32
    return %arg0, %c0_i32 : i32, i32
  }
  func.func @transform_1(%arg0: i32) -> (i32, i32) {
    %c0_i32 = arith.constant 0 : i32
    %c0_i32_0 = arith.constant 0 : i32
    return %arg0, %c0_i32 : i32, i32
  }
  func.func @transform_2(%arg0: i32) -> (i32, i32) {
    %c0_i32 = arith.constant 0 : i32
    %c0_i32_0 = arith.constant 0 : i32
    return %arg0, %c0_i32 : i32, i32
  }
  func.func @transform_3(%arg0: i32) -> (i32, i32) {
    %c0_i32 = arith.constant 0 : i32
    %c0_i32_0 = arith.constant 0 : i32
    return %arg0, %c0_i32 : i32, i32
  }
  func.func @transform_4(%arg0: i32) -> (i32, i32) {
    %c0_i32 = arith.constant 0 : i32
    %c0_i32_0 = arith.constant 0 : i32
    return %arg0, %c0_i32 : i32, i32
  }
  func.func @transform_5(%arg0: i32) -> (i32, i32) {
    %c0_i32 = arith.constant 0 : i32
    %c0_i32_0 = arith.constant 0 : i32
    %c0_i32_1 = arith.constant 0 : i32
    return %c0_i32, %c0_i32_0 : i32, i32
  }
  func.func @transform_6(%arg0: i32) -> (i32, i32) {
    %c0_i32 = arith.constant 0 : i32
    %c0_i32_0 = arith.constant 0 : i32
    %c0_i32_1 = arith.constant 0 : i32
    return %c0_i32, %c0_i32_0 : i32, i32
  }
  func.func @transform_7(%arg0: i32) -> (i32, i32) {
    %c0_i32 = arith.constant 0 : i32
    %c0_i32_0 = arith.constant 0 : i32
    %c0_i32_1 = arith.constant 0 : i32
    return %c0_i32, %c0_i32_0 : i32, i32
  }
  func.func @transform_8(%arg0: i32) -> (i32, i32) {
    %c0_i32 = arith.constant 0 : i32
    %c0_i32_0 = arith.constant 0 : i32
    %c0_i32_1 = arith.constant 0 : i32
    return %c0_i32, %c0_i32_0 : i32, i32
  }
  func.func @transform_9(%arg0: i32) -> (i32, i32) {
    %c0_i32 = arith.constant 0 : i32
    %c0_i32_0 = arith.constant 0 : i32
    %c0_i32_1 = arith.constant 0 : i32
    return %c0_i32, %c0_i32_0 : i32, i32
  }
  func.func @transform_10(%arg0: i32) -> (i32, i32) {
    %c0_i32 = arith.constant 0 : i32
    %c0_i32_0 = arith.constant 0 : i32
    %c0_i32_1 = arith.constant 0 : i32
    return %c0_i32, %c0_i32_0 : i32, i32
  }
  func.func @transform_11(%arg0: i32) -> (i32, i32) {
    %c0_i32 = arith.constant 0 : i32
    %c0_i32_0 = arith.constant 0 : i32
    %c0_i32_1 = arith.constant 0 : i32
    return %c0_i32, %c0_i32_0 : i32, i32
  }
  func.func @transform_12(%arg0: i32) -> (i32, i32) {
    %c0_i32 = arith.constant 0 : i32
    %c0_i32_0 = arith.constant 0 : i32
    return %arg0, %c0_i32 : i32, i32
  }
  func.func @transform_13(%arg0: i32) -> (i32, i32) {
    %c0_i32 = arith.constant 0 : i32
    %c0_i32_0 = arith.constant 0 : i32
    return %arg0, %c0_i32 : i32, i32
  }
  func.func @transform_14(%arg0: i32) -> (i32, i32) {
    %c0_i32 = arith.constant 0 : i32
    %c0_i32_0 = arith.constant 0 : i32
    return %arg0, %c0_i32 : i32, i32
  }
}

module attributes {stable_mosaic.version = 14 : i64} {
  func.func @body(%arg0: i32, %arg1: memref<2000x128xf32, #tpu.memory_space<vmem>>, %arg2: memref<2000x128xf32, #tpu.memory_space<vmem>>, %arg3: memref<2000x8xf32, #tpu.memory_space<vmem>>, %arg4: memref<2000x8xf32, #tpu.memory_space<vmem>>, %arg5: memref<2000x128xf32, #tpu.memory_space<vmem>>, %arg6: memref<1x128xf32, #tpu.memory_space<vmem>>, %arg7: memref<1x128xf32, #tpu.memory_space<vmem>>, %arg8: memref<1x128xf32, #tpu.memory_space<vmem>>, %arg9: memref<1x128xf32, #tpu.memory_space<vmem>>, %arg10: memref<1x128xf32, #tpu.memory_space<vmem>>, %arg11: memref<128x64xf32, #tpu.memory_space<vmem>>, %arg12: memref<2000x128xf32, #tpu.memory_space<vmem>>, %arg13: memref<2000x64xf32, #tpu.memory_space<vmem>>) attributes {dimension_semantics = [#tpu.dimension_semantics<arbitrary>], iteration_bounds = array<i64: 5>, scalar_prefetch = 0 : i64, scratch_operands = 0 : i64, tpu.core_type = #tpu.core_type<tc>, window_params = [{transform_indices = @transform_0, window_bounds = array<i64: 2000, 128>}, {transform_indices = @transform_1, window_bounds = array<i64: 2000, 128>}, {transform_indices = @transform_2, window_bounds = array<i64: 2000, 8>}, {transform_indices = @transform_3, window_bounds = array<i64: 2000, 8>}, {transform_indices = @transform_4, window_bounds = array<i64: 2000, 128>}, {pipeline_mode = #tpu.pipeline_mode<synchronous>, transform_indices = @transform_5, window_bounds = array<i64: 1, 128>}, {pipeline_mode = #tpu.pipeline_mode<synchronous>, transform_indices = @transform_6, window_bounds = array<i64: 1, 128>}, {pipeline_mode = #tpu.pipeline_mode<synchronous>, transform_indices = @transform_7, window_bounds = array<i64: 1, 128>}, {pipeline_mode = #tpu.pipeline_mode<synchronous>, transform_indices = @transform_8, window_bounds = array<i64: 1, 128>}, {pipeline_mode = #tpu.pipeline_mode<synchronous>, transform_indices = @transform_9, window_bounds = array<i64: 1, 128>}, {pipeline_mode = #tpu.pipeline_mode<synchronous>, transform_indices = @transform_10, window_bounds = array<i64: 128, 64>}, {transform_indices = @transform_11, window_bounds = array<i64: 2000, 128>}, {transform_indices = @transform_12, window_bounds = array<i64: 2000, 64>}]} {
    %get3A = arith.constant 0 : index
    %get3A_0 = arith.constant 0 : index
    %get3A_1 = vector.load %arg1[%get3A, %get3A_0] : memref<2000x128xf32, #tpu.memory_space<vmem>>, vector<2000x128xf32>
    %get3A_2 = arith.constant 0 : index
    %get3A_3 = arith.constant 0 : index
    %get3A_4 = vector.load %arg2[%get3A_2, %get3A_3] : memref<2000x128xf32, #tpu.memory_space<vmem>>, vector<2000x128xf32>
    %add3A = arith.addf %get3A_1, %get3A_4 : vector<2000x128xf32>
    %get3A_5 = arith.constant 0 : index
    %get3A_6 = arith.constant 0 : index
    %get3A_7 = vector.load %arg3[%get3A_5, %get3A_6] : memref<2000x8xf32, #tpu.memory_space<vmem>>, vector<2000x8xf32>
    %get3A_8 = arith.constant 0 : index
    %get3A_9 = arith.constant 0 : index
    %get3A_10 = vector.load %arg4[%get3A_8, %get3A_9] : memref<2000x8xf32, #tpu.memory_space<vmem>>, vector<2000x8xf32>
    %add3A_11 = arith.addf %get3A_7, %get3A_10 : vector<2000x8xf32>
    %slice3A = vector.extract_strided_slice %add3A_11 {offsets = [0, 0], sizes = [2000, 1], strides = [1, 1]} : vector<2000x8xf32> to vector<2000x1xf32>
    %max3A = arith.constant 1.000000e+00 : f32
    %max3A_12 = vector.broadcast %max3A : f32 to vector<2000x1xf32>
    %max3A_13 = arith.maximumf %slice3A, %max3A_12 : vector<2000x1xf32>
    %div3A = arith.constant 1.000000e+00 : f32
    %div3A_14 = vector.broadcast %div3A : f32 to vector<2000x1xf32>
    %div3A_15 = arith.divf %div3A_14, %max3A_13 : vector<2000x1xf32>
    %mul3A = vector.broadcast %div3A_15 : vector<2000x1xf32> to vector<2000x128xf32>
    %mul3A_16 = arith.mulf %add3A, %mul3A : vector<2000x128xf32>
    %get3A_17 = arith.constant 0 : index
    %get3A_18 = arith.constant 0 : index
    %get3A_19 = vector.load %arg5[%get3A_17, %get3A_18] : memref<2000x128xf32, #tpu.memory_space<vmem>>, vector<2000x128xf32>
    %add3A_20 = arith.addf %mul3A_16, %get3A_19 : vector<2000x128xf32>
    %get3A_21 = arith.constant 0 : index
    %get3A_22 = arith.constant 0 : index
    %get3A_23 = vector.load %arg6[%get3A_21, %get3A_22] : memref<1x128xf32, #tpu.memory_space<vmem>>, vector<1x128xf32>
    %add3A_24 = vector.broadcast %get3A_23 : vector<1x128xf32> to vector<2000x128xf32>
    %add3A_25 = arith.addf %add3A_20, %add3A_24 : vector<2000x128xf32>
    %get3A_26 = arith.constant 0 : index
    %get3A_27 = arith.constant 0 : index
    %get3A_28 = vector.load %arg7[%get3A_26, %get3A_27] : memref<1x128xf32, #tpu.memory_space<vmem>>, vector<1x128xf32>
    %get3A_29 = arith.constant 0 : index
    %get3A_30 = arith.constant 0 : index
    %get3A_31 = vector.load %arg10[%get3A_29, %get3A_30] : memref<1x128xf32, #tpu.memory_space<vmem>>, vector<1x128xf32>
    %add3A_32 = arith.constant 9.99999974E-6 : f32
    %add3A_33 = vector.broadcast %add3A_32 : f32 to vector<1x128xf32>
    %add3A_34 = arith.addf %get3A_31, %add3A_33 : vector<1x128xf32>
    %rsqrt3A = math.rsqrt %add3A_34 : vector<1x128xf32>
    %mul3A_35 = arith.mulf %get3A_28, %rsqrt3A : vector<1x128xf32>
    %get3A_36 = arith.constant 0 : index
    %get3A_37 = arith.constant 0 : index
    %get3A_38 = vector.load %arg9[%get3A_36, %get3A_37] : memref<1x128xf32, #tpu.memory_space<vmem>>, vector<1x128xf32>
    %sub3A = vector.broadcast %get3A_38 : vector<1x128xf32> to vector<2000x128xf32>
    %sub3A_39 = arith.subf %add3A_25, %sub3A : vector<2000x128xf32>
    %mul3A_40 = vector.broadcast %mul3A_35 : vector<1x128xf32> to vector<2000x128xf32>
    %mul3A_41 = arith.mulf %sub3A_39, %mul3A_40 : vector<2000x128xf32>
    %get3A_42 = arith.constant 0 : index
    %get3A_43 = arith.constant 0 : index
    %get3A_44 = vector.load %arg8[%get3A_42, %get3A_43] : memref<1x128xf32, #tpu.memory_space<vmem>>, vector<1x128xf32>
    %add3A_45 = vector.broadcast %get3A_44 : vector<1x128xf32> to vector<2000x128xf32>
    %add3A_46 = arith.addf %mul3A_41, %add3A_45 : vector<2000x128xf32>
    %max3A_47 = arith.constant 0.000000e+00 : f32
    %max3A_48 = vector.broadcast %max3A_47 : f32 to vector<2000x128xf32>
    %max3A_49 = arith.maximumf %add3A_46, %max3A_48 : vector<2000x128xf32>
    %swap3A = arith.constant 0 : index
    %swap3A_50 = arith.constant 0 : index
    %swap3A_51 = vector.load %arg12[%swap3A, %swap3A_50] : memref<2000x128xf32, #tpu.memory_space<vmem>>, vector<2000x128xf32>
    tpu.vector_store %arg12[%swap3A, %swap3A_50], %max3A_49 {strides = array<i32>} : memref<2000x128xf32, #tpu.memory_space<vmem>>, vector<2000x128xf32>,
    %get3A_52 = arith.constant 0 : index
    %get3A_53 = arith.constant 0 : index
    %get3A_54 = vector.load %arg11[%get3A_52, %get3A_53] : memref<128x64xf32, #tpu.memory_space<vmem>>, vector<128x64xf32>
    %dot_general3A = arith.constant dense<0.000000e+00> : vector<2000x64xf32>
    %dot_general3A_55 = tpu.matmul %max3A_49, %get3A_54, %dot_general3A {dimension_numbers = #tpu.dot_dimension_numbers<[1], [0], [0], [1], [0, 0, 1, 1], [], []>, precision = #tpu.contract_precision<fp32>, transpose_lhs_hint = false} : vector<2000x128xf32>, vector<128x64xf32>, vector<2000x64xf32> -> vector<2000x64xf32>
    %swap3A_56 = arith.constant 0 : index
    %swap3A_57 = arith.constant 0 : index
    %swap3A_58 = vector.load %arg13[%swap3A_56, %swap3A_57] : memref<2000x64xf32, #tpu.memory_space<vmem>>, vector<2000x64xf32>
    tpu.vector_store %arg13[%swap3A_56, %swap3A_57], %dot_general3A_55 {strides = array<i32>} : memref<2000x64xf32, #tpu.memory_space<vmem>>, vector<2000x64xf32>,
    return
  }
  func.func @transform_0(%arg0: i32) -> (i32, i32) {
    %c0_i32 = arith.constant 0 : i32
    %c0_i32_0 = arith.constant 0 : i32
    return %arg0, %c0_i32 : i32, i32
  }
  func.func @transform_1(%arg0: i32) -> (i32, i32) {
    %c0_i32 = arith.constant 0 : i32
    %c0_i32_0 = arith.constant 0 : i32
    return %arg0, %c0_i32 : i32, i32
  }
  func.func @transform_2(%arg0: i32) -> (i32, i32) {
    %c0_i32 = arith.constant 0 : i32
    %c0_i32_0 = arith.constant 0 : i32
    return %arg0, %c0_i32 : i32, i32
  }
  func.func @transform_3(%arg0: i32) -> (i32, i32) {
    %c0_i32 = arith.constant 0 : i32
    %c0_i32_0 = arith.constant 0 : i32
    return %arg0, %c0_i32 : i32, i32
  }
  func.func @transform_4(%arg0: i32) -> (i32, i32) {
    %c0_i32 = arith.constant 0 : i32
    %c0_i32_0 = arith.constant 0 : i32
    return %arg0, %c0_i32 : i32, i32
  }
  func.func @transform_5(%arg0: i32) -> (i32, i32) {
    %c0_i32 = arith.constant 0 : i32
    %c0_i32_0 = arith.constant 0 : i32
    %c0_i32_1 = arith.constant 0 : i32
    return %c0_i32, %c0_i32_0 : i32, i32
  }
  func.func @transform_6(%arg0: i32) -> (i32, i32) {
    %c0_i32 = arith.constant 0 : i32
    %c0_i32_0 = arith.constant 0 : i32
    %c0_i32_1 = arith.constant 0 : i32
    return %c0_i32, %c0_i32_0 : i32, i32
  }
  func.func @transform_7(%arg0: i32) -> (i32, i32) {
    %c0_i32 = arith.constant 0 : i32
    %c0_i32_0 = arith.constant 0 : i32
    %c0_i32_1 = arith.constant 0 : i32
    return %c0_i32, %c0_i32_0 : i32, i32
  }
  func.func @transform_8(%arg0: i32) -> (i32, i32) {
    %c0_i32 = arith.constant 0 : i32
    %c0_i32_0 = arith.constant 0 : i32
    %c0_i32_1 = arith.constant 0 : i32
    return %c0_i32, %c0_i32_0 : i32, i32
  }
  func.func @transform_9(%arg0: i32) -> (i32, i32) {
    %c0_i32 = arith.constant 0 : i32
    %c0_i32_0 = arith.constant 0 : i32
    %c0_i32_1 = arith.constant 0 : i32
    return %c0_i32, %c0_i32_0 : i32, i32
  }
  func.func @transform_10(%arg0: i32) -> (i32, i32) {
    %c0_i32 = arith.constant 0 : i32
    %c0_i32_0 = arith.constant 0 : i32
    %c0_i32_1 = arith.constant 0 : i32
    return %c0_i32, %c0_i32_0 : i32, i32
  }
  func.func @transform_11(%arg0: i32) -> (i32, i32) {
    %c0_i32 = arith.constant 0 : i32
    %c0_i32_0 = arith.constant 0 : i32
    return %arg0, %c0_i32 : i32, i32
  }
  func.func @transform_12(%arg0: i32) -> (i32, i32) {
    %c0_i32 = arith.constant 0 : i32
    %c0_i32_0 = arith.constant 0 : i32
    return %arg0, %c0_i32 : i32, i32
  }
}

module attributes {stable_mosaic.version = 14 : i64} {
  func.func @_a4_body(%arg0: i32, %arg1: memref<2000x128xf32, #tpu.memory_space<vmem>>, %arg2: memref<2000x128xf32, #tpu.memory_space<vmem>>, %arg3: memref<2000x8xf32, #tpu.memory_space<vmem>>, %arg4: memref<2000x8xf32, #tpu.memory_space<vmem>>, %arg5: memref<2000x64xf32, #tpu.memory_space<vmem>>, %arg6: memref<1x64xf32, #tpu.memory_space<vmem>>, %arg7: memref<128x64xf32, #tpu.memory_space<vmem>>, %arg8: memref<2000x64xf32, #tpu.memory_space<vmem>>, %arg9: memref<2000x64xf32, #tpu.memory_space<vmem>>) attributes {dimension_semantics = [#tpu.dimension_semantics<arbitrary>], iteration_bounds = array<i64: 5>, scalar_prefetch = 0 : i64, scratch_operands = 0 : i64, tpu.core_type = #tpu.core_type<tc>, window_params = [{transform_indices = @transform_0, window_bounds = array<i64: 2000, 128>}, {transform_indices = @transform_1, window_bounds = array<i64: 2000, 128>}, {transform_indices = @transform_2, window_bounds = array<i64: 2000, 8>}, {transform_indices = @transform_3, window_bounds = array<i64: 2000, 8>}, {transform_indices = @transform_4, window_bounds = array<i64: 2000, 64>}, {pipeline_mode = #tpu.pipeline_mode<synchronous>, transform_indices = @transform_5, window_bounds = array<i64: 1, 64>}, {pipeline_mode = #tpu.pipeline_mode<synchronous>, transform_indices = @transform_6, window_bounds = array<i64: 128, 64>}, {transform_indices = @transform_7, window_bounds = array<i64: 2000, 64>}, {transform_indices = @transform_8, window_bounds = array<i64: 2000, 64>}]} {
    %get3A = arith.constant 0 : index
    %get3A_0 = arith.constant 0 : index
    %get3A_1 = vector.load %arg1[%get3A, %get3A_0] : memref<2000x128xf32, #tpu.memory_space<vmem>>, vector<2000x128xf32>
    %get3A_2 = arith.constant 0 : index
    %get3A_3 = arith.constant 0 : index
    %get3A_4 = vector.load %arg2[%get3A_2, %get3A_3] : memref<2000x128xf32, #tpu.memory_space<vmem>>, vector<2000x128xf32>
    %add3A = arith.addf %get3A_1, %get3A_4 : vector<2000x128xf32>
    %get3A_5 = arith.constant 0 : index
    %get3A_6 = arith.constant 0 : index
    %get3A_7 = vector.load %arg3[%get3A_5, %get3A_6] : memref<2000x8xf32, #tpu.memory_space<vmem>>, vector<2000x8xf32>
    %get3A_8 = arith.constant 0 : index
    %get3A_9 = arith.constant 0 : index
    %get3A_10 = vector.load %arg4[%get3A_8, %get3A_9] : memref<2000x8xf32, #tpu.memory_space<vmem>>, vector<2000x8xf32>
    %add3A_11 = arith.addf %get3A_7, %get3A_10 : vector<2000x8xf32>
    %slice3A = vector.extract_strided_slice %add3A_11 {offsets = [0, 0], sizes = [2000, 1], strides = [1, 1]} : vector<2000x8xf32> to vector<2000x1xf32>
    %max3A = arith.constant 1.000000e+00 : f32
    %max3A_12 = vector.broadcast %max3A : f32 to vector<2000x1xf32>
    %max3A_13 = arith.maximumf %slice3A, %max3A_12 : vector<2000x1xf32>
    %div3A = arith.constant 1.000000e+00 : f32
    %div3A_14 = vector.broadcast %div3A : f32 to vector<2000x1xf32>
    %div3A_15 = arith.divf %div3A_14, %max3A_13 : vector<2000x1xf32>
    %mul3A = vector.broadcast %div3A_15 : vector<2000x1xf32> to vector<2000x128xf32>
    %mul3A_16 = arith.mulf %add3A, %mul3A : vector<2000x128xf32>
    %get3A_17 = arith.constant 0 : index
    %get3A_18 = arith.constant 0 : index
    %get3A_19 = vector.load %arg7[%get3A_17, %get3A_18] : memref<128x64xf32, #tpu.memory_space<vmem>>, vector<128x64xf32>
    %dot_general3A = arith.constant dense<0.000000e+00> : vector<2000x64xf32>
    %dot_general3A_20 = tpu.matmul %mul3A_16, %get3A_19, %dot_general3A {dimension_numbers = #tpu.dot_dimension_numbers<[1], [0], [0], [1], [0, 0, 1, 1], [], []>, precision = #tpu.contract_precision<fp32>, transpose_lhs_hint = false} : vector<2000x128xf32>, vector<128x64xf32>, vector<2000x64xf32> -> vector<2000x64xf32>
    %get3A_21 = arith.constant 0 : index
    %get3A_22 = arith.constant 0 : index
    %get3A_23 = vector.load %arg5[%get3A_21, %get3A_22] : memref<2000x64xf32, #tpu.memory_space<vmem>>, vector<2000x64xf32>
    %add3A_24 = arith.addf %dot_general3A_20, %get3A_23 : vector<2000x64xf32>
    %get3A_25 = arith.constant 0 : index
    %get3A_26 = arith.constant 0 : index
    %get3A_27 = vector.load %arg6[%get3A_25, %get3A_26] : memref<1x64xf32, #tpu.memory_space<vmem>>, vector<1x64xf32>
    %add3A_28 = vector.broadcast %get3A_27 : vector<1x64xf32> to vector<2000x64xf32>
    %add3A_29 = arith.addf %add3A_24, %add3A_28 : vector<2000x64xf32>
    %swap3A = arith.constant 0 : index
    %swap3A_30 = arith.constant 0 : index
    %swap3A_31 = vector.load %arg8[%swap3A, %swap3A_30] : memref<2000x64xf32, #tpu.memory_space<vmem>>, vector<2000x64xf32>
    tpu.vector_store %arg8[%swap3A, %swap3A_30], %add3A_29 {strides = array<i32>} : memref<2000x64xf32, #tpu.memory_space<vmem>>, vector<2000x64xf32>,
    %reduce_max3A = arith.constant dense<0xFF800000> : vector<2000xf32>
    %reduce_max3A_32 = vector.multi_reduction <maximumf>, %add3A_29, %reduce_max3A [1] : vector<2000x64xf32> to vector<2000xf32>
    %broadcast_in_dim3A = vector.shape_cast %reduce_max3A_32 : vector<2000xf32> to vector<2000x1xf32>
    %sub3A = vector.broadcast %broadcast_in_dim3A : vector<2000x1xf32> to vector<2000x64xf32>
    %sub3A_33 = arith.subf %add3A_29, %sub3A : vector<2000x64xf32>
    %exp3A = math.exp %sub3A_33 : vector<2000x64xf32>
    %reduce_sum3A = arith.constant dense<0.000000e+00> : vector<2000xf32>
    %reduce_sum3A_34 = vector.multi_reduction <add>, %exp3A, %reduce_sum3A [1] : vector<2000x64xf32> to vector<2000xf32>
    %broadcast_in_dim3A_35 = vector.shape_cast %reduce_sum3A_34 : vector<2000xf32> to vector<2000x1xf32>
    %log3A = math.log %broadcast_in_dim3A_35 : vector<2000x1xf32>
    %add3A_36 = arith.addf %log3A, %broadcast_in_dim3A : vector<2000x1xf32>
    %sub3A_37 = vector.broadcast %add3A_36 : vector<2000x1xf32> to vector<2000x64xf32>
    %sub3A_38 = arith.subf %add3A_29, %sub3A_37 : vector<2000x64xf32>
    %swap3A_39 = arith.constant 0 : index
    %swap3A_40 = arith.constant 0 : index
    %swap3A_41 = vector.load %arg9[%swap3A_39, %swap3A_40] : memref<2000x64xf32, #tpu.memory_space<vmem>>, vector<2000x64xf32>
    tpu.vector_store %arg9[%swap3A_39, %swap3A_40], %sub3A_38 {strides = array<i32>} : memref<2000x64xf32, #tpu.memory_space<vmem>>, vector<2000x64xf32>,
    return
  }
  func.func @transform_0(%arg0: i32) -> (i32, i32) {
    %c0_i32 = arith.constant 0 : i32
    %c0_i32_0 = arith.constant 0 : i32
    return %arg0, %c0_i32 : i32, i32
  }
  func.func @transform_1(%arg0: i32) -> (i32, i32) {
    %c0_i32 = arith.constant 0 : i32
    %c0_i32_0 = arith.constant 0 : i32
    return %arg0, %c0_i32 : i32, i32
  }
  func.func @transform_2(%arg0: i32) -> (i32, i32) {
    %c0_i32 = arith.constant 0 : i32
    %c0_i32_0 = arith.constant 0 : i32
    return %arg0, %c0_i32 : i32, i32
  }
  func.func @transform_3(%arg0: i32) -> (i32, i32) {
    %c0_i32 = arith.constant 0 : i32
    %c0_i32_0 = arith.constant 0 : i32
    return %arg0, %c0_i32 : i32, i32
  }
  func.func @transform_4(%arg0: i32) -> (i32, i32) {
    %c0_i32 = arith.constant 0 : i32
    %c0_i32_0 = arith.constant 0 : i32
    return %arg0, %c0_i32 : i32, i32
  }
  func.func @transform_5(%arg0: i32) -> (i32, i32) {
    %c0_i32 = arith.constant 0 : i32
    %c0_i32_0 = arith.constant 0 : i32
    %c0_i32_1 = arith.constant 0 : i32
    return %c0_i32, %c0_i32_0 : i32, i32
  }
  func.func @transform_6(%arg0: i32) -> (i32, i32) {
    %c0_i32 = arith.constant 0 : i32
    %c0_i32_0 = arith.constant 0 : i32
    %c0_i32_1 = arith.constant 0 : i32
    return %c0_i32, %c0_i32_0 : i32, i32
  }
  func.func @transform_7(%arg0: i32) -> (i32, i32) {
    %c0_i32 = arith.constant 0 : i32
    %c0_i32_0 = arith.constant 0 : i32
    return %arg0, %c0_i32 : i32, i32
  }
  func.func @transform_8(%arg0: i32) -> (i32, i32) {
    %c0_i32 = arith.constant 0 : i32
    %c0_i32_0 = arith.constant 0 : i32
    return %arg0, %c0_i32 : i32, i32
  }
}

</mosaic_0001>

<sc_bundles>
// kernel: kernel.12.cloned.1.call-start
scs
__scs_entry_jumppad:
0x0: {  	(pc) =	sbr.rel $0x88, $3  }
0x1: {  	(tag) =	ssettag $0x0;
	lr =	simm.s32 $0x1  }
0x2: {  	[smem:$0x3F8E] =	sst lr;
	_ =	strace $0xD0000000  }
0x3: {  	_ = 	snop  }
0x4: {  	_ = 	snop  }
0x5: {  	_ = 	snop  }
0x6: {  	_ = 	snop  }
0x7: {  	_ = 	snop  }
__scs_overlays_trampoline_lowered:
0x8: {  	[smem:$0x3F9D] =	sst s0  }
0x9: {  	[smem:$0x3F9E] =	sst s1  }
0xa: {  	[smem:$0x3F9F] =	sst s2  }
0xb: {  	[smem:$0x3FA0] =	sst s3  }
0xc: {  	[smem:$0x3FA1] =	sst s4  }
0xd: {  	[smem:$0x3FA2] =	sst s5  }
0xe: {  	[smem:$0x3FA3] =	sst s6  }
0xf: {  	[smem:$0x3FA4] =	sst s7  }
0x10: {  	[smem:$0x3FA5] =	sst s8  }
0x11: {  	[smem:$0x3FA6] =	sst s9;
	s0 =	simm.s32 @!p0 $0x0  }
0x12: {  	s1 =	sld [smem:$0x3F8C];
	s0 =	simm.s32 @p0 $0x1  }
0x13: {  	[smem:$0x3FA7] =	sst s0;
	s0 =	simm.s32 @!p1 $0x0  }
0x14: {  	s2 =	sld [smem:$0x3F8B];
	s0 =	simm.s32 @p1 $0x1  }
0x15: {  	[smem:$0x3FA8] =	sst s0;
	s0 =	simm.s32 @!p2 $0x0  }
0x16: {  	s3 =	sld [smem:$0x3FDB];
	s0 =	simm.s32 @p2 $0x1  }
0x17: {  	s4 =	simm.s32 $0x1BF5;
	[smem:$0x3FAA] =	sst s0  }
0x18: {  	s0 =	sld [smem:$0x3F8D];
	_ =	swait.ge [sflag:s4], $0x0  }
0x19: {  	s7 =	sld [smem:$0x3F8E]  }
0x1a: {  	s8 =	sadd.s32 $0xFFFFE003, lr  }
0x1b: {  	s9 =	sadd.s32 $0xFFFFFEF7, lr;
	s5 =	simm.s32 $0xFFFFFFFF;
	p2 =	slt.u32 s8, $0xFFFFF086  }
0x1c: {  	p1 =	slt.u32 s9, $0xF7A;
	s5 =	simm.s32 @!p2 $0x0  }
0x1d: {  	s5 =	simm.s32 @p1 $0x1;
	p0 =	seq.s32 s7, s2  }
0x1e: {  	s7 =	smul.u32 @!p0 $0xF7A, s2;
	p2 =	seq.s32 @!p0 s5, $0x0  }
0x1f: {  	s9 =	smul.u32 $0xF7A, s1;
	s8 =	simm.s32 @!p0 $0x1BF5;
	p2 =	por !p2, p0  }
0x20: {  	[sflag:s8] =	ssyncset.s32 @!p0 $0xFFFFF086;
	s6 =	sadd.s32 @!p0 s3, s7;
	s7 =	simm.s32 @!p0 $0x108  }
0x21: {  	s3 =	sadd.s32 s3, s9;
	s6 =	sadd.s32 @!p0 $0x88, s6;
	s7 =	simm.s32 @p2 $0x1082  }
0x22: {  	[simem:s7], [sflag:s8] =	dma.local @!p0 [hbm:s6], $0xF7A  }
0x23: {  	s9 =	sor.u32 $0xD0000000, s2;
	s6 =	simm.s32 $0x108;
	_ =	swait.ge @!p0 [sflag:s8], $0x0  }
0x24: {  	s3 =	sadd.s32 $0x88, s3;
	s6 =	simm.s32 @!p1 $0x1082;
	[sflag:s4] =	ssyncset.s32 $0xFFFFF086  }
0x25: {  	[simem:s6], [sflag:s4] =	dma.local [hbm:s3], $0xF7A  }
0x26: {  	[smem:$0x3F8E] =	sst s1;
	(tag) =	ssettag s2;
	_ =	strace s9  }
0x27: {  	s1 =	sld [smem:$0x3F9E]  }
0x28: {  	s2 =	sld [smem:$0x3F9F]  }
0x29: {  	s4 =	sld [smem:$0x3FA1]  }
0x2a: {  	p0 =	seq.s32 s5, $0x0;
	s5 =	sld [smem:$0x3FA2]  }
0x2b: {  	s6 =	sld [smem:$0x3FA3]  }
0x2c: {  	s7 =	sld [smem:$0x3FA4]  }
0x2d: {  	s3 =	simm.s32 $0x108;
	s8 =	sld [smem:$0x3FA5]  }
0x2e: {  	s3 =	simm.s32 @!p0 $0x1082;
	s9 =	sld [smem:$0x3FA6]  }
0x2f: {  	lr =	sadd.s32 s0, s3;
	s0 =	sld [smem:$0x3F9D]  }
0x30: {  	s3 =	sld [smem:$0x3FA0]  }
0x31: {  	[smem:$0x3FA9] =	sst s10  }
0x32: {  	s10 =	sld [smem:$0x3FA7];
	_ =	sdelay $0x3  }
0x33: {  	p0 =	seq.s32 s10, $0x1;
	s10 =	sld [smem:$0x3FA9];
	_ =	sdelay $0x3  }
0x34: {  	[smem:$0x3FA9] =	sst s10  }
0x35: {  	s10 =	sld [smem:$0x3FA8];
	_ =	sdelay $0x3  }
0x36: {  	p1 =	seq.s32 s10, $0x1;
	s10 =	sld [smem:$0x3FA9];
	_ =	sdelay $0x3  }
0x37: {  	[smem:$0x3FA9] =	sst s10  }
0x38: {  	s10 =	sld [smem:$0x3FAA]  }
0x39: {  	_ = 	snop;
	(pc) =	sbr.ind lr, $3  }
0x3a: {  	_ = 	snop  }
0x3b: {  	_ = 	snop  }
0x3c: {  	p2 =	seq.s32 s10, $0x1;
	s10 =	sld [smem:$0x3FA9]  }
0x3d: {  	_ =	shalt  }
0x3e: {  	_ =	shalt  }
0x3f: {  	_ =	shalt  }
0x40: {  	_ =	shalt  }
0x41: {  	_ =	shalt  }
0x42: {  	_ =	shalt  }
0x43: {  	_ =	shalt  }
0x44: {  	_ =	shalt  }
0x45: {  	_ =	shalt  }
0x46: {  	_ =	shalt  }
0x47: {  	_ =	shalt  }
0x48: {  	_ =	shalt  }
0x49: {  	_ =	shalt  }
0x4a: {  	_ =	shalt  }
0x4b: {  	_ =	shalt  }
0x4c: {  	_ =	shalt  }
0x4d: {  	_ =	shalt  }
0x4e: {  	_ =	shalt  }
0x4f: {  	_ =	shalt  }
0x50: {  	_ =	shalt  }
0x51: {  	_ =	shalt  }
0x52: {  	_ =	shalt  }
0x53: {  	_ =	shalt  }
0x54: {  	_ =	shalt  }
0x55: {  	_ =	shalt  }
0x56: {  	_ =	shalt  }
0x57: {  	_ =	shalt  }
0x58: {  	_ =	shalt  }
0x59: {  	_ =	shalt  }
0x5a: {  	_ =	shalt  }
0x5b: {  	_ =	shalt  }
0x5c: {  	_ =	shalt  }
0x5d: {  	_ =	shalt  }
0x5e: {  	_ =	shalt  }
0x5f: {  	_ =	shalt  }
0x60: {  	_ =	shalt  }
0x61: {  	_ =	shalt  }
0x62: {  	_ =	shalt  }
0x63: {  	_ =	shalt  }
0x64: {  	_ =	shalt  }
0x65: {  	_ =	shalt  }
0x66: {  	_ =	shalt  }
0x67: {  	_ =	shalt  }
0x68: {  	_ =	shalt  }
0x69: {  	_ =	shalt  }
0x6a: {  	_ =	shalt  }
0x6b: {  	_ =	shalt  }
0x6c: {  	_ =	shalt  }
0x6d: {  	_ =	shalt  }
0x6e: {  	_ =	shalt  }
0x6f: {  	_ =	shalt  }
0x70: {  	_ =	shalt  }
0x71: {  	_ =	shalt  }
0x72: {  	_ =	shalt  }
0x73: {  	_ =	shalt  }
0x74: {  	_ =	shalt  }
0x75: {  	_ =	shalt  }
0x76: {  	_ =	shalt  }
0x77: {  	_ =	shalt  }
0x78: {  	_ =	shalt  }
0x79: {  	_ =	shalt  }
0x7a: {  	_ =	shalt  }
0x7b: {  	_ =	shalt  }
0x7c: {  	_ =	shalt  }
0x7d: {  	_ =	shalt  }
0x7e: {  	_ =	shalt  }
0x7f: {  	_ =	shalt  }
0x80: {  	_ =	shalt  }
0x81: {  	_ =	shalt  }
0x82: {  	_ =	shalt  }
0x83: {  	_ =	shalt  }
0x84: {  	_ =	shalt  }
0x85: {  	_ =	shalt  }
0x86: {  	_ =	shalt  }
0x87: {  	_ =	shalt  }
.Lfunc_end0:
.L_simem_size_0:
called_computation.1_lowered:
.L_overlay_start_0:
0x88: {  	s2 =	sld [smem:$0x3FD9]  }
0x89: {  	s3 =	sld [smem:$0x3FFE];
	_ =	sdelay $0x1  }
0x8a: {  	s1 =	srdreg.scid  }
0x8b: {  	s0 =	sand.u32 $0x1, s1  }
0x8c: {  	s14 =	sshll.u32 s0, $0xA;
	s2 =	sadd.s32 s3, s2  }
0x8d: {  	s2 =	sadd.s32 s2, s14  }
0x8e: {  	[smem:$0x3FB5] =	sst s2  }
0x8f: {  	_ = 	snop  }
0x90: {  	s2 =	sld [smem:$0x3FD0];
	_ =	sdelay $0x2  }
0x91: {  	s15 =	simm.s32 $0xA;
	s4 =	simm.s32 $0x10  }
0x92: {  	[smem:s4], [sflag:s15] =	dma.local [hbm:s2], $0x1  }
0x93: {  	_ =	swait.eq [sflag:s15], $0x1  }
0x94: {  	s16 =	sld [smem:$0x10];
	[sflag:s15] =	ssyncset.done $0x0  }
0x95: {  	s17 =	sld [smem:$0x11];
	[sflag:s15] =	ssyncadd.s32 $0xFFFFFFFF  }
0x96: {  	s18 =	sld [smem:$0x13];
	(tm) =	ssettm $0x1  }
0x97: {  	s5 =	sld [smem:$0x3FFB];
	_ =	sdelay $0x3  }
0x98: {  	_ =	strace s5  }
0x99: {  	s5 =	sld [smem:$0x3FFC];
	_ =	sdelay $0x3  }
0x9a: {  	_ =	strace s5  }
0x9b: {  	s5 =	sld [smem:$0x3FFD];
	_ =	sdelay $0x3  }
0x9c: {  	_ =	strace s5  }
0x9d: {  	_ =	strace $0x8FFFFFFF  }
0x9e: {  	s19 =	sld [smem:$0x3FDB];
	_ =	sdelay $0x1  }
0x9f: {  	s6 =	simm.s32 $_scs_section_size  }
0xa0: {  	s7 =	simm.s32 $_size__tile_overlayer_lowered;
	s8 =	simm.s32 $_tile_overlayer_lowered  }
0xa1: {  	s22 =	simm.s32 $0x1BFF;
	s21 =	sshll.u32 s8, $0x1;
	s5 =	sadd.s32 s6, s19  }
0xa2: {  	s9 =	simm.s32 $0x0;
	s20 =	sshll.u32 s7, $0x1;
	s7 =	sadd.s32 s21, s5  }
0xa3: {  	[timem:s9], [sflag:s22] =	dma.local [hbm:s7], s20  }
0xa4: {  	_ =	swait.ge [sflag:s22], s20  }
0xa5: {  	s6 =	ssub.s32 $0x0, s20;
	[sflag:s22] =	ssyncset.done $0x0  }
0xa6: {  	[sflag:s22] =	ssyncadd.s32 s6;
	_ =	sdelay $0x1  }
0xa7: {  	s23 =	simm.s32 $0x1B8B  }
0xa8: {  	_ =	swait.ge [sflag:s23], $0x1  }
0xa9: {  	[sflag:s23] =	ssyncset.done $0x0  }
0xaa: {  	s25 =	simm.s32 $0x1B8E;
	s24 =	sld [smem:$0x3FFE];
	[sflag:s23] =	ssyncadd.s32 $0xFFFFFFFF  }
0xab: {  	s26 =	simm.s32 $execute0_lowered;
	[smem:$0x3FD2] =	sst s25  }
0xac: {  	s7 =	sshll.u32 s26, $0x1;
	_ =	strace $0x80000049;
	[dreg:$0x1] =	wrdreg $0xFFFFFFFF  }
0xad: {  	s28 =	simm.s32 $_size_execute0_lowered;
	s5 =	sadd.s32 s5, s7;
	[dreg:$0x0] =	wrdreg $0x0  }
0xae: {  	s7 =	sshll.u32 s28, $0x1;
	[dreg:$0x2] =	wrdreg s5  }
0xaf: {  	[dreg:$0x3] =	wrdreg s7  }
0xb0: {  	[dreg:$0x4] =	wrdreg $0xC0  }
0xb1: {  	_ =	task [dreg:s9], $0x5FFFF  }
0xb2: {  	[dreg:$0x1] =	wrdreg $0xFFFFFFFF  }
0xb3: {  	[dreg:$0x0] =	wrdreg $0x60  }
0xb4: {  	[dreg:$0x2] =	wrdreg s18  }
0xb5: {  	[dreg:$0x3] =	wrdreg s17  }
0xb6: {  	[dreg:$0x4] =	wrdreg s16  }
0xb7: {  	[dreg:$0x5] =	wrdreg s24  }
0xb8: {  	[dreg:$0x6] =	wrdreg $0xA8000  }
0xb9: {  	[dreg:$0x7] =	wrdreg $0x9  }
0xba: {  	_ =	task.clear_ibuf [dreg:s9], $0x8FFFF;
	_ =	strace $0x90000049  }
0xbb: {  	s29 =	simm.s32 $0x9;
	_ =	strace $0x8000004B  }
0xbc: {  	_ =	swait.ge [sflag:s29], $0x1  }
0xbd: {  	[sflag:s29] =	ssyncadd.s32 $0xFFFFFFFF  }
0xbe: {  	_ =	strace $0x9000004B  }
0xbf: {  	_ =	sfence  }
0xc0: {  	s30 =	sld [smem:$0x0];
	_ =	sdelay $0x2  }
0xc1: {  	s31 =	sshll.u32 s1, $0xD;
	s1 =	sshrl.u32 s1, $0x2  }
0xc2: {  	s3 =	sand.u32 $0x4000, s31;
	s1 =	sadd.s32 s1, s30  }
0xc3: {  	s0 =	sor.u32 s3, s0;
	s1 =	sshll.u32 s1, $0x11  }
0xc4: {  	s0 =	sor.u32 s1, s0  }
0xc5: {  	s0 =	sadd.s32 $0x8F2B, s0  }
0xc6: {  	[sflag:s0] =	ssyncadd.remote.s32 $0x1  }
0xc7: {  	_ =	sfence.sel $0xFFFF  }
0xc8: {  	[dreg:$0x0] =	wrdreg $0xFFFFFFFF;
	(pc) =	sbr.abs _section_cstart, $3  }
0xc9: {  	[dreg:$0x1] =	wrdreg $0xFFFFFFFF  }
0xca: {  	_ =	task.clear_ibuf [dreg:s9], $0x2FFFF;
	_ =	strace $0x9FFFFFFF  }
0xcb: {  	(tm) =	ssettm $0x7FFFFFFF  }
tec
execute0_lowered:
.L_overlay_start_1:
0x0: {  	(tag) =	ssettag $0x1  }
0x1: {  	s0 =	rddreg [dreg:$0x0]  }
0x2: {  	s9 =	rddreg [dreg:$0x1]  }
0x3: {  	s10 =	rddreg [dreg:$0x2]  }
0x4: {  	s6 =	rddreg [dreg:$0x3]  }
0x5: {  	s1 =	srdreg.scid;
	s3 =	rddreg [dreg:$0x4]  }
0x6: {  	s2 =	stileid.u32;
	s4 =	simm.s32 $0x0;
	s16 =	simm.s32 $0x80  }
0x7: {  	s17 =	simm.s32 $0x2800;
	s18 =	simm.s32 $0x6800;
	s19 =	simm.s32 $0x1  }
0x8: {  	s20 =	simm.s32 $0x2;
	s21 =	simm.s32 $0x2700;
	s22 =	simm.s32 $0x2780  }
0x9: {  	s7 =	sand.u32 $0x1, s1;
	s1 =	rddreg [dreg:$0x5];
	s8 =	smul.u32 $0x13C00, s2  }
0xa: {  	s23 =	simm.s32 $0x0;
	[smem:$0x7FF] =	sst s4;
	s12 =	smul.u32 $0x4F000, s2  }
0xb: {  	s31 =	sshll.u32 s2, $0x6;
	s5 =	smul.u32 $0x13C000, s7;
	s11 =	sshll.u32 s7, $0x4  }
0xc: {  	_ =	strace $0x8000004A;
	s7 =	ssub.s32 $0x2, s7;
	s11 =	sor.u32 s2, s11  }
0xd: {  	s28 =	sshrl.u32 s7, $0x1;
	s30 =	sshrl.u32 s12, $0x2;
	s8 =	sadd.s32 s8, s5  }
0xe: {  	s5 =	sadd.s32 $0x4400, s6;
	s29 =	smul.u32 $0x2800, s11;
	s14 =	ssub.s32 s7, s28  }
0xf: {  	s15 =	sadd.s32 s30, s3;
	s8 =	sshrl.u32 s8, $0x3;
	s12 =	smax.u32 s14, $0x1  }
0x10: {  	s14 =	simm.s32 $0x3;
	s13 =	sadd.s32 s8, s6;
	s11 =	sshrl.u32 s29, $0x3  }
0x11: {  	s7 =	sadd.s32 s9, s11;
	s8 =	sadd.s32 s10, s11;
	s11 =	sadd.s32 $0x280, s11  }
0x12: {  	s6 =	sor.u32 $0x1C03, s31;
	s9 =	sadd.s32 s9, s11;
	s10 =	sadd.s32 s10, s11  }
0x13: {  	s11 =	sadd.s32 $0x6C00, s13;
	s13 =	sshrl.u32 s15, $0x3;
	s15 =	simm.s32 $0x1400  }
.LBB2_1:
0x14: {  	[spmem:s13], [sflag:s6] =	dma.local [hbm:s5], $0x2780  }
0x15: {  	_ =	swait.ge [sflag:s14], $0x2780  }
0x16: {  	[sflag:s14] =	ssyncset.done $0x0  }
0x17: {  	[sflag:s14] =	ssyncadd.s32 $0xFFFFD880  }
0x18: {  	[bflag:$0x0] =	sbarrier.arrive $0xFFFF  }
0x19: {  	[tilespmem:s4], [sflag:$0x3] =	stream.linear.gather [hbm4b:s7+s4], $0x1400, $0x38;
	[tilespmem:$0x1E400] =	vst v63  }
0x1a: {  	_ =	swait.ge [sflag:s14], $0x1400  }
0x1b: {  	[sflag:s14] =	ssyncset.done $0x0  }
0x1c: {  	[sflag:s14] =	ssyncadd.s32 $0xFFFFEC00  }
0x1d: {  	[tilespmem:s15], [sflag:$0x3] =	stream.linear.gather [hbm4b:s8+s4], $0x1400, $0x38;
	[tilespmem:$0x1E400] =	vst v63  }
0x1e: {  	_ =	swait.ge [sflag:s14], $0x1400  }
0x1f: {  	[sflag:s14] =	ssyncset.done $0x0  }
0x20: {  	[sflag:s14] =	ssyncadd.s32 $0xFFFFEC00  }
0x21: {  	[tilespmem:s17], [sflag:$0x1] =	stream.indirect.gather [hbm4b:s0+s16], $0x80, s4, s16, $0xb8;
	[tilespmem:$0x1E400] =	vst v63  }
0x22: {  	_ = 	snop  }
0x23: {  	[tilespmem:s18], [sflag:$0x2] =	stream.indirect.gather [hbm4b:s0+s16], $0x80, s16, s16, $0xb8;
	[tilespmem:$0x1E400] =	vst v63  }
0x24: {  	_ =	swait.ge [sflag:s19], $0x4000  }
0x25: {  	[sflag:s19] =	ssyncset.done $0x0  }
0x26: {  	s24 =	simm.s32 $0x1400;
	[sflag:s19] =	ssyncadd.s32 $0xFFFFC000  }
0x27: {  	[spmem:s3] =	stream.indirect.scatter.add.f32 [tilespmem:s17], [sflag:$0x3], $0x80, s24, s16, $0xb8;
	[tilespmem:$0x1E400] =	vst v63  }
0x28: {  	_ =	swait.ge [sflag:s14], $0x4000  }
0x29: {  	[sflag:s14] =	ssyncset.done $0x0  }
0x2a: {  	s30 =	simm.s32 $0x100;
	[sflag:s14] =	ssyncadd.s32 $0xFFFFC000  }
0x2b: {  	[tilespmem:s17], [sflag:$0x1] =	stream.indirect.gather [hbm4b:s0+s16], $0x80, s30, s16, $0xb8;
	[tilespmem:$0x1E400] =	vst v63  }
0x2c: {  	_ =	swait.ge [sflag:s20], $0x4000  }
0x2d: {  	[sflag:s20] =	ssyncset.done $0x0  }
0x2e: {  	s31 =	simm.s32 $0x1480;
	[sflag:s20] =	ssyncadd.s32 $0xFFFFC000  }
0x2f: {  	[spmem:s3] =	stream.indirect.scatter.add.f32 [tilespmem:s18], [sflag:$0x3], $0x80, s31, s16, $0xb8;
	[tilespmem:$0x1E400] =	vst v63  }
0x30: {  	_ =	swait.ge [sflag:s14], $0x4000  }
0x31: {  	[sflag:s14] =	ssyncset.done $0x0  }
0x32: {  	s25 =	simm.s32 $0x180;
	s24 =	simm.s32 $0x400;
	[sflag:s14] =	ssyncadd.s32 $0xFFFFC000  }
.LBB2_2:
0x33: {  	[tilespmem:s18], [sflag:$0x2] =	stream.indirect.gather [hbm4b:s0+s16], $0x80, s25, s16, $0xb8;
	[tilespmem:$0x1E400] =	vst v63  }
0x34: {  	s25 =	smov.u32 s24  }
0x35: {  	p0 =	sne.s32 s24, $0x4800;
	s24 =	sadd.s32 $0x400, s24;
	_ =	swait.ge [sflag:s19], $0x4000  }
0x36: {  	s25 =	sshra.s32 s25, $0x2;
	[sflag:s19] =	ssyncset.done $0x0  }
0x37: {  	s26 =	sadd.s32 $0x1400, s25;
	[sflag:s19] =	ssyncadd.s32 $0xFFFFC000  }
0x38: {  	[spmem:s3] =	stream.indirect.scatter.add.f32 [tilespmem:s17], [sflag:$0x3], $0x80, s26, s16, $0xb8;
	[tilespmem:$0x1E400] =	vst v63  }
0x39: {  	_ =	swait.ge [sflag:s14], $0x4000  }
0x3a: {  	[sflag:s14] =	ssyncset.done $0x0  }
0x3b: {  	s26 =	sadd.s32 $0x100, s25;
	[sflag:s14] =	ssyncadd.s32 $0xFFFFC000  }
0x3c: {  	[tilespmem:s17], [sflag:$0x1] =	stream.indirect.gather [hbm4b:s0+s16], $0x80, s26, s16, $0xb8;
	[tilespmem:$0x1E400] =	vst v63  }
0x3d: {  	_ =	swait.ge [sflag:s20], $0x4000  }
0x3e: {  	[sflag:s20] =	ssyncset.done $0x0  }
.Ltmp0:
0x3f: {  	s26 =	sadd.s32 $0x1480, s25;
	[sflag:s20] =	ssyncadd.s32 $0xFFFFC000;
	(pc) =	sbr.rel @p0 .LBB2_2-.Ltmp0, $4  }
0x40: {  	[spmem:s3] =	stream.indirect.scatter.add.f32 [tilespmem:s18], [sflag:$0x3], $0x80, s26, s16, $0xb8;
	[tilespmem:$0x1E400] =	vst v63  }
0x41: {  	_ =	swait.ge [sflag:s14], $0x4000  }
0x42: {  	[sflag:s14] =	ssyncset.done $0x0  }
0x43: {  	s25 =	sadd.s32 $0x180, s25;
	[sflag:s14] =	ssyncadd.s32 $0xFFFFC000  }
0x44: {  	[tilespmem:s18], [sflag:$0x2] =	stream.indirect.gather [hbm4b:s0+s16], $0x80, s25, s16, $0xb8;
	[tilespmem:$0x1E400] =	vst v63  }
0x45: {  	_ =	swait.ge [sflag:s19], $0x4000  }
0x46: {  	[sflag:s19] =	ssyncset.done $0x0  }
0x47: {  	[sflag:s19] =	ssyncadd.s32 $0xFFFFC000  }
0x48: {  	[spmem:s3] =	stream.indirect.scatter.add.f32 [tilespmem:s17], [sflag:$0x3], $0x80, s21, s16, $0xb8;
	[tilespmem:$0x1E400] =	vst v63  }
0x49: {  	_ =	swait.ge [sflag:s14], $0x4000  }
0x4a: {  	[sflag:s14] =	ssyncset.done $0x0  }
0x4b: {  	[sflag:s14] =	ssyncadd.s32 $0xFFFFC000  }
0x4c: {  	_ =	swait.ge [sflag:s20], $0x4000  }
0x4d: {  	[sflag:s20] =	ssyncset.done $0x0  }
0x4e: {  	[sflag:s20] =	ssyncadd.s32 $0xFFFFC000  }
0x4f: {  	[spmem:s3] =	stream.indirect.scatter.add.f32 [tilespmem:s18], [sflag:$0x3], $0x80, s22, s16, $0xb8;
	[tilespmem:$0x1E400] =	vst v63  }
0x50: {  	_ =	swait.ge [sflag:s14], $0x4000  }
0x51: {  	[sflag:s14] =	ssyncset.done $0x0  }
0x52: {  	s24 =	simm.s32 $0x0;
	[sflag:s14] =	ssyncadd.s32 $0xFFFFC000  }
0x53: {  	[tilespmem:s24], [sflag:$0x3] =	stream.linear.gather [hbm4b:s9+s24], $0x1400, $0x38;
	[tilespmem:$0x1E400] =	vst v63  }
0x54: {  	_ =	swait.ge [sflag:s14], $0x1400  }
0x55: {  	[sflag:s14] =	ssyncset.done $0x0  }
0x56: {  	[sflag:s14] =	ssyncadd.s32 $0xFFFFEC00  }
0x57: {  	[tilespmem:s15], [sflag:$0x3] =	stream.linear.gather [hbm4b:s10+s24], $0x1400, $0x38;
	[tilespmem:$0x1E400] =	vst v63  }
0x58: {  	_ =	swait.ge [sflag:s14], $0x1400  }
0x59: {  	[sflag:s14] =	ssyncset.done $0x0  }
0x5a: {  	[sflag:s14] =	ssyncadd.s32 $0xFFFFEC00  }
0x5b: {  	[tilespmem:s17], [sflag:$0x1] =	stream.indirect.gather [hbm4b:s0+s16], $0x80, s24, s16, $0xb8;
	[tilespmem:$0x1E400] =	vst v63  }
0x5c: {  	_ = 	snop  }
0x5d: {  	[tilespmem:s18], [sflag:$0x2] =	stream.indirect.gather [hbm4b:s0+s16], $0x80, s16, s16, $0xb8;
	[tilespmem:$0x1E400] =	vst v63  }
0x5e: {  	_ =	swait.ge [sflag:s19], $0x4000  }
0x5f: {  	[sflag:s19] =	ssyncset.done $0x0  }
0x60: {  	s29 =	simm.s32 $0x1400;
	[sflag:s19] =	ssyncadd.s32 $0xFFFFC000  }
0x61: {  	[spmem:s3] =	stream.indirect.scatter.add.f32 [tilespmem:s17], [sflag:$0x3], $0x80, s29, s16, $0xb8;
	[tilespmem:$0x1E400] =	vst v63  }
0x62: {  	_ =	swait.ge [sflag:s14], $0x4000  }
0x63: {  	[sflag:s14] =	ssyncset.done $0x0  }
0x64: {  	s30 =	simm.s32 $0x100;
	[sflag:s14] =	ssyncadd.s32 $0xFFFFC000  }
0x65: {  	[tilespmem:s17], [sflag:$0x1] =	stream.indirect.gather [hbm4b:s0+s16], $0x80, s30, s16, $0xb8;
	[tilespmem:$0x1E400] =	vst v63  }
0x66: {  	_ =	swait.ge [sflag:s20], $0x4000  }
0x67: {  	[sflag:s20] =	ssyncset.done $0x0  }
0x68: {  	s31 =	simm.s32 $0x1480;
	[sflag:s20] =	ssyncadd.s32 $0xFFFFC000  }
0x69: {  	[spmem:s3] =	stream.indirect.scatter.add.f32 [tilespmem:s18], [sflag:$0x3], $0x80, s31, s16, $0xb8;
	[tilespmem:$0x1E400] =	vst v63  }
0x6a: {  	_ =	swait.ge [sflag:s14], $0x4000  }
0x6b: {  	[sflag:s14] =	ssyncset.done $0x0  }
0x6c: {  	s25 =	simm.s32 $0x180;
	s24 =	simm.s32 $0x400;
	[sflag:s14] =	ssyncadd.s32 $0xFFFFC000  }
.LBB2_4:
0x6d: {  	[tilespmem:s18], [sflag:$0x2] =	stream.indirect.gather [hbm4b:s0+s16], $0x80, s25, s16, $0xb8;
	[tilespmem:$0x1E400] =	vst v63  }
0x6e: {  	s25 =	smov.u32 s24  }
0x6f: {  	p0 =	sne.s32 s24, $0x4800;
	s24 =	sadd.s32 $0x400, s24;
	_ =	swait.ge [sflag:s19], $0x4000  }
0x70: {  	s25 =	sshra.s32 s25, $0x2;
	[sflag:s19] =	ssyncset.done $0x0  }
0x71: {  	s26 =	sadd.s32 $0x1400, s25;
	[sflag:s19] =	ssyncadd.s32 $0xFFFFC000  }
0x72: {  	[spmem:s3] =	stream.indirect.scatter.add.f32 [tilespmem:s17], [sflag:$0x3], $0x80, s26, s16, $0xb8;
	[tilespmem:$0x1E400] =	vst v63  }
0x73: {  	_ =	swait.ge [sflag:s14], $0x4000  }
0x74: {  	[sflag:s14] =	ssyncset.done $0x0  }
0x75: {  	s26 =	sadd.s32 $0x100, s25;
	[sflag:s14] =	ssyncadd.s32 $0xFFFFC000  }
0x76: {  	[tilespmem:s17], [sflag:$0x1] =	stream.indirect.gather [hbm4b:s0+s16], $0x80, s26, s16, $0xb8;
	[tilespmem:$0x1E400] =	vst v63  }
0x77: {  	_ =	swait.ge [sflag:s20], $0x4000  }
0x78: {  	[sflag:s20] =	ssyncset.done $0x0  }
.Ltmp1:
0x79: {  	s26 =	sadd.s32 $0x1480, s25;
	[sflag:s20] =	ssyncadd.s32 $0xFFFFC000;
	(pc) =	sbr.rel @p0 .LBB2_4-.Ltmp1, $4  }
0x7a: {  	[spmem:s3] =	stream.indirect.scatter.add.f32 [tilespmem:s18], [sflag:$0x3], $0x80, s26, s16, $0xb8;
	[tilespmem:$0x1E400] =	vst v63  }
0x7b: {  	_ =	swait.ge [sflag:s14], $0x4000  }
0x7c: {  	[sflag:s14] =	ssyncset.done $0x0  }
0x7d: {  	s25 =	sadd.s32 $0x180, s25;
	[sflag:s14] =	ssyncadd.s32 $0xFFFFC000  }
0x7e: {  	[tilespmem:s18], [sflag:$0x2] =	stream.indirect.gather [hbm4b:s0+s16], $0x80, s25, s16, $0xb8;
	[tilespmem:$0x1E400] =	vst v63  }
0x7f: {  	_ =	swait.ge [sflag:s19], $0x4000  }
0x80: {  	[sflag:s19] =	ssyncset.done $0x0  }
0x81: {  	[sflag:s19] =	ssyncadd.s32 $0xFFFFC000  }
0x82: {  	[spmem:s3] =	stream.indirect.scatter.add.f32 [tilespmem:s17], [sflag:$0x3], $0x80, s21, s16, $0xb8;
	[tilespmem:$0x1E400] =	vst v63  }
0x83: {  	_ =	swait.ge [sflag:s14], $0x4000  }
0x84: {  	[sflag:s14] =	ssyncset.done $0x0  }
0x85: {  	[sflag:s14] =	ssyncadd.s32 $0xFFFFC000  }
0x86: {  	_ =	swait.ge [sflag:s20], $0x4000  }
0x87: {  	[sflag:s20] =	ssyncset.done $0x0  }
0x88: {  	[sflag:s20] =	ssyncadd.s32 $0xFFFFC000  }
0x89: {  	[spmem:s3] =	stream.indirect.scatter.add.f32 [tilespmem:s18], [sflag:$0x3], $0x80, s22, s16, $0xb8;
	[tilespmem:$0x1E400] =	vst v63  }
0x8a: {  	_ =	swait.ge [sflag:s14], $0x4000  }
0x8b: {  	s23 =	sadd.s32 $0x1, s23;
	[sflag:s14] =	ssyncset.done $0x0  }
0x8c: {  	p0 =	sne.s32 s23, s12;
	[sflag:s14] =	ssyncadd.s32 $0xFFFFC000  }
.Ltmp2:
0x8d: {  	[bflag:$0x0] =	sbarrier.arrive $0xFFFF;
	(pc) =	sbr.rel @p0 .LBB2_1-.Ltmp2, $4  }
0x8e: {  	[hbm:s11], [sflag:s6] =	dma.local [spmem:s13], $0x2780  }
0x8f: {  	_ =	swait.ge [sflag:s14], $0x2780  }
0x90: {  	[sflag:s14] =	ssyncset.done $0x0  }
0x91: {  	[sflag:s14] =	ssyncadd.s32 $0xFFFFD880  }
0x92: {  	_ =	sfence.sel $0x180000  }
0x93: {  	[bflag:$0x0] =	sbarrier.arrive $0xFFFF  }
0x94: {  	p0 =	sne.s32 s2, $0x0;
	_ =	strace $0x9000004A  }
0x95: {  	s0 =	sadd.s32 @!p0 $0x100000, s1;
	[bflag:$0x2] =	sbarrier.arrive $0xFFFF  }
0x96: {  	[sflag:s0] =	ssyncadd.tile.s32 @!p0 $0x1;
	_ =	shalt  }
.Lfunc_end2:
_tile_overlayer_lowered:
.L_overlay_start_2:
0x97: {  	(tag) =	ssettag $0x2  }
0x98: {  	s0 =	rddreg [dreg:$0x0];
	s2 =	stileid.u32  }
0x99: {  	s1 =	rddreg [dreg:$0x1];
	p0 =	sne.s32 s2, $0x0  }
0x9a: {  	s3 =	rddreg [dreg:$0x2];
	[bflag:$0x3] =	sbarrier.arrive $0xFFFF;
	s2 =	simm.s32 @!p0 $0x1C03  }
0x9b: {  	[timem:s3], [sflag:s2] =	dma.local @!p0 [hbm:s0], s1  }
0x9c: {  	s0 =	simm.s32 @!p0 $0x3  }
0x9d: {  	_ =	swait.ge @!p0 [sflag:s0], s1  }
0x9e: {  	s1 =	ssub.s32 @!p0 $0x0, s1;
	[sflag:s0] =	ssyncset.done @!p0 $0x0  }
0x9f: {  	[sflag:s0] =	ssyncadd.s32 @!p0 s1  }
0xa0: {  	[bflag:$0x3] =	sbarrier.arrive $0xFFFF  }
0xa1: {  	_ =	shalt  }

// kernel: kernel.15.cloned.1.call-start
scs
__scs_entry_jumppad:
0x0: {  	(pc) =	sbr.rel $0x88, $3  }
0x1: {  	(tag) =	ssettag $0x0;
	lr =	simm.s32 $0x1  }
0x2: {  	[smem:$0x3F8E] =	sst lr;
	_ =	strace $0xD0000000  }
0x3: {  	_ = 	snop  }
0x4: {  	_ = 	snop  }
0x5: {  	_ = 	snop  }
0x6: {  	_ = 	snop  }
0x7: {  	_ = 	snop  }
__scs_overlays_trampoline_lowered:
0x8: {  	[smem:$0x3F9D] =	sst s0  }
0x9: {  	[smem:$0x3F9E] =	sst s1  }
0xa: {  	[smem:$0x3F9F] =	sst s2  }
0xb: {  	[smem:$0x3FA0] =	sst s3  }
0xc: {  	[smem:$0x3FA1] =	sst s4  }
0xd: {  	[smem:$0x3FA2] =	sst s5  }
0xe: {  	[smem:$0x3FA3] =	sst s6  }
0xf: {  	[smem:$0x3FA4] =	sst s7  }
0x10: {  	[smem:$0x3FA5] =	sst s8  }
0x11: {  	[smem:$0x3FA6] =	sst s9;
	s0 =	simm.s32 @!p0 $0x0  }
0x12: {  	s1 =	sld [smem:$0x3F8C];
	s0 =	simm.s32 @p0 $0x1  }
0x13: {  	[smem:$0x3FA7] =	sst s0;
	s0 =	simm.s32 @!p1 $0x0  }
0x14: {  	s2 =	sld [smem:$0x3F8B];
	s0 =	simm.s32 @p1 $0x1  }
0x15: {  	[smem:$0x3FA8] =	sst s0;
	s0 =	simm.s32 @!p2 $0x0  }
0x16: {  	s3 =	sld [smem:$0x3FDB];
	s0 =	simm.s32 @p2 $0x1  }
0x17: {  	s4 =	simm.s32 $0x1BF5;
	[smem:$0x3FAA] =	sst s0  }
0x18: {  	s0 =	sld [smem:$0x3F8D];
	_ =	swait.ge [sflag:s4], $0x0  }
0x19: {  	s7 =	sld [smem:$0x3F8E]  }
0x1a: {  	s8 =	sadd.s32 $0xFFFFE003, lr  }
0x1b: {  	s9 =	sadd.s32 $0xFFFFFEF7, lr;
	s5 =	simm.s32 $0xFFFFFFFF;
	p2 =	slt.u32 s8, $0xFFFFF086  }
0x1c: {  	p1 =	slt.u32 s9, $0xF7A;
	s5 =	simm.s32 @!p2 $0x0  }
0x1d: {  	s5 =	simm.s32 @p1 $0x1;
	p0 =	seq.s32 s7, s2  }
0x1e: {  	s7 =	smul.u32 @!p0 $0xF7A, s2;
	p2 =	seq.s32 @!p0 s5, $0x0  }
0x1f: {  	s9 =	smul.u32 $0xF7A, s1;
	s8 =	simm.s32 @!p0 $0x1BF5;
	p2 =	por !p2, p0  }
0x20: {  	[sflag:s8] =	ssyncset.s32 @!p0 $0xFFFFF086;
	s6 =	sadd.s32 @!p0 s3, s7;
	s7 =	simm.s32 @!p0 $0x108  }
0x21: {  	s3 =	sadd.s32 s3, s9;
	s6 =	sadd.s32 @!p0 $0x88, s6;
	s7 =	simm.s32 @p2 $0x1082  }
0x22: {  	[simem:s7], [sflag:s8] =	dma.local @!p0 [hbm:s6], $0xF7A  }
0x23: {  	s9 =	sor.u32 $0xD0000000, s2;
	s6 =	simm.s32 $0x108;
	_ =	swait.ge @!p0 [sflag:s8], $0x0  }
0x24: {  	s3 =	sadd.s32 $0x88, s3;
	s6 =	simm.s32 @!p1 $0x1082;
	[sflag:s4] =	ssyncset.s32 $0xFFFFF086  }
0x25: {  	[simem:s6], [sflag:s4] =	dma.local [hbm:s3], $0xF7A  }
0x26: {  	[smem:$0x3F8E] =	sst s1;
	(tag) =	ssettag s2;
	_ =	strace s9  }
0x27: {  	s1 =	sld [smem:$0x3F9E]  }
0x28: {  	s2 =	sld [smem:$0x3F9F]  }
0x29: {  	s4 =	sld [smem:$0x3FA1]  }
0x2a: {  	p0 =	seq.s32 s5, $0x0;
	s5 =	sld [smem:$0x3FA2]  }
0x2b: {  	s6 =	sld [smem:$0x3FA3]  }
0x2c: {  	s7 =	sld [smem:$0x3FA4]  }
0x2d: {  	s3 =	simm.s32 $0x108;
	s8 =	sld [smem:$0x3FA5]  }
0x2e: {  	s3 =	simm.s32 @!p0 $0x1082;
	s9 =	sld [smem:$0x3FA6]  }
0x2f: {  	lr =	sadd.s32 s0, s3;
	s0 =	sld [smem:$0x3F9D]  }
0x30: {  	s3 =	sld [smem:$0x3FA0]  }
0x31: {  	[smem:$0x3FA9] =	sst s10  }
0x32: {  	s10 =	sld [smem:$0x3FA7];
	_ =	sdelay $0x3  }
0x33: {  	p0 =	seq.s32 s10, $0x1;
	s10 =	sld [smem:$0x3FA9];
	_ =	sdelay $0x3  }
0x34: {  	[smem:$0x3FA9] =	sst s10  }
0x35: {  	s10 =	sld [smem:$0x3FA8];
	_ =	sdelay $0x3  }
0x36: {  	p1 =	seq.s32 s10, $0x1;
	s10 =	sld [smem:$0x3FA9];
	_ =	sdelay $0x3  }
0x37: {  	[smem:$0x3FA9] =	sst s10  }
0x38: {  	s10 =	sld [smem:$0x3FAA]  }
0x39: {  	_ = 	snop;
	(pc) =	sbr.ind lr, $3  }
0x3a: {  	_ = 	snop  }
0x3b: {  	_ = 	snop  }
0x3c: {  	p2 =	seq.s32 s10, $0x1;
	s10 =	sld [smem:$0x3FA9]  }
0x3d: {  	_ =	shalt  }
0x3e: {  	_ =	shalt  }
0x3f: {  	_ =	shalt  }
0x40: {  	_ =	shalt  }
0x41: {  	_ =	shalt  }
0x42: {  	_ =	shalt  }
0x43: {  	_ =	shalt  }
0x44: {  	_ =	shalt  }
0x45: {  	_ =	shalt  }
0x46: {  	_ =	shalt  }
0x47: {  	_ =	shalt  }
0x48: {  	_ =	shalt  }
0x49: {  	_ =	shalt  }
0x4a: {  	_ =	shalt  }
0x4b: {  	_ =	shalt  }
0x4c: {  	_ =	shalt  }
0x4d: {  	_ =	shalt  }
0x4e: {  	_ =	shalt  }
0x4f: {  	_ =	shalt  }
0x50: {  	_ =	shalt  }
0x51: {  	_ =	shalt  }
0x52: {  	_ =	shalt  }
0x53: {  	_ =	shalt  }
0x54: {  	_ =	shalt  }
0x55: {  	_ =	shalt  }
0x56: {  	_ =	shalt  }
0x57: {  	_ =	shalt  }
0x58: {  	_ =	shalt  }
0x59: {  	_ =	shalt  }
0x5a: {  	_ =	shalt  }
0x5b: {  	_ =	shalt  }
0x5c: {  	_ =	shalt  }
0x5d: {  	_ =	shalt  }
0x5e: {  	_ =	shalt  }
0x5f: {  	_ =	shalt  }
0x60: {  	_ =	shalt  }
0x61: {  	_ =	shalt  }
0x62: {  	_ =	shalt  }
0x63: {  	_ =	shalt  }
0x64: {  	_ =	shalt  }
0x65: {  	_ =	shalt  }
0x66: {  	_ =	shalt  }
0x67: {  	_ =	shalt  }
0x68: {  	_ =	shalt  }
0x69: {  	_ =	shalt  }
0x6a: {  	_ =	shalt  }
0x6b: {  	_ =	shalt  }
0x6c: {  	_ =	shalt  }
0x6d: {  	_ =	shalt  }
0x6e: {  	_ =	shalt  }
0x6f: {  	_ =	shalt  }
0x70: {  	_ =	shalt  }
0x71: {  	_ =	shalt  }
0x72: {  	_ =	shalt  }
0x73: {  	_ =	shalt  }
0x74: {  	_ =	shalt  }
0x75: {  	_ =	shalt  }
0x76: {  	_ =	shalt  }
0x77: {  	_ =	shalt  }
0x78: {  	_ =	shalt  }
0x79: {  	_ =	shalt  }
0x7a: {  	_ =	shalt  }
0x7b: {  	_ =	shalt  }
0x7c: {  	_ =	shalt  }
0x7d: {  	_ =	shalt  }
0x7e: {  	_ =	shalt  }
0x7f: {  	_ =	shalt  }
0x80: {  	_ =	shalt  }
0x81: {  	_ =	shalt  }
0x82: {  	_ =	shalt  }
0x83: {  	_ =	shalt  }
0x84: {  	_ =	shalt  }
0x85: {  	_ =	shalt  }
0x86: {  	_ =	shalt  }
0x87: {  	_ =	shalt  }
.Lfunc_end0:
.L_simem_size_0:
called_computation.2_lowered:
.L_overlay_start_0:
0x88: {  	s2 =	sld [smem:$0x3FD9]  }
0x89: {  	s3 =	sld [smem:$0x3FFE];
	_ =	sdelay $0x1  }
0x8a: {  	s1 =	srdreg.scid  }
0x8b: {  	s0 =	sand.u32 $0x1, s1  }
0x8c: {  	s14 =	sshll.u32 s0, $0xA;
	s2 =	sadd.s32 s3, s2  }
0x8d: {  	s2 =	sadd.s32 s2, s14  }
0x8e: {  	[smem:$0x3FB5] =	sst s2  }
0x8f: {  	_ = 	snop  }
0x90: {  	s2 =	sld [smem:$0x3FD0];
	_ =	sdelay $0x2  }
0x91: {  	s15 =	simm.s32 $0xA;
	s4 =	simm.s32 $0x10  }
0x92: {  	[smem:s4], [sflag:s15] =	dma.local [hbm:s2], $0x1  }
0x93: {  	_ =	swait.eq [sflag:s15], $0x1  }
0x94: {  	s16 =	sld [smem:$0x10];
	[sflag:s15] =	ssyncset.done $0x0  }
0x95: {  	s17 =	sld [smem:$0x11];
	[sflag:s15] =	ssyncadd.s32 $0xFFFFFFFF  }
0x96: {  	s18 =	sld [smem:$0x13];
	(tm) =	ssettm $0x1  }
0x97: {  	s5 =	sld [smem:$0x3FFB];
	_ =	sdelay $0x3  }
0x98: {  	_ =	strace s5  }
0x99: {  	s5 =	sld [smem:$0x3FFC];
	_ =	sdelay $0x3  }
0x9a: {  	_ =	strace s5  }
0x9b: {  	s5 =	sld [smem:$0x3FFD];
	_ =	sdelay $0x3  }
0x9c: {  	_ =	strace s5  }
0x9d: {  	_ =	strace $0x8FFFFFFF  }
0x9e: {  	s19 =	sld [smem:$0x3FDB];
	_ =	sdelay $0x1  }
0x9f: {  	s6 =	simm.s32 $_scs_section_size  }
0xa0: {  	s7 =	simm.s32 $_size__tile_overlayer_lowered;
	s8 =	simm.s32 $_tile_overlayer_lowered  }
0xa1: {  	s22 =	simm.s32 $0x1BFF;
	s21 =	sshll.u32 s8, $0x1;
	s5 =	sadd.s32 s6, s19  }
0xa2: {  	s9 =	simm.s32 $0x0;
	s20 =	sshll.u32 s7, $0x1;
	s7 =	sadd.s32 s21, s5  }
0xa3: {  	[timem:s9], [sflag:s22] =	dma.local [hbm:s7], s20  }
0xa4: {  	_ =	swait.ge [sflag:s22], s20  }
0xa5: {  	s6 =	ssub.s32 $0x0, s20;
	[sflag:s22] =	ssyncset.done $0x0  }
0xa6: {  	[sflag:s22] =	ssyncadd.s32 s6;
	_ =	sdelay $0x1  }
0xa7: {  	s23 =	simm.s32 $0x1B8B  }
0xa8: {  	_ =	swait.ge [sflag:s23], $0x1  }
0xa9: {  	[sflag:s23] =	ssyncset.done $0x0  }
0xaa: {  	s25 =	simm.s32 $0x1B8E;
	s24 =	sld [smem:$0x3FFE];
	[sflag:s23] =	ssyncadd.s32 $0xFFFFFFFF  }
0xab: {  	s26 =	simm.s32 $execute0_lowered;
	[smem:$0x3FD2] =	sst s25  }
0xac: {  	s7 =	sshll.u32 s26, $0x1;
	_ =	strace $0x8000004C;
	[dreg:$0x1] =	wrdreg $0xFFFFFFFF  }
0xad: {  	s28 =	simm.s32 $_size_execute0_lowered;
	s5 =	sadd.s32 s5, s7;
	[dreg:$0x0] =	wrdreg $0x0  }
0xae: {  	s7 =	sshll.u32 s28, $0x1;
	[dreg:$0x2] =	wrdreg s5  }
0xaf: {  	[dreg:$0x3] =	wrdreg s7  }
0xb0: {  	[dreg:$0x4] =	wrdreg $0xC0  }
0xb1: {  	_ =	task [dreg:s9], $0x5FFFF  }
0xb2: {  	[dreg:$0x1] =	wrdreg $0xFFFFFFFF  }
0xb3: {  	[dreg:$0x0] =	wrdreg $0x60  }
0xb4: {  	[dreg:$0x2] =	wrdreg s18  }
0xb5: {  	[dreg:$0x3] =	wrdreg s17  }
0xb6: {  	[dreg:$0x4] =	wrdreg s16  }
0xb7: {  	[dreg:$0x5] =	wrdreg s24  }
0xb8: {  	[dreg:$0x6] =	wrdreg $0xA8000  }
0xb9: {  	[dreg:$0x7] =	wrdreg $0x9  }
0xba: {  	_ =	task.clear_ibuf [dreg:s9], $0x8FFFF;
	_ =	strace $0x9000004C  }
0xbb: {  	s29 =	simm.s32 $0x9;
	_ =	strace $0x8000004E  }
0xbc: {  	_ =	swait.ge [sflag:s29], $0x1  }
0xbd: {  	[sflag:s29] =	ssyncadd.s32 $0xFFFFFFFF  }
0xbe: {  	_ =	strace $0x9000004E  }
0xbf: {  	_ =	sfence  }
0xc0: {  	s30 =	sld [smem:$0x0];
	_ =	sdelay $0x2  }
0xc1: {  	s31 =	sshll.u32 s1, $0xD;
	s1 =	sshrl.u32 s1, $0x2  }
0xc2: {  	s3 =	sand.u32 $0x4000, s31;
	s1 =	sadd.s32 s1, s30  }
0xc3: {  	s0 =	sor.u32 s3, s0;
	s1 =	sshll.u32 s1, $0x11  }
0xc4: {  	s0 =	sor.u32 s1, s0  }
0xc5: {  	s0 =	sadd.s32 $0x8F2B, s0  }
0xc6: {  	[sflag:s0] =	ssyncadd.remote.s32 $0x1  }
0xc7: {  	_ =	sfence.sel $0xFFFF  }
0xc8: {  	[dreg:$0x0] =	wrdreg $0xFFFFFFFF;
	(pc) =	sbr.abs _section_cstart, $3  }
0xc9: {  	[dreg:$0x1] =	wrdreg $0xFFFFFFFF  }
0xca: {  	_ =	task.clear_ibuf [dreg:s9], $0x2FFFF;
	_ =	strace $0x9FFFFFFF  }
0xcb: {  	(tm) =	ssettm $0x7FFFFFFF  }
tec
execute0_lowered:
.L_overlay_start_1:
0x0: {  	(tag) =	ssettag $0x1  }
0x1: {  	s0 =	rddreg [dreg:$0x0]  }
0x2: {  	s9 =	rddreg [dreg:$0x1]  }
0x3: {  	s10 =	rddreg [dreg:$0x2]  }
0x4: {  	s6 =	rddreg [dreg:$0x3]  }
0x5: {  	s1 =	srdreg.scid;
	s3 =	rddreg [dreg:$0x4]  }
0x6: {  	s2 =	stileid.u32;
	s4 =	simm.s32 $0x0;
	s16 =	simm.s32 $0x80  }
0x7: {  	s17 =	simm.s32 $0x2800;
	s18 =	simm.s32 $0x6800;
	s19 =	simm.s32 $0x1  }
0x8: {  	s20 =	simm.s32 $0x2;
	s21 =	simm.s32 $0x2700;
	s22 =	simm.s32 $0x2780  }
0x9: {  	s7 =	sand.u32 $0x1, s1;
	s1 =	rddreg [dreg:$0x5];
	s8 =	smul.u32 $0x13C00, s2  }
0xa: {  	s23 =	simm.s32 $0x0;
	[smem:$0x7FF] =	sst s4;
	s12 =	smul.u32 $0x4F000, s2  }
0xb: {  	s31 =	sshll.u32 s2, $0x6;
	s5 =	smul.u32 $0x13C000, s7;
	s11 =	sshll.u32 s7, $0x4  }
0xc: {  	_ =	strace $0x8000004D;
	s7 =	ssub.s32 $0x2, s7;
	s11 =	sor.u32 s2, s11  }
0xd: {  	s28 =	sshrl.u32 s7, $0x1;
	s30 =	sshrl.u32 s12, $0x2;
	s8 =	sadd.s32 s8, s5  }
0xe: {  	s5 =	sadd.s32 $0x4400, s6;
	s29 =	smul.u32 $0x2800, s11;
	s14 =	ssub.s32 s7, s28  }
0xf: {  	s15 =	sadd.s32 s30, s3;
	s8 =	sshrl.u32 s8, $0x3;
	s12 =	smax.u32 s14, $0x1  }
0x10: {  	s14 =	simm.s32 $0x3;
	s13 =	sadd.s32 s8, s6;
	s11 =	sshrl.u32 s29, $0x3  }
0x11: {  	s7 =	sadd.s32 s9, s11;
	s8 =	sadd.s32 s10, s11;
	s11 =	sadd.s32 $0x280, s11  }
0x12: {  	s6 =	sor.u32 $0x1C03, s31;
	s9 =	sadd.s32 s9, s11;
	s10 =	sadd.s32 s10, s11  }
0x13: {  	s11 =	sadd.s32 $0x6C00, s13;
	s13 =	sshrl.u32 s15, $0x3;
	s15 =	simm.s32 $0x1400  }
.LBB2_1:
0x14: {  	[spmem:s13], [sflag:s6] =	dma.local [hbm:s5], $0x2780  }
0x15: {  	_ =	swait.ge [sflag:s14], $0x2780  }
0x16: {  	[sflag:s14] =	ssyncset.done $0x0  }
0x17: {  	[sflag:s14] =	ssyncadd.s32 $0xFFFFD880  }
0x18: {  	[bflag:$0x0] =	sbarrier.arrive $0xFFFF  }
0x19: {  	[tilespmem:s4], [sflag:$0x3] =	stream.linear.gather [hbm4b:s7+s4], $0x1400, $0x38;
	[tilespmem:$0x1E400] =	vst v63  }
0x1a: {  	_ =	swait.ge [sflag:s14], $0x1400  }
0x1b: {  	[sflag:s14] =	ssyncset.done $0x0  }
0x1c: {  	[sflag:s14] =	ssyncadd.s32 $0xFFFFEC00  }
0x1d: {  	[tilespmem:s15], [sflag:$0x3] =	stream.linear.gather [hbm4b:s8+s4], $0x1400, $0x38;
	[tilespmem:$0x1E400] =	vst v63  }
0x1e: {  	_ =	swait.ge [sflag:s14], $0x1400  }
0x1f: {  	[sflag:s14] =	ssyncset.done $0x0  }
0x20: {  	[sflag:s14] =	ssyncadd.s32 $0xFFFFEC00  }
0x21: {  	[tilespmem:s17], [sflag:$0x1] =	stream.indirect.gather [hbm4b:s0+s16], $0x80, s4, s16, $0xb8;
	[tilespmem:$0x1E400] =	vst v63  }
0x22: {  	_ = 	snop  }
0x23: {  	[tilespmem:s18], [sflag:$0x2] =	stream.indirect.gather [hbm4b:s0+s16], $0x80, s16, s16, $0xb8;
	[tilespmem:$0x1E400] =	vst v63  }
0x24: {  	_ =	swait.ge [sflag:s19], $0x4000  }
0x25: {  	[sflag:s19] =	ssyncset.done $0x0  }
0x26: {  	s24 =	simm.s32 $0x1400;
	[sflag:s19] =	ssyncadd.s32 $0xFFFFC000  }
0x27: {  	[spmem:s3] =	stream.indirect.scatter.add.f32 [tilespmem:s17], [sflag:$0x3], $0x80, s24, s16, $0xb8;
	[tilespmem:$0x1E400] =	vst v63  }
0x28: {  	_ =	swait.ge [sflag:s14], $0x4000  }
0x29: {  	[sflag:s14] =	ssyncset.done $0x0  }
0x2a: {  	s30 =	simm.s32 $0x100;
	[sflag:s14] =	ssyncadd.s32 $0xFFFFC000  }
0x2b: {  	[tilespmem:s17], [sflag:$0x1] =	stream.indirect.gather [hbm4b:s0+s16], $0x80, s30, s16, $0xb8;
	[tilespmem:$0x1E400] =	vst v63  }
0x2c: {  	_ =	swait.ge [sflag:s20], $0x4000  }
0x2d: {  	[sflag:s20] =	ssyncset.done $0x0  }
0x2e: {  	s31 =	simm.s32 $0x1480;
	[sflag:s20] =	ssyncadd.s32 $0xFFFFC000  }
0x2f: {  	[spmem:s3] =	stream.indirect.scatter.add.f32 [tilespmem:s18], [sflag:$0x3], $0x80, s31, s16, $0xb8;
	[tilespmem:$0x1E400] =	vst v63  }
0x30: {  	_ =	swait.ge [sflag:s14], $0x4000  }
0x31: {  	[sflag:s14] =	ssyncset.done $0x0  }
0x32: {  	s25 =	simm.s32 $0x180;
	s24 =	simm.s32 $0x400;
	[sflag:s14] =	ssyncadd.s32 $0xFFFFC000  }
.LBB2_2:
0x33: {  	[tilespmem:s18], [sflag:$0x2] =	stream.indirect.gather [hbm4b:s0+s16], $0x80, s25, s16, $0xb8;
	[tilespmem:$0x1E400] =	vst v63  }
0x34: {  	s25 =	smov.u32 s24  }
0x35: {  	p0 =	sne.s32 s24, $0x4800;
	s24 =	sadd.s32 $0x400, s24;
	_ =	swait.ge [sflag:s19], $0x4000  }
0x36: {  	s25 =	sshra.s32 s25, $0x2;
	[sflag:s19] =	ssyncset.done $0x0  }
0x37: {  	s26 =	sadd.s32 $0x1400, s25;
	[sflag:s19] =	ssyncadd.s32 $0xFFFFC000  }
0x38: {  	[spmem:s3] =	stream.indirect.scatter.add.f32 [tilespmem:s17], [sflag:$0x3], $0x80, s26, s16, $0xb8;
	[tilespmem:$0x1E400] =	vst v63  }
0x39: {  	_ =	swait.ge [sflag:s14], $0x4000  }
0x3a: {  	[sflag:s14] =	ssyncset.done $0x0  }
0x3b: {  	s26 =	sadd.s32 $0x100, s25;
	[sflag:s14] =	ssyncadd.s32 $0xFFFFC000  }
0x3c: {  	[tilespmem:s17], [sflag:$0x1] =	stream.indirect.gather [hbm4b:s0+s16], $0x80, s26, s16, $0xb8;
	[tilespmem:$0x1E400] =	vst v63  }
0x3d: {  	_ =	swait.ge [sflag:s20], $0x4000  }
0x3e: {  	[sflag:s20] =	ssyncset.done $0x0  }
.Ltmp0:
0x3f: {  	s26 =	sadd.s32 $0x1480, s25;
	[sflag:s20] =	ssyncadd.s32 $0xFFFFC000;
	(pc) =	sbr.rel @p0 .LBB2_2-.Ltmp0, $4  }
0x40: {  	[spmem:s3] =	stream.indirect.scatter.add.f32 [tilespmem:s18], [sflag:$0x3], $0x80, s26, s16, $0xb8;
	[tilespmem:$0x1E400] =	vst v63  }
0x41: {  	_ =	swait.ge [sflag:s14], $0x4000  }
0x42: {  	[sflag:s14] =	ssyncset.done $0x0  }
0x43: {  	s25 =	sadd.s32 $0x180, s25;
	[sflag:s14] =	ssyncadd.s32 $0xFFFFC000  }
0x44: {  	[tilespmem:s18], [sflag:$0x2] =	stream.indirect.gather [hbm4b:s0+s16], $0x80, s25, s16, $0xb8;
	[tilespmem:$0x1E400] =	vst v63  }
0x45: {  	_ =	swait.ge [sflag:s19], $0x4000  }
0x46: {  	[sflag:s19] =	ssyncset.done $0x0  }
0x47: {  	[sflag:s19] =	ssyncadd.s32 $0xFFFFC000  }
0x48: {  	[spmem:s3] =	stream.indirect.scatter.add.f32 [tilespmem:s17], [sflag:$0x3], $0x80, s21, s16, $0xb8;
	[tilespmem:$0x1E400] =	vst v63  }
0x49: {  	_ =	swait.ge [sflag:s14], $0x4000  }
0x4a: {  	[sflag:s14] =	ssyncset.done $0x0  }
0x4b: {  	[sflag:s14] =	ssyncadd.s32 $0xFFFFC000  }
0x4c: {  	_ =	swait.ge [sflag:s20], $0x4000  }
0x4d: {  	[sflag:s20] =	ssyncset.done $0x0  }
0x4e: {  	[sflag:s20] =	ssyncadd.s32 $0xFFFFC000  }
0x4f: {  	[spmem:s3] =	stream.indirect.scatter.add.f32 [tilespmem:s18], [sflag:$0x3], $0x80, s22, s16, $0xb8;
	[tilespmem:$0x1E400] =	vst v63  }
0x50: {  	_ =	swait.ge [sflag:s14], $0x4000  }
0x51: {  	[sflag:s14] =	ssyncset.done $0x0  }
0x52: {  	s24 =	simm.s32 $0x0;
	[sflag:s14] =	ssyncadd.s32 $0xFFFFC000  }
0x53: {  	[tilespmem:s24], [sflag:$0x3] =	stream.linear.gather [hbm4b:s9+s24], $0x1400, $0x38;
	[tilespmem:$0x1E400] =	vst v63  }
0x54: {  	_ =	swait.ge [sflag:s14], $0x1400  }
0x55: {  	[sflag:s14] =	ssyncset.done $0x0  }
0x56: {  	[sflag:s14] =	ssyncadd.s32 $0xFFFFEC00  }
0x57: {  	[tilespmem:s15], [sflag:$0x3] =	stream.linear.gather [hbm4b:s10+s24], $0x1400, $0x38;
	[tilespmem:$0x1E400] =	vst v63  }
0x58: {  	_ =	swait.ge [sflag:s14], $0x1400  }
0x59: {  	[sflag:s14] =	ssyncset.done $0x0  }
0x5a: {  	[sflag:s14] =	ssyncadd.s32 $0xFFFFEC00  }
0x5b: {  	[tilespmem:s17], [sflag:$0x1] =	stream.indirect.gather [hbm4b:s0+s16], $0x80, s24, s16, $0xb8;
	[tilespmem:$0x1E400] =	vst v63  }
0x5c: {  	_ = 	snop  }
0x5d: {  	[tilespmem:s18], [sflag:$0x2] =	stream.indirect.gather [hbm4b:s0+s16], $0x80, s16, s16, $0xb8;
	[tilespmem:$0x1E400] =	vst v63  }
0x5e: {  	_ =	swait.ge [sflag:s19], $0x4000  }
0x5f: {  	[sflag:s19] =	ssyncset.done $0x0  }
0x60: {  	s29 =	simm.s32 $0x1400;
	[sflag:s19] =	ssyncadd.s32 $0xFFFFC000  }
0x61: {  	[spmem:s3] =	stream.indirect.scatter.add.f32 [tilespmem:s17], [sflag:$0x3], $0x80, s29, s16, $0xb8;
	[tilespmem:$0x1E400] =	vst v63  }
0x62: {  	_ =	swait.ge [sflag:s14], $0x4000  }
0x63: {  	[sflag:s14] =	ssyncset.done $0x0  }
0x64: {  	s30 =	simm.s32 $0x100;
	[sflag:s14] =	ssyncadd.s32 $0xFFFFC000  }
0x65: {  	[tilespmem:s17], [sflag:$0x1] =	stream.indirect.gather [hbm4b:s0+s16], $0x80, s30, s16, $0xb8;
	[tilespmem:$0x1E400] =	vst v63  }
0x66: {  	_ =	swait.ge [sflag:s20], $0x4000  }
0x67: {  	[sflag:s20] =	ssyncset.done $0x0  }
0x68: {  	s31 =	simm.s32 $0x1480;
	[sflag:s20] =	ssyncadd.s32 $0xFFFFC000  }
0x69: {  	[spmem:s3] =	stream.indirect.scatter.add.f32 [tilespmem:s18], [sflag:$0x3], $0x80, s31, s16, $0xb8;
	[tilespmem:$0x1E400] =	vst v63  }
0x6a: {  	_ =	swait.ge [sflag:s14], $0x4000  }
0x6b: {  	[sflag:s14] =	ssyncset.done $0x0  }
0x6c: {  	s25 =	simm.s32 $0x180;
	s24 =	simm.s32 $0x400;
	[sflag:s14] =	ssyncadd.s32 $0xFFFFC000  }
.LBB2_4:
0x6d: {  	[tilespmem:s18], [sflag:$0x2] =	stream.indirect.gather [hbm4b:s0+s16], $0x80, s25, s16, $0xb8;
	[tilespmem:$0x1E400] =	vst v63  }
0x6e: {  	s25 =	smov.u32 s24  }
0x6f: {  	p0 =	sne.s32 s24, $0x4800;
	s24 =	sadd.s32 $0x400, s24;
	_ =	swait.ge [sflag:s19], $0x4000  }
0x70: {  	s25 =	sshra.s32 s25, $0x2;
	[sflag:s19] =	ssyncset.done $0x0  }
0x71: {  	s26 =	sadd.s32 $0x1400, s25;
	[sflag:s19] =	ssyncadd.s32 $0xFFFFC000  }
0x72: {  	[spmem:s3] =	stream.indirect.scatter.add.f32 [tilespmem:s17], [sflag:$0x3], $0x80, s26, s16, $0xb8;
	[tilespmem:$0x1E400] =	vst v63  }
0x73: {  	_ =	swait.ge [sflag:s14], $0x4000  }
0x74: {  	[sflag:s14] =	ssyncset.done $0x0  }
0x75: {  	s26 =	sadd.s32 $0x100, s25;
	[sflag:s14] =	ssyncadd.s32 $0xFFFFC000  }
0x76: {  	[tilespmem:s17], [sflag:$0x1] =	stream.indirect.gather [hbm4b:s0+s16], $0x80, s26, s16, $0xb8;
	[tilespmem:$0x1E400] =	vst v63  }
0x77: {  	_ =	swait.ge [sflag:s20], $0x4000  }
0x78: {  	[sflag:s20] =	ssyncset.done $0x0  }
.Ltmp1:
0x79: {  	s26 =	sadd.s32 $0x1480, s25;
	[sflag:s20] =	ssyncadd.s32 $0xFFFFC000;
	(pc) =	sbr.rel @p0 .LBB2_4-.Ltmp1, $4  }
0x7a: {  	[spmem:s3] =	stream.indirect.scatter.add.f32 [tilespmem:s18], [sflag:$0x3], $0x80, s26, s16, $0xb8;
	[tilespmem:$0x1E400] =	vst v63  }
0x7b: {  	_ =	swait.ge [sflag:s14], $0x4000  }
0x7c: {  	[sflag:s14] =	ssyncset.done $0x0  }
0x7d: {  	s25 =	sadd.s32 $0x180, s25;
	[sflag:s14] =	ssyncadd.s32 $0xFFFFC000  }
0x7e: {  	[tilespmem:s18], [sflag:$0x2] =	stream.indirect.gather [hbm4b:s0+s16], $0x80, s25, s16, $0xb8;
	[tilespmem:$0x1E400] =	vst v63  }
0x7f: {  	_ =	swait.ge [sflag:s19], $0x4000  }
0x80: {  	[sflag:s19] =	ssyncset.done $0x0  }
0x81: {  	[sflag:s19] =	ssyncadd.s32 $0xFFFFC000  }
0x82: {  	[spmem:s3] =	stream.indirect.scatter.add.f32 [tilespmem:s17], [sflag:$0x3], $0x80, s21, s16, $0xb8;
	[tilespmem:$0x1E400] =	vst v63  }
0x83: {  	_ =	swait.ge [sflag:s14], $0x4000  }
0x84: {  	[sflag:s14] =	ssyncset.done $0x0  }
0x85: {  	[sflag:s14] =	ssyncadd.s32 $0xFFFFC000  }
0x86: {  	_ =	swait.ge [sflag:s20], $0x4000  }
0x87: {  	[sflag:s20] =	ssyncset.done $0x0  }
0x88: {  	[sflag:s20] =	ssyncadd.s32 $0xFFFFC000  }
0x89: {  	[spmem:s3] =	stream.indirect.scatter.add.f32 [tilespmem:s18], [sflag:$0x3], $0x80, s22, s16, $0xb8;
	[tilespmem:$0x1E400] =	vst v63  }
0x8a: {  	_ =	swait.ge [sflag:s14], $0x4000  }
0x8b: {  	s23 =	sadd.s32 $0x1, s23;
	[sflag:s14] =	ssyncset.done $0x0  }
0x8c: {  	p0 =	sne.s32 s23, s12;
	[sflag:s14] =	ssyncadd.s32 $0xFFFFC000  }
.Ltmp2:
0x8d: {  	[bflag:$0x0] =	sbarrier.arrive $0xFFFF;
	(pc) =	sbr.rel @p0 .LBB2_1-.Ltmp2, $4  }
0x8e: {  	[hbm:s11], [sflag:s6] =	dma.local [spmem:s13], $0x2780  }
0x8f: {  	_ =	swait.ge [sflag:s14], $0x2780  }
0x90: {  	[sflag:s14] =	ssyncset.done $0x0  }
0x91: {  	[sflag:s14] =	ssyncadd.s32 $0xFFFFD880  }
0x92: {  	_ =	sfence.sel $0x180000  }
0x93: {  	[bflag:$0x0] =	sbarrier.arrive $0xFFFF  }
0x94: {  	p0 =	sne.s32 s2, $0x0;
	_ =	strace $0x9000004D  }
0x95: {  	s0 =	sadd.s32 @!p0 $0x100000, s1;
	[bflag:$0x2] =	sbarrier.arrive $0xFFFF  }
0x96: {  	[sflag:s0] =	ssyncadd.tile.s32 @!p0 $0x1;
	_ =	shalt  }
.Lfunc_end2:
_tile_overlayer_lowered:
.L_overlay_start_2:
0x97: {  	(tag) =	ssettag $0x2  }
0x98: {  	s0 =	rddreg [dreg:$0x0];
	s2 =	stileid.u32  }
0x99: {  	s1 =	rddreg [dreg:$0x1];
	p0 =	sne.s32 s2, $0x0  }
0x9a: {  	s3 =	rddreg [dreg:$0x2];
	[bflag:$0x3] =	sbarrier.arrive $0xFFFF;
	s2 =	simm.s32 @!p0 $0x1C03  }
0x9b: {  	[timem:s3], [sflag:s2] =	dma.local @!p0 [hbm:s0], s1  }
0x9c: {  	s0 =	simm.s32 @!p0 $0x3  }
0x9d: {  	_ =	swait.ge @!p0 [sflag:s0], s1  }
0x9e: {  	s1 =	ssub.s32 @!p0 $0x0, s1;
	[sflag:s0] =	ssyncset.done @!p0 $0x0  }
0x9f: {  	[sflag:s0] =	ssyncadd.s32 @!p0 s1  }
0xa0: {  	[bflag:$0x3] =	sbarrier.arrive $0xFFFF  }
0xa1: {  	_ =	shalt  }

// kernel: kernel.9.cloned.1.call-start
scs
__scs_entry_jumppad:
0x0: {  	(pc) =	sbr.rel $0x88, $3  }
0x1: {  	(tag) =	ssettag $0x0;
	lr =	simm.s32 $0x1  }
0x2: {  	[smem:$0x3F8E] =	sst lr;
	_ =	strace $0xD0000000  }
0x3: {  	_ = 	snop  }
0x4: {  	_ = 	snop  }
0x5: {  	_ = 	snop  }
0x6: {  	_ = 	snop  }
0x7: {  	_ = 	snop  }
__scs_overlays_trampoline_lowered:
0x8: {  	[smem:$0x3F9D] =	sst s0  }
0x9: {  	[smem:$0x3F9E] =	sst s1  }
0xa: {  	[smem:$0x3F9F] =	sst s2  }
0xb: {  	[smem:$0x3FA0] =	sst s3  }
0xc: {  	[smem:$0x3FA1] =	sst s4  }
0xd: {  	[smem:$0x3FA2] =	sst s5  }
0xe: {  	[smem:$0x3FA3] =	sst s6  }
0xf: {  	[smem:$0x3FA4] =	sst s7  }
0x10: {  	[smem:$0x3FA5] =	sst s8  }
0x11: {  	[smem:$0x3FA6] =	sst s9;
	s0 =	simm.s32 @!p0 $0x0  }
0x12: {  	s1 =	sld [smem:$0x3F8C];
	s0 =	simm.s32 @p0 $0x1  }
0x13: {  	[smem:$0x3FA7] =	sst s0;
	s0 =	simm.s32 @!p1 $0x0  }
0x14: {  	s2 =	sld [smem:$0x3F8B];
	s0 =	simm.s32 @p1 $0x1  }
0x15: {  	[smem:$0x3FA8] =	sst s0;
	s0 =	simm.s32 @!p2 $0x0  }
0x16: {  	s3 =	sld [smem:$0x3FDB];
	s0 =	simm.s32 @p2 $0x1  }
0x17: {  	s4 =	simm.s32 $0x1BF5;
	[smem:$0x3FAA] =	sst s0  }
0x18: {  	s0 =	sld [smem:$0x3F8D];
	_ =	swait.ge [sflag:s4], $0x0  }
0x19: {  	s7 =	sld [smem:$0x3F8E]  }
0x1a: {  	s8 =	sadd.s32 $0xFFFFE003, lr  }
0x1b: {  	s9 =	sadd.s32 $0xFFFFFEF7, lr;
	s5 =	simm.s32 $0xFFFFFFFF;
	p2 =	slt.u32 s8, $0xFFFFF086  }
0x1c: {  	p1 =	slt.u32 s9, $0xF7A;
	s5 =	simm.s32 @!p2 $0x0  }
0x1d: {  	s5 =	simm.s32 @p1 $0x1;
	p0 =	seq.s32 s7, s2  }
0x1e: {  	s7 =	smul.u32 @!p0 $0xF7A, s2;
	p2 =	seq.s32 @!p0 s5, $0x0  }
0x1f: {  	s9 =	smul.u32 $0xF7A, s1;
	s8 =	simm.s32 @!p0 $0x1BF5;
	p2 =	por !p2, p0  }
0x20: {  	[sflag:s8] =	ssyncset.s32 @!p0 $0xFFFFF086;
	s6 =	sadd.s32 @!p0 s3, s7;
	s7 =	simm.s32 @!p0 $0x108  }
0x21: {  	s3 =	sadd.s32 s3, s9;
	s6 =	sadd.s32 @!p0 $0x88, s6;
	s7 =	simm.s32 @p2 $0x1082  }
0x22: {  	[simem:s7], [sflag:s8] =	dma.local @!p0 [hbm:s6], $0xF7A  }
0x23: {  	s9 =	sor.u32 $0xD0000000, s2;
	s6 =	simm.s32 $0x108;
	_ =	swait.ge @!p0 [sflag:s8], $0x0  }
0x24: {  	s3 =	sadd.s32 $0x88, s3;
	s6 =	simm.s32 @!p1 $0x1082;
	[sflag:s4] =	ssyncset.s32 $0xFFFFF086  }
0x25: {  	[simem:s6], [sflag:s4] =	dma.local [hbm:s3], $0xF7A  }
0x26: {  	[smem:$0x3F8E] =	sst s1;
	(tag) =	ssettag s2;
	_ =	strace s9  }
0x27: {  	s1 =	sld [smem:$0x3F9E]  }
0x28: {  	s2 =	sld [smem:$0x3F9F]  }
0x29: {  	s4 =	sld [smem:$0x3FA1]  }
0x2a: {  	p0 =	seq.s32 s5, $0x0;
	s5 =	sld [smem:$0x3FA2]  }
0x2b: {  	s6 =	sld [smem:$0x3FA3]  }
0x2c: {  	s7 =	sld [smem:$0x3FA4]  }
0x2d: {  	s3 =	simm.s32 $0x108;
	s8 =	sld [smem:$0x3FA5]  }
0x2e: {  	s3 =	simm.s32 @!p0 $0x1082;
	s9 =	sld [smem:$0x3FA6]  }
0x2f: {  	lr =	sadd.s32 s0, s3;
	s0 =	sld [smem:$0x3F9D]  }
0x30: {  	s3 =	sld [smem:$0x3FA0]  }
0x31: {  	[smem:$0x3FA9] =	sst s10  }
0x32: {  	s10 =	sld [smem:$0x3FA7];
	_ =	sdelay $0x3  }
0x33: {  	p0 =	seq.s32 s10, $0x1;
	s10 =	sld [smem:$0x3FA9];
	_ =	sdelay $0x3  }
0x34: {  	[smem:$0x3FA9] =	sst s10  }
0x35: {  	s10 =	sld [smem:$0x3FA8];
	_ =	sdelay $0x3  }
0x36: {  	p1 =	seq.s32 s10, $0x1;
	s10 =	sld [smem:$0x3FA9];
	_ =	sdelay $0x3  }
0x37: {  	[smem:$0x3FA9] =	sst s10  }
0x38: {  	s10 =	sld [smem:$0x3FAA]  }
0x39: {  	_ = 	snop;
	(pc) =	sbr.ind lr, $3  }
0x3a: {  	_ = 	snop  }
0x3b: {  	_ = 	snop  }
0x3c: {  	p2 =	seq.s32 s10, $0x1;
	s10 =	sld [smem:$0x3FA9]  }
0x3d: {  	_ =	shalt  }
0x3e: {  	_ =	shalt  }
0x3f: {  	_ =	shalt  }
0x40: {  	_ =	shalt  }
0x41: {  	_ =	shalt  }
0x42: {  	_ =	shalt  }
0x43: {  	_ =	shalt  }
0x44: {  	_ =	shalt  }
0x45: {  	_ =	shalt  }
0x46: {  	_ =	shalt  }
0x47: {  	_ =	shalt  }
0x48: {  	_ =	shalt  }
0x49: {  	_ =	shalt  }
0x4a: {  	_ =	shalt  }
0x4b: {  	_ =	shalt  }
0x4c: {  	_ =	shalt  }
0x4d: {  	_ =	shalt  }
0x4e: {  	_ =	shalt  }
0x4f: {  	_ =	shalt  }
0x50: {  	_ =	shalt  }
0x51: {  	_ =	shalt  }
0x52: {  	_ =	shalt  }
0x53: {  	_ =	shalt  }
0x54: {  	_ =	shalt  }
0x55: {  	_ =	shalt  }
0x56: {  	_ =	shalt  }
0x57: {  	_ =	shalt  }
0x58: {  	_ =	shalt  }
0x59: {  	_ =	shalt  }
0x5a: {  	_ =	shalt  }
0x5b: {  	_ =	shalt  }
0x5c: {  	_ =	shalt  }
0x5d: {  	_ =	shalt  }
0x5e: {  	_ =	shalt  }
0x5f: {  	_ =	shalt  }
0x60: {  	_ =	shalt  }
0x61: {  	_ =	shalt  }
0x62: {  	_ =	shalt  }
0x63: {  	_ =	shalt  }
0x64: {  	_ =	shalt  }
0x65: {  	_ =	shalt  }
0x66: {  	_ =	shalt  }
0x67: {  	_ =	shalt  }
0x68: {  	_ =	shalt  }
0x69: {  	_ =	shalt  }
0x6a: {  	_ =	shalt  }
0x6b: {  	_ =	shalt  }
0x6c: {  	_ =	shalt  }
0x6d: {  	_ =	shalt  }
0x6e: {  	_ =	shalt  }
0x6f: {  	_ =	shalt  }
0x70: {  	_ =	shalt  }
0x71: {  	_ =	shalt  }
0x72: {  	_ =	shalt  }
0x73: {  	_ =	shalt  }
0x74: {  	_ =	shalt  }
0x75: {  	_ =	shalt  }
0x76: {  	_ =	shalt  }
0x77: {  	_ =	shalt  }
0x78: {  	_ =	shalt  }
0x79: {  	_ =	shalt  }
0x7a: {  	_ =	shalt  }
0x7b: {  	_ =	shalt  }
0x7c: {  	_ =	shalt  }
0x7d: {  	_ =	shalt  }
0x7e: {  	_ =	shalt  }
0x7f: {  	_ =	shalt  }
0x80: {  	_ =	shalt  }
0x81: {  	_ =	shalt  }
0x82: {  	_ =	shalt  }
0x83: {  	_ =	shalt  }
0x84: {  	_ =	shalt  }
0x85: {  	_ =	shalt  }
0x86: {  	_ =	shalt  }
0x87: {  	_ =	shalt  }
.Lfunc_end0:
.L_simem_size_0:
called_computation_lowered:
.L_overlay_start_0:
0x88: {  	s2 =	sld [smem:$0x3FD9]  }
0x89: {  	s3 =	sld [smem:$0x3FFE];
	_ =	sdelay $0x1  }
0x8a: {  	s1 =	srdreg.scid  }
0x8b: {  	s0 =	sand.u32 $0x1, s1  }
0x8c: {  	s14 =	sshll.u32 s0, $0xA;
	s2 =	sadd.s32 s3, s2  }
0x8d: {  	s2 =	sadd.s32 s2, s14  }
0x8e: {  	[smem:$0x3FB5] =	sst s2  }
0x8f: {  	_ = 	snop  }
0x90: {  	s2 =	sld [smem:$0x3FD0];
	_ =	sdelay $0x2  }
0x91: {  	s15 =	simm.s32 $0xA;
	s4 =	simm.s32 $0x10  }
0x92: {  	[smem:s4], [sflag:s15] =	dma.local [hbm:s2], $0x1  }
0x93: {  	_ =	swait.eq [sflag:s15], $0x1  }
0x94: {  	s16 =	sld [smem:$0x10]  }
0x95: {  	s17 =	sld [smem:$0x11];
	[sflag:s15] =	ssyncset.done $0x0  }
0x96: {  	s5 =	sld [smem:$0x12];
	[sflag:s15] =	ssyncadd.s32 $0xFFFFFFFF  }
0x97: {  	s18 =	sld [smem:$0x13];
	(tm) =	ssettm $0x1  }
0x98: {  	s6 =	sld [smem:$0x3FFB];
	_ =	sdelay $0x3  }
0x99: {  	_ =	strace s6  }
0x9a: {  	s6 =	sld [smem:$0x3FFC];
	_ =	sdelay $0x3  }
0x9b: {  	_ =	strace s6  }
0x9c: {  	s6 =	sld [smem:$0x3FFD];
	_ =	sdelay $0x3  }
0x9d: {  	_ =	strace s6  }
0x9e: {  	_ =	strace $0x8FFFFFFF  }
0x9f: {  	s19 =	sld [smem:$0x3FDB];
	_ =	sdelay $0x1  }
0xa0: {  	s7 =	simm.s32 $_scs_section_size  }
0xa1: {  	s8 =	simm.s32 $_size__tile_overlayer_lowered;
	s9 =	simm.s32 $_tile_overlayer_lowered  }
0xa2: {  	s22 =	simm.s32 $0x1BFF;
	s21 =	sshll.u32 s9, $0x1;
	s6 =	sadd.s32 s7, s19  }
0xa3: {  	s10 =	simm.s32 $0x0;
	s20 =	sshll.u32 s8, $0x1;
	s8 =	sadd.s32 s21, s6  }
0xa4: {  	[timem:s10], [sflag:s22] =	dma.local [hbm:s8], s20  }
0xa5: {  	_ =	swait.ge [sflag:s22], s20  }
0xa6: {  	s7 =	ssub.s32 $0x0, s20;
	[sflag:s22] =	ssyncset.done $0x0  }
0xa7: {  	[sflag:s22] =	ssyncadd.s32 s7;
	_ =	sdelay $0x1  }
0xa8: {  	s23 =	simm.s32 $0x1B8B  }
0xa9: {  	_ =	swait.ge [sflag:s23], $0x1  }
0xaa: {  	[sflag:s23] =	ssyncset.done $0x0  }
0xab: {  	s25 =	simm.s32 $0x1B8E;
	s24 =	sld [smem:$0x3FFE];
	[sflag:s23] =	ssyncadd.s32 $0xFFFFFFFF  }
0xac: {  	s26 =	simm.s32 $execute0_lowered;
	[smem:$0x3FD2] =	sst s25  }
0xad: {  	s8 =	sshll.u32 s26, $0x1;
	_ =	strace $0x80000046;
	[dreg:$0x1] =	wrdreg $0xFFFFFFFF  }
0xae: {  	s28 =	simm.s32 $_size_execute0_lowered;
	s6 =	sadd.s32 s6, s8;
	[dreg:$0x0] =	wrdreg $0x0  }
0xaf: {  	s8 =	sshll.u32 s28, $0x1;
	[dreg:$0x2] =	wrdreg s6  }
0xb0: {  	[dreg:$0x3] =	wrdreg s8  }
0xb1: {  	[dreg:$0x4] =	wrdreg $0xC0  }
0xb2: {  	_ =	task [dreg:s10], $0x5FFFF  }
0xb3: {  	[dreg:$0x1] =	wrdreg $0xFFFFFFFF  }
0xb4: {  	[dreg:$0x0] =	wrdreg $0x60  }
0xb5: {  	[dreg:$0x2] =	wrdreg s18  }
0xb6: {  	[dreg:$0x3] =	wrdreg s17  }
0xb7: {  	[dreg:$0x4] =	wrdreg s16  }
0xb8: {  	[dreg:$0x5] =	wrdreg s24  }
0xb9: {  	[dreg:$0x6] =	wrdreg s5  }
0xba: {  	[dreg:$0x7] =	wrdreg $0xA8000  }
0xbb: {  	[dreg:$0x8] =	wrdreg $0x9  }
0xbc: {  	_ =	task.clear_ibuf [dreg:s10], $0x9FFFF;
	_ =	strace $0x90000046  }
0xbd: {  	s29 =	simm.s32 $0x9;
	_ =	strace $0x80000048  }
0xbe: {  	_ =	swait.ge [sflag:s29], $0x1  }
0xbf: {  	[sflag:s29] =	ssyncadd.s32 $0xFFFFFFFF  }
0xc0: {  	_ =	strace $0x90000048  }
0xc1: {  	_ =	sfence  }
0xc2: {  	s30 =	sld [smem:$0x0];
	_ =	sdelay $0x2  }
0xc3: {  	s31 =	sshll.u32 s1, $0xD;
	s1 =	sshrl.u32 s1, $0x2  }
0xc4: {  	s3 =	sand.u32 $0x4000, s31;
	s1 =	sadd.s32 s1, s30  }
0xc5: {  	s0 =	sor.u32 s3, s0;
	s1 =	sshll.u32 s1, $0x11  }
0xc6: {  	s0 =	sor.u32 s1, s0  }
0xc7: {  	s0 =	sadd.s32 $0x8F2B, s0  }
0xc8: {  	[sflag:s0] =	ssyncadd.remote.s32 $0x1  }
0xc9: {  	_ =	sfence.sel $0xFFFF  }
0xca: {  	[dreg:$0x0] =	wrdreg $0xFFFFFFFF;
	(pc) =	sbr.abs _section_cstart, $3  }
0xcb: {  	[dreg:$0x1] =	wrdreg $0xFFFFFFFF  }
0xcc: {  	_ =	task.clear_ibuf [dreg:s10], $0x2FFFF;
	_ =	strace $0x9FFFFFFF  }
0xcd: {  	(tm) =	ssettm $0x7FFFFFFF  }
tec
execute0_lowered:
.L_overlay_start_1:
0x0: {  	(tag) =	ssettag $0x1  }
0x1: {  	s0 =	rddreg [dreg:$0x0]  }
0x2: {  	s12 =	rddreg [dreg:$0x1]  }
0x3: {  	s9 =	rddreg [dreg:$0x2]  }
0x4: {  	s7 =	rddreg [dreg:$0x3]  }
0x5: {  	s3 =	rddreg [dreg:$0x4];
	s1 =	srdreg.scid  }
0x6: {  	s4 =	rddreg [dreg:$0x5];
	s2 =	stileid.u32  }
0x7: {  	s5 =	simm.s32 $0x0;
	s18 =	simm.s32 $0x1400;
	s19 =	simm.s32 $0x80  }
0x8: {  	s20 =	simm.s32 $0x6800;
	s21 =	simm.s32 $0x1;
	s22 =	simm.s32 $0x2  }
0x9: {  	s6 =	sand.u32 $0x1, s1;
	s1 =	rddreg [dreg:$0x6];
	s10 =	smul.u32 $0x13C00, s2  }
0xa: {  	s23 =	simm.s32 $0x2700;
	[smem:$0x7FF] =	sst s5;
	s26 =	smul.u32 $0x4F000, s2  }
0xb: {  	s29 =	sshll.u32 s2, $0x6;
	s8 =	smul.u32 $0x13C000, s6;
	_ =	strace $0x80000047  }
0xc: {  	s24 =	sshll.u32 s6, $0x4;
	s11 =	ssub.s32 $0x2, s6;
	s6 =	sadd.s32 $0x4400, s7  }
0xd: {  	s25 =	sor.u32 s2, s24;
	s13 =	sshrl.u32 s11, $0x1;
	s28 =	sshrl.u32 s26, $0x2  }
0xe: {  	s24 =	simm.s32 $0x2780;
	s8 =	sadd.s32 s10, s8;
	s14 =	smul.u32 $0x2800, s25  }
0xf: {  	s16 =	ssub.s32 s11, s13;
	s17 =	sadd.s32 s28, s4;
	s8 =	sshrl.u32 s8, $0x3  }
0x10: {  	s25 =	simm.s32 $0x0;
	s15 =	sadd.s32 s8, s7;
	s30 =	sshrl.u32 s14, $0x3  }
0x11: {  	s7 =	sor.u32 $0x1C03, s29;
	s14 =	smax.u32 s16, $0x1;
	s16 =	simm.s32 $0x3  }
0x12: {  	s31 =	sadd.s32 $0x280, s30;
	s8 =	sadd.s32 s9, s30;
	s10 =	sadd.s32 $0x6C00, s15  }
0x13: {  	s11 =	sadd.s32 s12, s30;
	s13 =	sadd.s32 $0x55C00, s15;
	s15 =	sshrl.u32 s17, $0x3  }
0x14: {  	s17 =	simm.s32 $0x2800;
	s9 =	sadd.s32 s9, s31;
	s12 =	sadd.s32 s12, s31  }
.LBB2_1:
0x15: {  	[spmem:s15], [sflag:s7] =	dma.local [hbm:s6], $0x2780  }
0x16: {  	_ =	swait.ge [sflag:s16], $0x2780  }
0x17: {  	[sflag:s16] =	ssyncset.done $0x0  }
0x18: {  	[sflag:s16] =	ssyncadd.s32 $0xFFFFD880  }
0x19: {  	[tilespmem:s17], [sflag:$0x3] =	stream.linear.gather [hbm4b:s3+s5], $0x4000, $0x38;
	[tilespmem:$0x1E400] =	vst v63  }
0x1a: {  	_ =	swait.ge [sflag:s16], $0x4000  }
0x1b: {  	[sflag:s16] =	ssyncset.done $0x0  }
0x1c: {  	[sflag:s16] =	ssyncadd.s32 $0xFFFFC000  }
0x1d: {  	[bflag:$0x0] =	sbarrier.arrive $0xFFFF  }
0x1e: {  	[tilespmem:s18], [sflag:$0x3] =	stream.linear.gather [hbm4b:s8+s5], $0x1400, $0x38;
	[tilespmem:$0x1E400] =	vst v63  }
0x1f: {  	_ =	swait.ge [sflag:s16], $0x1400  }
0x20: {  	[sflag:s16] =	ssyncset.done $0x0  }
0x21: {  	s26 =	simm.s32 $0x1400;
	[sflag:s16] =	ssyncadd.s32 $0xFFFFEC00  }
0x22: {  	[spmem:s4] =	stream.indirect.scatter.add.f32 [tilespmem:s17], [sflag:$0x3], $0x80, s26, s19, $0xb8;
	[tilespmem:$0x1E400] =	vst v63  }
0x23: {  	s26 =	simm.s32 $0x200;
	_ =	swait.ge [sflag:s16], $0x4000  }
.LBB2_2:
0x24: {  	s28 =	sshra.s32 s26, $0x2;
	[sflag:s16] =	ssyncset.done $0x0;
	p0 =	sne.s32 s26, $0x4E00  }
.Ltmp0:
0x25: {  	s28 =	sadd.s32 $0x1400, s28;
	[sflag:s16] =	ssyncadd.s32 $0xFFFFC000;
	(pc) =	sbr.rel @p0 .LBB2_2-.Ltmp0, $3  }
0x26: {  	[spmem:s4] =	stream.indirect.scatter.add.f32 [tilespmem:s17], [sflag:$0x3], $0x80, s28, s19, $0xb8;
	[tilespmem:$0x1E400] =	vst v63  }
0x27: {  	s26 =	sadd.s32 $0x200, s26;
	_ =	sdelay $0x1  }
0x28: {  	_ =	swait.ge [sflag:s16], $0x4000  }
0x29: {  	[sflag:s16] =	ssyncset.done $0x0  }
0x2a: {  	s26 =	simm.s32 $0x0;
	[sflag:s16] =	ssyncadd.s32 $0xFFFFC000  }
0x2b: {  	[tilespmem:s18], [sflag:$0x3] =	stream.linear.gather [hbm4b:s9+s26], $0x1400, $0x38;
	[tilespmem:$0x1E400] =	vst v63  }
0x2c: {  	_ =	swait.ge [sflag:s16], $0x1400  }
0x2d: {  	[sflag:s16] =	ssyncset.done $0x0  }
0x2e: {  	s31 =	simm.s32 $0x1400;
	[sflag:s16] =	ssyncadd.s32 $0xFFFFEC00  }
0x2f: {  	[spmem:s4] =	stream.indirect.scatter.add.f32 [tilespmem:s17], [sflag:$0x3], $0x80, s31, s19, $0xb8;
	[tilespmem:$0x1E400] =	vst v63  }
0x30: {  	s26 =	simm.s32 $0x200;
	_ =	swait.ge [sflag:s16], $0x4000  }
.LBB2_4:
0x31: {  	s28 =	sshra.s32 s26, $0x2;
	[sflag:s16] =	ssyncset.done $0x0;
	p0 =	sne.s32 s26, $0x4E00  }
.Ltmp1:
0x32: {  	s28 =	sadd.s32 $0x1400, s28;
	[sflag:s16] =	ssyncadd.s32 $0xFFFFC000;
	(pc) =	sbr.rel @p0 .LBB2_4-.Ltmp1, $3  }
0x33: {  	[spmem:s4] =	stream.indirect.scatter.add.f32 [tilespmem:s17], [sflag:$0x3], $0x80, s28, s19, $0xb8;
	[tilespmem:$0x1E400] =	vst v63  }
0x34: {  	s26 =	sadd.s32 $0x200, s26;
	_ =	sdelay $0x1  }
0x35: {  	_ =	swait.ge [sflag:s16], $0x4000  }
0x36: {  	[sflag:s16] =	ssyncset.done $0x0  }
0x37: {  	[sflag:s16] =	ssyncadd.s32 $0xFFFFC000  }
0x38: {  	[bflag:$0x0] =	sbarrier.arrive $0xFFFF  }
0x39: {  	[hbm:s10], [sflag:s7] =	dma.local [spmem:s15], $0x2780  }
0x3a: {  	_ =	swait.ge [sflag:s16], $0x2780  }
0x3b: {  	[sflag:s16] =	ssyncset.done $0x0  }
0x3c: {  	[sflag:s16] =	ssyncadd.s32 $0xFFFFD880  }
0x3d: {  	[spmem:s15], [sflag:s7] =	dma.local [hbm:s6], $0x2780  }
0x3e: {  	_ =	swait.ge [sflag:s16], $0x2780  }
0x3f: {  	[sflag:s16] =	ssyncset.done $0x0  }
0x40: {  	[sflag:s16] =	ssyncadd.s32 $0xFFFFD880  }
0x41: {  	s26 =	simm.s32 $0x0;
	[bflag:$0x0] =	sbarrier.arrive $0xFFFF  }
0x42: {  	[tilespmem:s26], [sflag:$0x3] =	stream.linear.gather [hbm4b:s11+s26], $0x1400, $0x38;
	[tilespmem:$0x1E400] =	vst v63  }
0x43: {  	_ =	swait.ge [sflag:s16], $0x1400  }
0x44: {  	[sflag:s16] =	ssyncset.done $0x0  }
0x45: {  	[sflag:s16] =	ssyncadd.s32 $0xFFFFEC00  }
0x46: {  	[tilespmem:s18], [sflag:$0x3] =	stream.linear.gather [hbm4b:s8+s26], $0x1400, $0x38;
	[tilespmem:$0x1E400] =	vst v63  }
0x47: {  	_ =	swait.ge [sflag:s16], $0x1400  }
0x48: {  	[sflag:s16] =	ssyncset.done $0x0  }
0x49: {  	[sflag:s16] =	ssyncadd.s32 $0xFFFFEC00  }
0x4a: {  	[tilespmem:s17], [sflag:$0x1] =	stream.indirect.gather [hbm4b:s0+s19], $0x80, s26, s19, $0xb8;
	[tilespmem:$0x1E400] =	vst v63  }
0x4b: {  	_ = 	snop  }
0x4c: {  	[tilespmem:s20], [sflag:$0x2] =	stream.indirect.gather [hbm4b:s0+s19], $0x80, s19, s19, $0xb8;
	[tilespmem:$0x1E400] =	vst v63  }
0x4d: {  	_ =	swait.ge [sflag:s21], $0x4000  }
0x4e: {  	[sflag:s21] =	ssyncset.done $0x0  }
0x4f: {  	s29 =	simm.s32 $0x1400;
	[sflag:s21] =	ssyncadd.s32 $0xFFFFC000  }
0x50: {  	[spmem:s4] =	stream.indirect.scatter.add.f32 [tilespmem:s17], [sflag:$0x3], $0x80, s29, s19, $0xb8;
	[tilespmem:$0x1E400] =	vst v63  }
0x51: {  	_ =	swait.ge [sflag:s16], $0x4000  }
0x52: {  	[sflag:s16] =	ssyncset.done $0x0  }
0x53: {  	s30 =	simm.s32 $0x100;
	[sflag:s16] =	ssyncadd.s32 $0xFFFFC000  }
0x54: {  	[tilespmem:s17], [sflag:$0x1] =	stream.indirect.gather [hbm4b:s0+s19], $0x80, s30, s19, $0xb8;
	[tilespmem:$0x1E400] =	vst v63  }
0x55: {  	_ =	swait.ge [sflag:s22], $0x4000  }
0x56: {  	[sflag:s22] =	ssyncset.done $0x0  }
0x57: {  	s31 =	simm.s32 $0x1480;
	[sflag:s22] =	ssyncadd.s32 $0xFFFFC000  }
0x58: {  	[spmem:s4] =	stream.indirect.scatter.add.f32 [tilespmem:s20], [sflag:$0x3], $0x80, s31, s19, $0xb8;
	[tilespmem:$0x1E400] =	vst v63  }
0x59: {  	_ =	swait.ge [sflag:s16], $0x4000  }
0x5a: {  	[sflag:s16] =	ssyncset.done $0x0  }
0x5b: {  	s28 =	simm.s32 $0x180;
	s26 =	simm.s32 $0x400;
	[sflag:s16] =	ssyncadd.s32 $0xFFFFC000  }
.LBB2_6:
0x5c: {  	[tilespmem:s20], [sflag:$0x2] =	stream.indirect.gather [hbm4b:s0+s19], $0x80, s28, s19, $0xb8;
	[tilespmem:$0x1E400] =	vst v63  }
0x5d: {  	s28 =	smov.u32 s26  }
0x5e: {  	p0 =	sne.s32 s26, $0x4800;
	s26 =	sadd.s32 $0x400, s26;
	_ =	swait.ge [sflag:s21], $0x4000  }
0x5f: {  	s28 =	sshra.s32 s28, $0x2;
	[sflag:s21] =	ssyncset.done $0x0  }
0x60: {  	s29 =	sadd.s32 $0x1400, s28;
	[sflag:s21] =	ssyncadd.s32 $0xFFFFC000  }
0x61: {  	[spmem:s4] =	stream.indirect.scatter.add.f32 [tilespmem:s17], [sflag:$0x3], $0x80, s29, s19, $0xb8;
	[tilespmem:$0x1E400] =	vst v63  }
0x62: {  	_ =	swait.ge [sflag:s16], $0x4000  }
0x63: {  	[sflag:s16] =	ssyncset.done $0x0  }
0x64: {  	s29 =	sadd.s32 $0x100, s28;
	[sflag:s16] =	ssyncadd.s32 $0xFFFFC000  }
0x65: {  	[tilespmem:s17], [sflag:$0x1] =	stream.indirect.gather [hbm4b:s0+s19], $0x80, s29, s19, $0xb8;
	[tilespmem:$0x1E400] =	vst v63  }
0x66: {  	_ =	swait.ge [sflag:s22], $0x4000  }
0x67: {  	[sflag:s22] =	ssyncset.done $0x0  }
.Ltmp2:
0x68: {  	s29 =	sadd.s32 $0x1480, s28;
	[sflag:s22] =	ssyncadd.s32 $0xFFFFC000;
	(pc) =	sbr.rel @p0 .LBB2_6-.Ltmp2, $4  }
0x69: {  	[spmem:s4] =	stream.indirect.scatter.add.f32 [tilespmem:s20], [sflag:$0x3], $0x80, s29, s19, $0xb8;
	[tilespmem:$0x1E400] =	vst v63  }
0x6a: {  	_ =	swait.ge [sflag:s16], $0x4000  }
0x6b: {  	[sflag:s16] =	ssyncset.done $0x0  }
0x6c: {  	s28 =	sadd.s32 $0x180, s28;
	[sflag:s16] =	ssyncadd.s32 $0xFFFFC000  }
0x6d: {  	[tilespmem:s20], [sflag:$0x2] =	stream.indirect.gather [hbm4b:s0+s19], $0x80, s28, s19, $0xb8;
	[tilespmem:$0x1E400] =	vst v63  }
0x6e: {  	_ =	swait.ge [sflag:s21], $0x4000  }
0x6f: {  	[sflag:s21] =	ssyncset.done $0x0  }
0x70: {  	[sflag:s21] =	ssyncadd.s32 $0xFFFFC000  }
0x71: {  	[spmem:s4] =	stream.indirect.scatter.add.f32 [tilespmem:s17], [sflag:$0x3], $0x80, s23, s19, $0xb8;
	[tilespmem:$0x1E400] =	vst v63  }
0x72: {  	_ =	swait.ge [sflag:s16], $0x4000  }
0x73: {  	[sflag:s16] =	ssyncset.done $0x0  }
0x74: {  	[sflag:s16] =	ssyncadd.s32 $0xFFFFC000  }
0x75: {  	_ =	swait.ge [sflag:s22], $0x4000  }
0x76: {  	[sflag:s22] =	ssyncset.done $0x0  }
0x77: {  	[sflag:s22] =	ssyncadd.s32 $0xFFFFC000  }
0x78: {  	[spmem:s4] =	stream.indirect.scatter.add.f32 [tilespmem:s20], [sflag:$0x3], $0x80, s24, s19, $0xb8;
	[tilespmem:$0x1E400] =	vst v63  }
0x79: {  	_ =	swait.ge [sflag:s16], $0x4000  }
0x7a: {  	[sflag:s16] =	ssyncset.done $0x0  }
0x7b: {  	s26 =	simm.s32 $0x0;
	[sflag:s16] =	ssyncadd.s32 $0xFFFFC000  }
0x7c: {  	[tilespmem:s26], [sflag:$0x3] =	stream.linear.gather [hbm4b:s12+s26], $0x1400, $0x38;
	[tilespmem:$0x1E400] =	vst v63  }
0x7d: {  	_ =	swait.ge [sflag:s16], $0x1400  }
0x7e: {  	[sflag:s16] =	ssyncset.done $0x0  }
0x7f: {  	[sflag:s16] =	ssyncadd.s32 $0xFFFFEC00  }
0x80: {  	[tilespmem:s18], [sflag:$0x3] =	stream.linear.gather [hbm4b:s9+s26], $0x1400, $0x38;
	[tilespmem:$0x1E400] =	vst v63  }
0x81: {  	_ =	swait.ge [sflag:s16], $0x1400  }
0x82: {  	[sflag:s16] =	ssyncset.done $0x0  }
0x83: {  	[sflag:s16] =	ssyncadd.s32 $0xFFFFEC00  }
0x84: {  	[tilespmem:s17], [sflag:$0x1] =	stream.indirect.gather [hbm4b:s0+s19], $0x80, s26, s19, $0xb8;
	[tilespmem:$0x1E400] =	vst v63  }
0x85: {  	_ = 	snop  }
0x86: {  	[tilespmem:s20], [sflag:$0x2] =	stream.indirect.gather [hbm4b:s0+s19], $0x80, s19, s19, $0xb8;
	[tilespmem:$0x1E400] =	vst v63  }
0x87: {  	_ =	swait.ge [sflag:s21], $0x4000  }
0x88: {  	[sflag:s21] =	ssyncset.done $0x0  }
0x89: {  	s29 =	simm.s32 $0x1400;
	[sflag:s21] =	ssyncadd.s32 $0xFFFFC000  }
0x8a: {  	[spmem:s4] =	stream.indirect.scatter.add.f32 [tilespmem:s17], [sflag:$0x3], $0x80, s29, s19, $0xb8;
	[tilespmem:$0x1E400] =	vst v63  }
0x8b: {  	_ =	swait.ge [sflag:s16], $0x4000  }
0x8c: {  	[sflag:s16] =	ssyncset.done $0x0  }
0x8d: {  	s30 =	simm.s32 $0x100;
	[sflag:s16] =	ssyncadd.s32 $0xFFFFC000  }
0x8e: {  	[tilespmem:s17], [sflag:$0x1] =	stream.indirect.gather [hbm4b:s0+s19], $0x80, s30, s19, $0xb8;
	[tilespmem:$0x1E400] =	vst v63  }
0x8f: {  	_ =	swait.ge [sflag:s22], $0x4000  }
0x90: {  	[sflag:s22] =	ssyncset.done $0x0  }
0x91: {  	s31 =	simm.s32 $0x1480;
	[sflag:s22] =	ssyncadd.s32 $0xFFFFC000  }
0x92: {  	[spmem:s4] =	stream.indirect.scatter.add.f32 [tilespmem:s20], [sflag:$0x3], $0x80, s31, s19, $0xb8;
	[tilespmem:$0x1E400] =	vst v63  }
0x93: {  	_ =	swait.ge [sflag:s16], $0x4000  }
0x94: {  	[sflag:s16] =	ssyncset.done $0x0  }
0x95: {  	s28 =	simm.s32 $0x180;
	s26 =	simm.s32 $0x400;
	[sflag:s16] =	ssyncadd.s32 $0xFFFFC000  }
.LBB2_8:
0x96: {  	[tilespmem:s20], [sflag:$0x2] =	stream.indirect.gather [hbm4b:s0+s19], $0x80, s28, s19, $0xb8;
	[tilespmem:$0x1E400] =	vst v63  }
0x97: {  	s28 =	smov.u32 s26  }
0x98: {  	p0 =	sne.s32 s26, $0x4800;
	s26 =	sadd.s32 $0x400, s26;
	_ =	swait.ge [sflag:s21], $0x4000  }
0x99: {  	s28 =	sshra.s32 s28, $0x2;
	[sflag:s21] =	ssyncset.done $0x0  }
0x9a: {  	s29 =	sadd.s32 $0x1400, s28;
	[sflag:s21] =	ssyncadd.s32 $0xFFFFC000  }
0x9b: {  	[spmem:s4] =	stream.indirect.scatter.add.f32 [tilespmem:s17], [sflag:$0x3], $0x80, s29, s19, $0xb8;
	[tilespmem:$0x1E400] =	vst v63  }
0x9c: {  	_ =	swait.ge [sflag:s16], $0x4000  }
0x9d: {  	[sflag:s16] =	ssyncset.done $0x0  }
0x9e: {  	s29 =	sadd.s32 $0x100, s28;
	[sflag:s16] =	ssyncadd.s32 $0xFFFFC000  }
0x9f: {  	[tilespmem:s17], [sflag:$0x1] =	stream.indirect.gather [hbm4b:s0+s19], $0x80, s29, s19, $0xb8;
	[tilespmem:$0x1E400] =	vst v63  }
0xa0: {  	_ =	swait.ge [sflag:s22], $0x4000  }
0xa1: {  	[sflag:s22] =	ssyncset.done $0x0  }
.Ltmp3:
0xa2: {  	s29 =	sadd.s32 $0x1480, s28;
	[sflag:s22] =	ssyncadd.s32 $0xFFFFC000;
	(pc) =	sbr.rel @p0 .LBB2_8-.Ltmp3, $4  }
0xa3: {  	[spmem:s4] =	stream.indirect.scatter.add.f32 [tilespmem:s20], [sflag:$0x3], $0x80, s29, s19, $0xb8;
	[tilespmem:$0x1E400] =	vst v63  }
0xa4: {  	_ =	swait.ge [sflag:s16], $0x4000  }
0xa5: {  	[sflag:s16] =	ssyncset.done $0x0  }
0xa6: {  	s28 =	sadd.s32 $0x180, s28;
	[sflag:s16] =	ssyncadd.s32 $0xFFFFC000  }
0xa7: {  	[tilespmem:s20], [sflag:$0x2] =	stream.indirect.gather [hbm4b:s0+s19], $0x80, s28, s19, $0xb8;
	[tilespmem:$0x1E400] =	vst v63  }
0xa8: {  	_ =	swait.ge [sflag:s21], $0x4000  }
0xa9: {  	[sflag:s21] =	ssyncset.done $0x0  }
0xaa: {  	[sflag:s21] =	ssyncadd.s32 $0xFFFFC000  }
0xab: {  	[spmem:s4] =	stream.indirect.scatter.add.f32 [tilespmem:s17], [sflag:$0x3], $0x80, s23, s19, $0xb8;
	[tilespmem:$0x1E400] =	vst v63  }
0xac: {  	_ =	swait.ge [sflag:s16], $0x4000  }
0xad: {  	[sflag:s16] =	ssyncset.done $0x0  }
0xae: {  	[sflag:s16] =	ssyncadd.s32 $0xFFFFC000  }
0xaf: {  	_ =	swait.ge [sflag:s22], $0x4000  }
0xb0: {  	[sflag:s22] =	ssyncset.done $0x0  }
0xb1: {  	[sflag:s22] =	ssyncadd.s32 $0xFFFFC000  }
0xb2: {  	[spmem:s4] =	stream.indirect.scatter.add.f32 [tilespmem:s20], [sflag:$0x3], $0x80, s24, s19, $0xb8;
	[tilespmem:$0x1E400] =	vst v63  }
0xb3: {  	_ =	swait.ge [sflag:s16], $0x4000  }
0xb4: {  	s25 =	sadd.s32 $0x1, s25;
	[sflag:s16] =	ssyncset.done $0x0  }
0xb5: {  	p0 =	sne.s32 s25, s14;
	[sflag:s16] =	ssyncadd.s32 $0xFFFFC000  }
.Ltmp4:
0xb6: {  	[bflag:$0x0] =	sbarrier.arrive $0xFFFF;
	(pc) =	sbr.rel @p0 .LBB2_1-.Ltmp4, $4  }
0xb7: {  	[hbm:s13], [sflag:s7] =	dma.local [spmem:s15], $0x2780  }
0xb8: {  	_ =	swait.ge [sflag:s16], $0x2780  }
0xb9: {  	[sflag:s16] =	ssyncset.done $0x0  }
0xba: {  	[sflag:s16] =	ssyncadd.s32 $0xFFFFD880  }
0xbb: {  	_ =	sfence.sel $0x180000  }
0xbc: {  	[bflag:$0x0] =	sbarrier.arrive $0xFFFF  }
0xbd: {  	p0 =	sne.s32 s2, $0x0;
	_ =	strace $0x90000047  }
0xbe: {  	s0 =	sadd.s32 @!p0 $0x100000, s1;
	[bflag:$0x2] =	sbarrier.arrive $0xFFFF  }
0xbf: {  	[sflag:s0] =	ssyncadd.tile.s32 @!p0 $0x1;
	_ =	shalt  }
.Lfunc_end2:
_tile_overlayer_lowered:
.L_overlay_start_2:
0xc0: {  	(tag) =	ssettag $0x2  }
0xc1: {  	s0 =	rddreg [dreg:$0x0];
	s2 =	stileid.u32  }
0xc2: {  	s1 =	rddreg [dreg:$0x1];
	p0 =	sne.s32 s2, $0x0  }
0xc3: {  	s3 =	rddreg [dreg:$0x2];
	[bflag:$0x3] =	sbarrier.arrive $0xFFFF;
	s2 =	simm.s32 @!p0 $0x1C03  }
0xc4: {  	[timem:s3], [sflag:s2] =	dma.local @!p0 [hbm:s0], s1  }
0xc5: {  	s0 =	simm.s32 @!p0 $0x3  }
0xc6: {  	_ =	swait.ge @!p0 [sflag:s0], s1  }
0xc7: {  	s1 =	ssub.s32 @!p0 $0x0, s1;
	[sflag:s0] =	ssyncset.done @!p0 $0x0  }
0xc8: {  	[sflag:s0] =	ssyncadd.s32 @!p0 s1  }
0xc9: {  	[bflag:$0x3] =	sbarrier.arrive $0xFFFF  }
0xca: {  	_ =	shalt  }

</sc_bundles>
